<compile_context>
chip_gen: v7x
topology: tpu7x:2x2x1
jax: 0.10.2.dev20260603
libtpu: 0.0.44.dev20260713+nightly
codegen_flags: <defaults>
</compile_context>

<pallas_src>
import dataclasses
import functools

import jax
import jax.numpy as jnp
from jax import lax
from jax.experimental import pallas as pl
from jax.experimental.pallas import tpu as pltpu
from jax.experimental.pallas import tpu_sc as plsc

N = 10000
E = 320000
IN_CH = 128
HID = 8
HEADS = 8
OUT_CH = 16

NC = 2
NS = 16
LANES = 16

EB = 128
NW = NC * NS
E_TOT = E + N
BLOCKS_PER_W = 82
E_PAD = BLOCKS_PER_W * NW * EB
ROWS_PER_SUB = 632
NP = ROWS_PER_SUB * NS
DUMMY = N

_vmesh = plsc.VectorSubcoreMesh(
    core_axis_name="c", subcore_axis_name="s", num_cores=NC, num_subcores=NS)

_sc_params = pltpu.CompilerParams(use_tc_tiling_on_sc=False)
if "needs_layout_passes" in pltpu.CompilerParams.__dataclass_fields__:
    _sc_params = dataclasses.replace(_sc_params, needs_layout_passes=False)


def _make_sc_edge(wp, wa, npairs, expand, name):

    @functools.partial(
        pl.kernel,
        out_type=jax.ShapeDtypeStruct((NC, NP, wp), jnp.float32),
        mesh=_vmesh,
        scratch_types=[
            pltpu.VMEM((BLOCKS_PER_W, EB), jnp.int32),
            pltpu.VMEM((BLOCKS_PER_W, EB), jnp.int32),
            pltpu.VMEM((EB, wp), jnp.float32),
            pltpu.VMEM((EB, wa), jnp.float32),
            pltpu.VMEM((EB, wp), jnp.float32),
            pltpu.VMEM((EB, wa), jnp.float32),
            pltpu.VMEM((EB, wp), jnp.float32),
            pltpu.VMEM((EB, wp), jnp.float32),
            pltpu.VMEM_SHARED((NP, wp), jnp.float32),
            pltpu.SemaphoreType.DMA,
            pltpu.SemaphoreType.DMA,
        ],
        compiler_params=_sc_params,
        name=name,
    )
    def sc_edge(src_h, dst_h, p_h, a_h, out_h,
                src_i, dst_i, prow0, arow0, prow1, arow1, pay0, pay1,
                accum, sem0, sem1):
        cid = lax.axis_index("c")
        sid = lax.axis_index("s")
        wid = cid * NS + sid

        @pl.loop(0, EB)
        def _(r):
            for k in range(wp // LANES):
                prow0[r, pl.ds(k * LANES, LANES)] = jnp.zeros((LANES,),
                                                              jnp.float32)

        base_row = sid * ROWS_PER_SUB
        for off, nrows in ((0, 128), (128, 128), (256, 128), (384, 128),
                           (512, 120)):
            pltpu.sync_copy(prow0.at[pl.ds(0, nrows)],
                            accum.at[pl.ds(base_row + off, nrows)])
        plsc.subcore_barrier()

        pltpu.sync_copy(src_h.at[pl.ds(wid * BLOCKS_PER_W, BLOCKS_PER_W)],
                        src_i)
        pltpu.sync_copy(dst_h.at[pl.ds(wid * BLOCKS_PER_W, BLOCKS_PER_W)],
                        dst_i)

        score_off = npairs * LANES
        lane = lax.iota(jnp.int32, LANES) // 8
        lanes = [lane + 2 * p for p in range(npairs)]

        def compute(prow, arow, pay):
            @plsc.parallel_loop(0, EB, unroll=8)
            def _(e):
                s = (prow[e, pl.ds(score_off, LANES)]
                     + arow[e, pl.ds(0, LANES)])
                s = jnp.maximum(s, 0.2 * s)
                w = jnp.exp(s)
                pay[e, pl.ds(score_off, LANES)] = w
                if expand:
                    for p in range(npairs):
                        wexp = plsc.load_gather(
                            pay.at[e], [lanes[p] + score_off])
                        pay[e, pl.ds(p * LANES, LANES)] = (
                            prow[e, pl.ds(p * LANES, LANES)] * wexp)
                else:
                    for p in range(npairs):
                        pay[e, pl.ds(p * LANES, LANES)] = (
                            prow[e, pl.ds(p * LANES, LANES)] * w)

        def gather_start(b, prow, arow, sem):
            pltpu.async_copy(p_h.at[src_i.at[b]], prow, sem)
            pltpu.async_copy(a_h.at[dst_i.at[b]], arow, sem)

        def gather_wait(b, prow, arow, sem):
            pltpu.make_async_copy(p_h.at[src_i.at[b]], prow, sem).wait()
            pltpu.make_async_copy(a_h.at[dst_i.at[b]], arow, sem).wait()

        def halfstep(b, prow, arow, pay, sem):
            gather_wait(b, prow, arow, sem)
            compute(prow, arow, pay)
            pltpu.sync_copy(pay, accum.at[dst_i.at[b]], add=True)
            gather_start(jnp.minimum(b + 2, BLOCKS_PER_W - 1), prow, arow,
                         sem)

        gather_start(0, prow0, arow0, sem0)
        gather_start(1, prow1, arow1, sem1)

        @pl.loop(0, BLOCKS_PER_W, step=2)
        def _(b):
            halfstep(b, prow0, arow0, pay0, sem0)
            halfstep(b + 1, prow1, arow1, pay1, sem1)

        gather_wait(0, prow0, arow0, sem0)
        gather_wait(1, prow1, arow1, sem1)

        plsc.subcore_barrier()
        pltpu.sync_copy(accum.at[pl.ds(base_row, ROWS_PER_SUB)],
                        out_h.at[cid, pl.ds(base_row, ROWS_PER_SUB)])

    return sc_edge


_sc_edge_l1 = _make_sc_edge(wp=80, wa=16, npairs=4, expand=True,
                            name="sc_gat_edges_l1")
_sc_edge_l2 = _make_sc_edge(wp=32, wa=16, npairs=1, expand=False,
                            name="sc_gat_edges_l2")



_RB = 1000
_GRID = N // _RB


def _tc1_body(x_ref, w_ref, asr_ref, adr_ref, p_ref, a_ref):
    h = jnp.dot(x_ref[...], w_ref[...], preferred_element_type=jnp.float32)
    hr = h.reshape(_RB, HEADS, HID)
    asrc = (hr * asr_ref[...][None]).sum(-1)
    adst = (hr * adr_ref[...][None]).sum(-1)
    zero8 = jnp.zeros((_RB, 8), jnp.float32)
    p_ref[...] = jnp.concatenate([h, asrc, zero8], axis=1)
    a_ref[...] = jnp.concatenate([adst, zero8], axis=1)


def _tc1(x, W1, as1, ad1):
    return pl.pallas_call(
        _tc1_body,
        grid=(_GRID,),
        in_specs=[
            pl.BlockSpec((_RB, IN_CH), lambda i: (i, 0)),
            pl.BlockSpec((IN_CH, HEADS * HID), lambda i: (0, 0)),
            pl.BlockSpec((HEADS, HID), lambda i: (0, 0)),
            pl.BlockSpec((HEADS, HID), lambda i: (0, 0)),
        ],
        out_specs=[
            pl.BlockSpec((_RB, 80), lambda i: (i, 0)),
            pl.BlockSpec((_RB, 16), lambda i: (i, 0)),
        ],
        out_shape=[
            jax.ShapeDtypeStruct((N, 80), jnp.float32),
            jax.ShapeDtypeStruct((N, 16), jnp.float32),
        ],
        name="tc_gat_dense1",
    )(x, W1, as1, ad1)


def _tc2_body(acc_ref, b1_ref, w2_ref, as2_ref, ad2_ref, p_ref, a_ref):
    acc = acc_ref[0] + acc_ref[1]
    den = acc[:, 64:72]
    msg = acc[:, 0:64].reshape(_RB, HEADS, HID)
    o1 = msg / (den[:, :, None] + 1e-16)
    z = o1.reshape(_RB, HEADS * HID) + b1_ref[...][None]
    act = jnp.where(z > 0, z, jnp.exp(jnp.minimum(z, 0.0)) - 1.0)
    h2 = jnp.dot(act, w2_ref[...], preferred_element_type=jnp.float32)
    asrc2 = (h2 * as2_ref[...]).sum(-1, keepdims=True)
    adst2 = (h2 * ad2_ref[...]).sum(-1, keepdims=True)
    p_ref[...] = jnp.concatenate(
        [h2, jnp.broadcast_to(asrc2, (_RB, 16))], axis=1)
    a_ref[...] = jnp.broadcast_to(adst2, (_RB, 16))


def _tc2(acc1, b1, W2, as2, ad2):
    return pl.pallas_call(
        _tc2_body,
        grid=(_GRID,),
        in_specs=[
            pl.BlockSpec((2, _RB, 80), lambda i: (0, i, 0)),
            pl.BlockSpec((HEADS * HID,), lambda i: (0,)),
            pl.BlockSpec((HEADS * HID, OUT_CH), lambda i: (0, 0)),
            pl.BlockSpec((1, OUT_CH), lambda i: (0, 0)),
            pl.BlockSpec((1, OUT_CH), lambda i: (0, 0)),
        ],
        out_specs=[
            pl.BlockSpec((_RB, 32), lambda i: (i, 0)),
            pl.BlockSpec((_RB, 16), lambda i: (i, 0)),
        ],
        out_shape=[
            jax.ShapeDtypeStruct((N, 32), jnp.float32),
            jax.ShapeDtypeStruct((N, 16), jnp.float32),
        ],
        name="tc_gat_dense2",
    )(acc1, b1, W2, as2, ad2)


def _tc3_body(acc_ref, b2_ref, o_ref):
    acc = acc_ref[0] + acc_ref[1]
    den = acc[:, 16:17]
    o = acc[:, 0:16] / (den + 1e-16) + b2_ref[...][None]
    m = o.max(axis=1, keepdims=True)
    s = o - m
    o_ref[...] = s - jnp.log(jnp.sum(jnp.exp(s), axis=1, keepdims=True))


def _tc3(acc2, b2):
    return pl.pallas_call(
        _tc3_body,
        grid=(_GRID,),
        in_specs=[
            pl.BlockSpec((2, _RB, 32), lambda i: (0, i, 0)),
            pl.BlockSpec((OUT_CH,), lambda i: (0,)),
        ],
        out_specs=pl.BlockSpec((_RB, 16), lambda i: (i, 0)),
        out_shape=jax.ShapeDtypeStruct((N, OUT_CH), jnp.float32),
        name="tc_gat_out",
    )(acc2, b2)


@jax.jit
def kernel(x, edge_index, W1, att_src1, att_dst1, bias1,
           W2, att_src2, att_dst2, bias2):
    loop = jnp.arange(N, dtype=jnp.int32)
    npad = E_PAD - E_TOT
    src = jnp.concatenate([edge_index[0].astype(jnp.int32), loop,
                           jnp.zeros((npad,), jnp.int32)])
    pad_dst = DUMMY + (jnp.arange(npad, dtype=jnp.int32) % (NP - N))
    dst = jnp.concatenate([edge_index[1].astype(jnp.int32), loop, pad_dst])
    src = src.reshape(NW * BLOCKS_PER_W, EB)
    dst = dst.reshape(NW * BLOCKS_PER_W, EB)

    P1, A1 = _tc1(x, W1, att_src1, att_dst1)
    acc1 = _sc_edge_l1(src, dst, P1, A1)
    P2, A2 = _tc2(acc1, bias1, W2, att_src2, att_dst2)
    acc2 = _sc_edge_l2(src, dst, P2, A2)
    return _tc3(acc2, bias2)

# --- scband reference (transcript-rebuilt; emitter-appended) ---
"""Pipeline reference for scband-gatnet-15942918603215 (READ-ONLY COPY).

The authoritative reference and input builder live on the scoring server;
editing this copy changes nothing except your own understanding.
"""

import jax, jax.numpy as jnp
import numpy as np

N = 10000
E = 320000
IN_CH = 128
HID = 8
HEADS = 8
OUT_CH = 16
OUT_HEADS = 1


def setup_inputs(seed: int = 0) -> dict:
    key = jax.random.key(seed)
    ks = jax.random.split(key, 11)
    x = jax.random.normal(ks[0], (N, IN_CH), dtype=jnp.float32)
    edge_index = jax.random.randint(ks[1], (2, E), 0, N)
    W1 = jax.random.normal(ks[2], (IN_CH, HEADS * HID), dtype=jnp.float32) * 0.1
    att_src1 = jax.random.normal(ks[3], (HEADS, HID), dtype=jnp.float32) * 0.1
    att_dst1 = jax.random.normal(ks[4], (HEADS, HID), dtype=jnp.float32) * 0.1
    bias1 = jax.random.normal(ks[5], (HEADS * HID,), dtype=jnp.float32) * 0.01
    W2 = jax.random.normal(ks[6], (HEADS * HID, OUT_HEADS * OUT_CH), dtype=jnp.float32) * 0.1
    att_src2 = jax.random.normal(ks[7], (OUT_HEADS, OUT_CH), dtype=jnp.float32) * 0.1
    att_dst2 = jax.random.normal(ks[8], (OUT_HEADS, OUT_CH), dtype=jnp.float32) * 0.1
    bias2 = jax.random.normal(ks[9], (OUT_CH,), dtype=jnp.float32) * 0.01
    return {
        'x': x, 'edge_index': edge_index,
        'W1': W1, 'att_src1': att_src1, 'att_dst1': att_dst1, 'bias1': bias1,
        'W2': W2, 'att_src2': att_src2, 'att_dst2': att_dst2, 'bias2': bias2,
    }


def _gat_conv(x, src, dst, W, att_src, att_dst, bias, heads, ch, concat):
    # PyG-style GATConv (eval mode: attention dropout is identity).
    n = x.shape[0]
    h = (x @ W).reshape(n, heads, ch)
    a_src = (h * att_src[None, :, :]).sum(-1)  # [N, H]
    a_dst = (h * att_dst[None, :, :]).sum(-1)  # [N, H]
    alpha = a_src[src] + a_dst[dst]            # gather [E, H]
    alpha = jax.nn.leaky_relu(alpha, negative_slope=0.2)
    amax = jax.ops.segment_max(alpha, dst, num_segments=n)
    alpha = jnp.exp(alpha - amax[dst])
    denom = jax.ops.segment_sum(alpha, dst, num_segments=n)
    alpha = alpha / (denom[dst] + 1e-16)
    msgs = h[src] * alpha[:, :, None]          # gather + weight [E, H, C]
    out = jax.ops.segment_sum(msgs, dst, num_segments=n)  # scatter-add [N, H, C]
    if concat:
        out = out.reshape(n, heads * ch)
    else:
        out = out.mean(axis=1)
    return out + bias


def reference(x, edge_index, W1, att_src1, att_dst1, bias1, W2, att_src2, att_dst2, bias2):
    n = x.shape[0]
    # add self loops (PyG GATConv default add_self_loops=True)
    loop = jnp.arange(n, dtype=edge_index.dtype)
    src = jnp.concatenate([edge_index[0], loop])
    dst = jnp.concatenate([edge_index[1], loop])
    # eval mode: feature dropout p=0.6 is identity
    h = _gat_conv(x, src, dst, W1, att_src1, att_dst1, bias1, HEADS, HID, True)
    h = jax.nn.elu(h)
    h = _gat_conv(h, src, dst, W2, att_src2, att_dst2, bias2, OUT_HEADS, OUT_CH, False)
    return jax.nn.log_softmax(h, axis=1)

if __name__ == "__main__":
    import jax
    _d = setup_inputs()
    print(jax.jit(kernel)(*tuple(_d.values())))

</pallas_src>

<mosaic_0001>
#map = affine_map<(d0, d1) -> (0, 0)>
#map1 = affine_map<(d0, d1) -> (0, 0, 0)>
module attributes {stable_mosaic.version = 14 : i64} {
  func.func @sc_gat_edges_l1(%arg0: i32, %arg1: i32, %arg2: memref<2624x128xi32, #tpu.memory_space<hbm>>, %arg3: memref<2624x128xi32, #tpu.memory_space<hbm>>, %arg4: memref<10000x80xf32, #tpu.memory_space<hbm>>, %arg5: memref<10000x16xf32, #tpu.memory_space<hbm>>, %arg6: memref<2x10112x80xf32, #tpu.memory_space<hbm>>, %arg7: memref<82x128xi32, #tpu.memory_space<vmem>>, %arg8: memref<82x128xi32, #tpu.memory_space<vmem>>, %arg9: memref<128x80xf32, #tpu.memory_space<vmem>>, %arg10: memref<128x16xf32, #tpu.memory_space<vmem>>, %arg11: memref<128x80xf32, #tpu.memory_space<vmem>>, %arg12: memref<128x16xf32, #tpu.memory_space<vmem>>, %arg13: memref<128x80xf32, #tpu.memory_space<vmem>>, %arg14: memref<128x80xf32, #tpu.memory_space<vmem>>, %arg15: memref<10112x80xf32, #tpu.memory_space<vmem_shared>>, %arg16: memref<!tpu.dma_semaphore, #tpu.memory_space<semaphore_mem>>, %arg17: memref<!tpu.dma_semaphore, #tpu.memory_space<semaphore_mem>>) attributes {dimension_semantics = [#tpu.dimension_semantics<core_parallel>, #tpu.dimension_semantics<subcore_parallel>], iteration_bounds = array<i64: 2, 16>, scalar_prefetch = 0 : i64, scratch_operands = 11 : i64, tpu.core_type = #tpu.core_type<sc_vector_subcore>, window_params = [{transform_indices = #map}, {transform_indices = #map}, {transform_indices = #map}, {transform_indices = #map}, {transform_indices = #map1}]} {
    %mul3A = arith.constant 16 : i32
    %mul3A_0 = arith.muli %arg0, %mul3A : i32
    %add3A = arith.addi %mul3A_0, %arg1 : i32
    %scan3A = arith.constant 0 : i32
    %scan3A_1 = arith.constant 128 : i32
    %scan3A_2 = arith.addi %scan3A, %scan3A_1 : i32
    %scan3A_3 = arith.constant 1 : i32
    scf.for %scan3A_116 = %scan3A to %scan3A_2 step %scan3A_3  : i32 {
      %mul3A_117 = arith.constant 1 : i32
      %mul3A_118 = arith.muli %scan3A_116, %mul3A_117 : i32
      %add3A_119 = arith.constant 0 : i32
      %add3A_120 = arith.addi %add3A_119, %mul3A_118 : i32
      %broadcast_in_dim3A = arith.constant 0.000000e+00 : f32
      %broadcast_in_dim3A_121 = vector.broadcast %broadcast_in_dim3A : f32 to vector<16xf32>
      %swap3A = arith.index_cast %add3A_120 : i32 to index
      %swap3A_122 = arith.constant 0 : index
      %swap3A_123 = tpu.vector_load %arg9[%swap3A, %swap3A_122] {strides = array<i32>} : memref<128x80xf32, #tpu.memory_space<vmem>>, vector<16xf32>,
      tpu.vector_store %arg9[%swap3A, %swap3A_122], %broadcast_in_dim3A_121 {strides = array<i32>} : memref<128x80xf32, #tpu.memory_space<vmem>>, vector<16xf32>,
      %broadcast_in_dim3A_124 = arith.constant 0.000000e+00 : f32
      %broadcast_in_dim3A_125 = vector.broadcast %broadcast_in_dim3A_124 : f32 to vector<16xf32>
      %swap3A_126 = arith.index_cast %add3A_120 : i32 to index
      %swap3A_127 = arith.constant 16 : index
      %swap3A_128 = tpu.vector_load %arg9[%swap3A_126, %swap3A_127] {strides = array<i32>} : memref<128x80xf32, #tpu.memory_space<vmem>>, vector<16xf32>,
      tpu.vector_store %arg9[%swap3A_126, %swap3A_127], %broadcast_in_dim3A_125 {strides = array<i32>} : memref<128x80xf32, #tpu.memory_space<vmem>>, vector<16xf32>,
      %broadcast_in_dim3A_129 = arith.constant 0.000000e+00 : f32
      %broadcast_in_dim3A_130 = vector.broadcast %broadcast_in_dim3A_129 : f32 to vector<16xf32>
      %swap3A_131 = arith.index_cast %add3A_120 : i32 to index
      %swap3A_132 = arith.constant 32 : index
      %swap3A_133 = tpu.vector_load %arg9[%swap3A_131, %swap3A_132] {strides = array<i32>} : memref<128x80xf32, #tpu.memory_space<vmem>>, vector<16xf32>,
      tpu.vector_store %arg9[%swap3A_131, %swap3A_132], %broadcast_in_dim3A_130 {strides = array<i32>} : memref<128x80xf32, #tpu.memory_space<vmem>>, vector<16xf32>,
      %broadcast_in_dim3A_134 = arith.constant 0.000000e+00 : f32
      %broadcast_in_dim3A_135 = vector.broadcast %broadcast_in_dim3A_134 : f32 to vector<16xf32>
      %swap3A_136 = arith.index_cast %add3A_120 : i32 to index
      %swap3A_137 = arith.constant 48 : index
      %swap3A_138 = tpu.vector_load %arg9[%swap3A_136, %swap3A_137] {strides = array<i32>} : memref<128x80xf32, #tpu.memory_space<vmem>>, vector<16xf32>,
      tpu.vector_store %arg9[%swap3A_136, %swap3A_137], %broadcast_in_dim3A_135 {strides = array<i32>} : memref<128x80xf32, #tpu.memory_space<vmem>>, vector<16xf32>,
      %broadcast_in_dim3A_139 = arith.constant 0.000000e+00 : f32
      %broadcast_in_dim3A_140 = vector.broadcast %broadcast_in_dim3A_139 : f32 to vector<16xf32>
      %swap3A_141 = arith.index_cast %add3A_120 : i32 to index
      %swap3A_142 = arith.constant 64 : index
      %swap3A_143 = tpu.vector_load %arg9[%swap3A_141, %swap3A_142] {strides = array<i32>} : memref<128x80xf32, #tpu.memory_space<vmem>>, vector<16xf32>,
      tpu.vector_store %arg9[%swap3A_141, %swap3A_142], %broadcast_in_dim3A_140 {strides = array<i32>} : memref<128x80xf32, #tpu.memory_space<vmem>>, vector<16xf32>,
    }
    %scan3A_4 = arith.constant 128 : i32
    %mul3A_5 = arith.constant 632 : i32
    %mul3A_6 = arith.muli %arg1, %mul3A_5 : i32
    %add3A_7 = arith.constant 0 : i32
    %add3A_8 = arith.addi %mul3A_6, %add3A_7 : i32
    "tpu.region"() ({
      %run_scoped3A = tpu.sem_alloc : memref<!tpu.dma_semaphore, #tpu.memory_space<semaphore_mem>>
      %dma_start3A_116 = arith.constant 0 : i32
      %dma_start3A_117 = arith.constant 0 : i32
      %dma_start3A_118 = tpu.memref_slice %arg9[%dma_start3A_116, %dma_start3A_117] : memref<128x80xf32, #tpu.memory_space<vmem>> -> memref<128x80xf32, #tpu.memory_space<vmem>>
      %dma_start3A_119 = arith.constant 0 : i32
      %dma_start3A_120 = tpu.memref_slice %arg15[%add3A_8, %dma_start3A_119] : memref<10112x80xf32, #tpu.memory_space<vmem_shared>> -> memref<128x80xf32, #tpu.memory_space<vmem_shared>>
      %dma_start3A_121 = arith.constant 0 : i32
      %dma_start3A_122 = tpu.memref_slice %arg15[%add3A_8, %dma_start3A_121] : memref<10112x80xf32, #tpu.memory_space<vmem_shared>> -> memref<128x80xf32, #tpu.memory_space<vmem_shared>>
      %dma_start3A_123 = arith.constant 0 : i32
      %dma_start3A_124 = arith.constant 0 : i32
      %dma_start3A_125 = tpu.memref_slice %arg9[%dma_start3A_123, %dma_start3A_124] : memref<128x80xf32, #tpu.memory_space<vmem>> -> memref<128x80xf32, #tpu.memory_space<vmem>>
      tpu.enqueue_dma source(%dma_start3A_125 : memref<128x80xf32, #tpu.memory_space<vmem>>) target(%dma_start3A_122 : memref<128x80xf32, #tpu.memory_space<vmem_shared>>) target_semaphore(%run_scoped3A : memref<!tpu.dma_semaphore, #tpu.memory_space<semaphore_mem>>)
      %dma_wait3A_126 = arith.constant 0 : i32
      %dma_wait3A_127 = arith.constant 0 : i32
      %dma_wait3A_128 = tpu.memref_slice %arg9[%dma_wait3A_126, %dma_wait3A_127] : memref<128x80xf32, #tpu.memory_space<vmem>> -> memref<128x80xf32, #tpu.memory_space<vmem>>
      %dma_wait3A_129 = arith.constant 0 : i32
      %dma_wait3A_130 = tpu.memref_slice %arg15[%add3A_8, %dma_wait3A_129] : memref<10112x80xf32, #tpu.memory_space<vmem_shared>> -> memref<128x80xf32, #tpu.memory_space<vmem_shared>>
      %dma_wait3A_131 = arith.constant 0 : i32
      %dma_wait3A_132 = tpu.memref_slice %arg15[%add3A_8, %dma_wait3A_131] : memref<10112x80xf32, #tpu.memory_space<vmem_shared>> -> memref<128x80xf32, #tpu.memory_space<vmem_shared>>
      %dma_wait3A_133 = arith.constant 0 : i32
      %dma_wait3A_134 = arith.constant 0 : i32
      %dma_wait3A_135 = tpu.memref_slice %arg9[%dma_wait3A_133, %dma_wait3A_134] : memref<128x80xf32, #tpu.memory_space<vmem>> -> memref<128x80xf32, #tpu.memory_space<vmem>>
      tpu.wait_dma2 semaphore(%run_scoped3A : memref<!tpu.dma_semaphore, #tpu.memory_space<semaphore_mem>>) src(%dma_wait3A_135 : memref<128x80xf32, #tpu.memory_space<vmem>>) dst(%dma_wait3A_132 : memref<128x80xf32, #tpu.memory_space<vmem_shared>>)
      tpu.yield
    }) : () -> ()
    %add3A_9 = arith.constant 128 : i32
    %add3A_10 = arith.addi %mul3A_6, %add3A_9 : i32
    "tpu.region"() ({
      %run_scoped3A = tpu.sem_alloc : memref<!tpu.dma_semaphore, #tpu.memory_space<semaphore_mem>>
      %dma_start3A_116 = arith.constant 0 : i32
      %dma_start3A_117 = arith.constant 0 : i32
      %dma_start3A_118 = tpu.memref_slice %arg9[%dma_start3A_116, %dma_start3A_117] : memref<128x80xf32, #tpu.memory_space<vmem>> -> memref<128x80xf32, #tpu.memory_space<vmem>>
      %dma_start3A_119 = arith.constant 0 : i32
      %dma_start3A_120 = tpu.memref_slice %arg15[%add3A_10, %dma_start3A_119] : memref<10112x80xf32, #tpu.memory_space<vmem_shared>> -> memref<128x80xf32, #tpu.memory_space<vmem_shared>>
      %dma_start3A_121 = arith.constant 0 : i32
      %dma_start3A_122 = tpu.memref_slice %arg15[%add3A_10, %dma_start3A_121] : memref<10112x80xf32, #tpu.memory_space<vmem_shared>> -> memref<128x80xf32, #tpu.memory_space<vmem_shared>>
      %dma_start3A_123 = arith.constant 0 : i32
      %dma_start3A_124 = arith.constant 0 : i32
      %dma_start3A_125 = tpu.memref_slice %arg9[%dma_start3A_123, %dma_start3A_124] : memref<128x80xf32, #tpu.memory_space<vmem>> -> memref<128x80xf32, #tpu.memory_space<vmem>>
      tpu.enqueue_dma source(%dma_start3A_125 : memref<128x80xf32, #tpu.memory_space<vmem>>) target(%dma_start3A_122 : memref<128x80xf32, #tpu.memory_space<vmem_shared>>) target_semaphore(%run_scoped3A : memref<!tpu.dma_semaphore, #tpu.memory_space<semaphore_mem>>)
      %dma_wait3A_126 = arith.constant 0 : i32
      %dma_wait3A_127 = arith.constant 0 : i32
      %dma_wait3A_128 = tpu.memref_slice %arg9[%dma_wait3A_126, %dma_wait3A_127] : memref<128x80xf32, #tpu.memory_space<vmem>> -> memref<128x80xf32, #tpu.memory_space<vmem>>
      %dma_wait3A_129 = arith.constant 0 : i32
      %dma_wait3A_130 = tpu.memref_slice %arg15[%add3A_10, %dma_wait3A_129] : memref<10112x80xf32, #tpu.memory_space<vmem_shared>> -> memref<128x80xf32, #tpu.memory_space<vmem_shared>>
      %dma_wait3A_131 = arith.constant 0 : i32
      %dma_wait3A_132 = tpu.memref_slice %arg15[%add3A_10, %dma_wait3A_131] : memref<10112x80xf32, #tpu.memory_space<vmem_shared>> -> memref<128x80xf32, #tpu.memory_space<vmem_shared>>
      %dma_wait3A_133 = arith.constant 0 : i32
      %dma_wait3A_134 = arith.constant 0 : i32
      %dma_wait3A_135 = tpu.memref_slice %arg9[%dma_wait3A_133, %dma_wait3A_134] : memref<128x80xf32, #tpu.memory_space<vmem>> -> memref<128x80xf32, #tpu.memory_space<vmem>>
      tpu.wait_dma2 semaphore(%run_scoped3A : memref<!tpu.dma_semaphore, #tpu.memory_space<semaphore_mem>>) src(%dma_wait3A_135 : memref<128x80xf32, #tpu.memory_space<vmem>>) dst(%dma_wait3A_132 : memref<128x80xf32, #tpu.memory_space<vmem_shared>>)
      tpu.yield
    }) : () -> ()
    %add3A_11 = arith.constant 256 : i32
    %add3A_12 = arith.addi %mul3A_6, %add3A_11 : i32
    "tpu.region"() ({
      %run_scoped3A = tpu.sem_alloc : memref<!tpu.dma_semaphore, #tpu.memory_space<semaphore_mem>>
      %dma_start3A_116 = arith.constant 0 : i32
      %dma_start3A_117 = arith.constant 0 : i32
      %dma_start3A_118 = tpu.memref_slice %arg9[%dma_start3A_116, %dma_start3A_117] : memref<128x80xf32, #tpu.memory_space<vmem>> -> memref<128x80xf32, #tpu.memory_space<vmem>>
      %dma_start3A_119 = arith.constant 0 : i32
      %dma_start3A_120 = tpu.memref_slice %arg15[%add3A_12, %dma_start3A_119] : memref<10112x80xf32, #tpu.memory_space<vmem_shared>> -> memref<128x80xf32, #tpu.memory_space<vmem_shared>>
      %dma_start3A_121 = arith.constant 0 : i32
      %dma_start3A_122 = tpu.memref_slice %arg15[%add3A_12, %dma_start3A_121] : memref<10112x80xf32, #tpu.memory_space<vmem_shared>> -> memref<128x80xf32, #tpu.memory_space<vmem_shared>>
      %dma_start3A_123 = arith.constant 0 : i32
      %dma_start3A_124 = arith.constant 0 : i32
      %dma_start3A_125 = tpu.memref_slice %arg9[%dma_start3A_123, %dma_start3A_124] : memref<128x80xf32, #tpu.memory_space<vmem>> -> memref<128x80xf32, #tpu.memory_space<vmem>>
      tpu.enqueue_dma source(%dma_start3A_125 : memref<128x80xf32, #tpu.memory_space<vmem>>) target(%dma_start3A_122 : memref<128x80xf32, #tpu.memory_space<vmem_shared>>) target_semaphore(%run_scoped3A : memref<!tpu.dma_semaphore, #tpu.memory_space<semaphore_mem>>)
      %dma_wait3A_126 = arith.constant 0 : i32
      %dma_wait3A_127 = arith.constant 0 : i32
      %dma_wait3A_128 = tpu.memref_slice %arg9[%dma_wait3A_126, %dma_wait3A_127] : memref<128x80xf32, #tpu.memory_space<vmem>> -> memref<128x80xf32, #tpu.memory_space<vmem>>
      %dma_wait3A_129 = arith.constant 0 : i32
      %dma_wait3A_130 = tpu.memref_slice %arg15[%add3A_12, %dma_wait3A_129] : memref<10112x80xf32, #tpu.memory_space<vmem_shared>> -> memref<128x80xf32, #tpu.memory_space<vmem_shared>>
      %dma_wait3A_131 = arith.constant 0 : i32
      %dma_wait3A_132 = tpu.memref_slice %arg15[%add3A_12, %dma_wait3A_131] : memref<10112x80xf32, #tpu.memory_space<vmem_shared>> -> memref<128x80xf32, #tpu.memory_space<vmem_shared>>
      %dma_wait3A_133 = arith.constant 0 : i32
      %dma_wait3A_134 = arith.constant 0 : i32
      %dma_wait3A_135 = tpu.memref_slice %arg9[%dma_wait3A_133, %dma_wait3A_134] : memref<128x80xf32, #tpu.memory_space<vmem>> -> memref<128x80xf32, #tpu.memory_space<vmem>>
      tpu.wait_dma2 semaphore(%run_scoped3A : memref<!tpu.dma_semaphore, #tpu.memory_space<semaphore_mem>>) src(%dma_wait3A_135 : memref<128x80xf32, #tpu.memory_space<vmem>>) dst(%dma_wait3A_132 : memref<128x80xf32, #tpu.memory_space<vmem_shared>>)
      tpu.yield
    }) : () -> ()
    %add3A_13 = arith.constant 384 : i32
    %add3A_14 = arith.addi %mul3A_6, %add3A_13 : i32
    "tpu.region"() ({
      %run_scoped3A = tpu.sem_alloc : memref<!tpu.dma_semaphore, #tpu.memory_space<semaphore_mem>>
      %dma_start3A_116 = arith.constant 0 : i32
      %dma_start3A_117 = arith.constant 0 : i32
      %dma_start3A_118 = tpu.memref_slice %arg9[%dma_start3A_116, %dma_start3A_117] : memref<128x80xf32, #tpu.memory_space<vmem>> -> memref<128x80xf32, #tpu.memory_space<vmem>>
      %dma_start3A_119 = arith.constant 0 : i32
      %dma_start3A_120 = tpu.memref_slice %arg15[%add3A_14, %dma_start3A_119] : memref<10112x80xf32, #tpu.memory_space<vmem_shared>> -> memref<128x80xf32, #tpu.memory_space<vmem_shared>>
      %dma_start3A_121 = arith.constant 0 : i32
      %dma_start3A_122 = tpu.memref_slice %arg15[%add3A_14, %dma_start3A_121] : memref<10112x80xf32, #tpu.memory_space<vmem_shared>> -> memref<128x80xf32, #tpu.memory_space<vmem_shared>>
      %dma_start3A_123 = arith.constant 0 : i32
      %dma_start3A_124 = arith.constant 0 : i32
      %dma_start3A_125 = tpu.memref_slice %arg9[%dma_start3A_123, %dma_start3A_124] : memref<128x80xf32, #tpu.memory_space<vmem>> -> memref<128x80xf32, #tpu.memory_space<vmem>>
      tpu.enqueue_dma source(%dma_start3A_125 : memref<128x80xf32, #tpu.memory_space<vmem>>) target(%dma_start3A_122 : memref<128x80xf32, #tpu.memory_space<vmem_shared>>) target_semaphore(%run_scoped3A : memref<!tpu.dma_semaphore, #tpu.memory_space<semaphore_mem>>)
      %dma_wait3A_126 = arith.constant 0 : i32
      %dma_wait3A_127 = arith.constant 0 : i32
      %dma_wait3A_128 = tpu.memref_slice %arg9[%dma_wait3A_126, %dma_wait3A_127] : memref<128x80xf32, #tpu.memory_space<vmem>> -> memref<128x80xf32, #tpu.memory_space<vmem>>
      %dma_wait3A_129 = arith.constant 0 : i32
      %dma_wait3A_130 = tpu.memref_slice %arg15[%add3A_14, %dma_wait3A_129] : memref<10112x80xf32, #tpu.memory_space<vmem_shared>> -> memref<128x80xf32, #tpu.memory_space<vmem_shared>>
      %dma_wait3A_131 = arith.constant 0 : i32
      %dma_wait3A_132 = tpu.memref_slice %arg15[%add3A_14, %dma_wait3A_131] : memref<10112x80xf32, #tpu.memory_space<vmem_shared>> -> memref<128x80xf32, #tpu.memory_space<vmem_shared>>
      %dma_wait3A_133 = arith.constant 0 : i32
      %dma_wait3A_134 = arith.constant 0 : i32
      %dma_wait3A_135 = tpu.memref_slice %arg9[%dma_wait3A_133, %dma_wait3A_134] : memref<128x80xf32, #tpu.memory_space<vmem>> -> memref<128x80xf32, #tpu.memory_space<vmem>>
      tpu.wait_dma2 semaphore(%run_scoped3A : memref<!tpu.dma_semaphore, #tpu.memory_space<semaphore_mem>>) src(%dma_wait3A_135 : memref<128x80xf32, #tpu.memory_space<vmem>>) dst(%dma_wait3A_132 : memref<128x80xf32, #tpu.memory_space<vmem_shared>>)
      tpu.yield
    }) : () -> ()
    %add3A_15 = arith.constant 512 : i32
    %add3A_16 = arith.addi %mul3A_6, %add3A_15 : i32
    "tpu.region"() ({
      %run_scoped3A = tpu.sem_alloc : memref<!tpu.dma_semaphore, #tpu.memory_space<semaphore_mem>>
      %dma_start3A_116 = arith.constant 0 : i32
      %dma_start3A_117 = arith.constant 0 : i32
      %dma_start3A_118 = tpu.memref_slice %arg9[%dma_start3A_116, %dma_start3A_117] : memref<128x80xf32, #tpu.memory_space<vmem>> -> memref<120x80xf32, #tpu.memory_space<vmem>>
      %dma_start3A_119 = arith.constant 0 : i32
      %dma_start3A_120 = tpu.memref_slice %arg15[%add3A_16, %dma_start3A_119] : memref<10112x80xf32, #tpu.memory_space<vmem_shared>> -> memref<120x80xf32, #tpu.memory_space<vmem_shared>>
      %dma_start3A_121 = arith.constant 0 : i32
      %dma_start3A_122 = tpu.memref_slice %arg15[%add3A_16, %dma_start3A_121] : memref<10112x80xf32, #tpu.memory_space<vmem_shared>> -> memref<120x80xf32, #tpu.memory_space<vmem_shared>>
      %dma_start3A_123 = arith.constant 0 : i32
      %dma_start3A_124 = arith.constant 0 : i32
      %dma_start3A_125 = tpu.memref_slice %arg9[%dma_start3A_123, %dma_start3A_124] : memref<128x80xf32, #tpu.memory_space<vmem>> -> memref<120x80xf32, #tpu.memory_space<vmem>>
      tpu.enqueue_dma source(%dma_start3A_125 : memref<120x80xf32, #tpu.memory_space<vmem>>) target(%dma_start3A_122 : memref<120x80xf32, #tpu.memory_space<vmem_shared>>) target_semaphore(%run_scoped3A : memref<!tpu.dma_semaphore, #tpu.memory_space<semaphore_mem>>)
      %dma_wait3A_126 = arith.constant 0 : i32
      %dma_wait3A_127 = arith.constant 0 : i32
      %dma_wait3A_128 = tpu.memref_slice %arg9[%dma_wait3A_126, %dma_wait3A_127] : memref<128x80xf32, #tpu.memory_space<vmem>> -> memref<120x80xf32, #tpu.memory_space<vmem>>
      %dma_wait3A_129 = arith.constant 0 : i32
      %dma_wait3A_130 = tpu.memref_slice %arg15[%add3A_16, %dma_wait3A_129] : memref<10112x80xf32, #tpu.memory_space<vmem_shared>> -> memref<120x80xf32, #tpu.memory_space<vmem_shared>>
      %dma_wait3A_131 = arith.constant 0 : i32
      %dma_wait3A_132 = tpu.memref_slice %arg15[%add3A_16, %dma_wait3A_131] : memref<10112x80xf32, #tpu.memory_space<vmem_shared>> -> memref<120x80xf32, #tpu.memory_space<vmem_shared>>
      %dma_wait3A_133 = arith.constant 0 : i32
      %dma_wait3A_134 = arith.constant 0 : i32
      %dma_wait3A_135 = tpu.memref_slice %arg9[%dma_wait3A_133, %dma_wait3A_134] : memref<128x80xf32, #tpu.memory_space<vmem>> -> memref<120x80xf32, #tpu.memory_space<vmem>>
      tpu.wait_dma2 semaphore(%run_scoped3A : memref<!tpu.dma_semaphore, #tpu.memory_space<semaphore_mem>>) src(%dma_wait3A_135 : memref<120x80xf32, #tpu.memory_space<vmem>>) dst(%dma_wait3A_132 : memref<120x80xf32, #tpu.memory_space<vmem_shared>>)
      tpu.yield
    }) : () -> ()
    %barrier3A = arith.constant 0 : index
    tpu.barrier barrier_id(%barrier3A)
    %mul3A_17 = arith.constant 82 : i32
    %mul3A_18 = arith.muli %add3A, %mul3A_17 : i32
    "tpu.region"() ({
      %run_scoped3A = tpu.sem_alloc : memref<!tpu.dma_semaphore, #tpu.memory_space<semaphore_mem>>
      %dma_start3A_116 = arith.constant 0 : i32
      %dma_start3A_117 = tpu.memref_slice %arg2[%mul3A_18, %dma_start3A_116] : memref<2624x128xi32, #tpu.memory_space<hbm>> -> memref<82x128xi32, #tpu.memory_space<hbm>>
      %dma_start3A_118 = arith.constant 0 : i32
      %dma_start3A_119 = tpu.memref_slice %arg2[%mul3A_18, %dma_start3A_118] : memref<2624x128xi32, #tpu.memory_space<hbm>> -> memref<82x128xi32, #tpu.memory_space<hbm>>
      tpu.enqueue_dma source(%dma_start3A_119 : memref<82x128xi32, #tpu.memory_space<hbm>>) target(%arg7 : memref<82x128xi32, #tpu.memory_space<vmem>>) target_semaphore(%run_scoped3A : memref<!tpu.dma_semaphore, #tpu.memory_space<semaphore_mem>>)
      %dma_wait3A_120 = arith.constant 0 : i32
      %dma_wait3A_121 = tpu.memref_slice %arg2[%mul3A_18, %dma_wait3A_120] : memref<2624x128xi32, #tpu.memory_space<hbm>> -> memref<82x128xi32, #tpu.memory_space<hbm>>
      %dma_wait3A_122 = arith.constant 0 : i32
      %dma_wait3A_123 = tpu.memref_slice %arg2[%mul3A_18, %dma_wait3A_122] : memref<2624x128xi32, #tpu.memory_space<hbm>> -> memref<82x128xi32, #tpu.memory_space<hbm>>
      tpu.wait_dma2 semaphore(%run_scoped3A : memref<!tpu.dma_semaphore, #tpu.memory_space<semaphore_mem>>) src(%dma_wait3A_123 : memref<82x128xi32, #tpu.memory_space<hbm>>) dst(%arg7 : memref<82x128xi32, #tpu.memory_space<vmem>>)
      tpu.yield
    }) : () -> ()
    %mul3A_19 = arith.constant 82 : i32
    %mul3A_20 = arith.muli %add3A, %mul3A_19 : i32
    "tpu.region"() ({
      %run_scoped3A = tpu.sem_alloc : memref<!tpu.dma_semaphore, #tpu.memory_space<semaphore_mem>>
      %dma_start3A_116 = arith.constant 0 : i32
      %dma_start3A_117 = tpu.memref_slice %arg3[%mul3A_20, %dma_start3A_116] : memref<2624x128xi32, #tpu.memory_space<hbm>> -> memref<82x128xi32, #tpu.memory_space<hbm>>
      %dma_start3A_118 = arith.constant 0 : i32
      %dma_start3A_119 = tpu.memref_slice %arg3[%mul3A_20, %dma_start3A_118] : memref<2624x128xi32, #tpu.memory_space<hbm>> -> memref<82x128xi32, #tpu.memory_space<hbm>>
      tpu.enqueue_dma source(%dma_start3A_119 : memref<82x128xi32, #tpu.memory_space<hbm>>) target(%arg8 : memref<82x128xi32, #tpu.memory_space<vmem>>) target_semaphore(%run_scoped3A : memref<!tpu.dma_semaphore, #tpu.memory_space<semaphore_mem>>)
      %dma_wait3A_120 = arith.constant 0 : i32
      %dma_wait3A_121 = tpu.memref_slice %arg3[%mul3A_20, %dma_wait3A_120] : memref<2624x128xi32, #tpu.memory_space<hbm>> -> memref<82x128xi32, #tpu.memory_space<hbm>>
      %dma_wait3A_122 = arith.constant 0 : i32
      %dma_wait3A_123 = tpu.memref_slice %arg3[%mul3A_20, %dma_wait3A_122] : memref<2624x128xi32, #tpu.memory_space<hbm>> -> memref<82x128xi32, #tpu.memory_space<hbm>>
      tpu.wait_dma2 semaphore(%run_scoped3A : memref<!tpu.dma_semaphore, #tpu.memory_space<semaphore_mem>>) src(%dma_wait3A_123 : memref<82x128xi32, #tpu.memory_space<hbm>>) dst(%arg8 : memref<82x128xi32, #tpu.memory_space<vmem>>)
      tpu.yield
    }) : () -> ()
    %iota3A = tpu.iota {dimensions = array<i32: 0>} : vector<16xi32>
    %jit3A = arith.constant 8 : i32
    %div3A = vector.broadcast %jit3A : i32 to vector<16xi32>
    %div3A_21 = arith.divsi %iota3A, %div3A : vector<16xi32>
    %sign3A = arith.constant 0 : i32
    %sign3A_22 = vector.broadcast %sign3A : i32 to vector<16xi32>
    %sign3A_23 = arith.cmpi sgt, %iota3A, %sign3A_22 : vector<16xi32>
    %sign3A_24 = arith.extui %sign3A_23 : vector<16xi1> to vector<16xi32>
    %sign3A_25 = arith.constant 0 : i32
    %sign3A_26 = vector.broadcast %sign3A_25 : i32 to vector<16xi32>
    %sign3A_27 = arith.cmpi slt, %iota3A, %sign3A_26 : vector<16xi32>
    %sign3A_28 = arith.extui %sign3A_27 : vector<16xi1> to vector<16xi32>
    %sign3A_29 = arith.subi %sign3A_24, %sign3A_28 : vector<16xi32>
    %sign3A_30 = arith.constant 0 : i32
    %sign3A_31 = arith.cmpi sgt, %jit3A, %sign3A_30 : i32
    %sign3A_32 = arith.extui %sign3A_31 : i1 to i32
    %sign3A_33 = arith.constant 0 : i32
    %sign3A_34 = arith.cmpi slt, %jit3A, %sign3A_33 : i32
    %sign3A_35 = arith.extui %sign3A_34 : i1 to i32
    %sign3A_36 = arith.subi %sign3A_32, %sign3A_35 : i32
    %ne3A = vector.broadcast %sign3A_36 : i32 to vector<16xi32>
    %ne3A_37 = arith.cmpi ne, %sign3A_29, %ne3A : vector<16xi32>
    %rem3A = vector.broadcast %jit3A : i32 to vector<16xi32>
    %rem3A_38 = arith.remsi %iota3A, %rem3A : vector<16xi32>
    %ne3A_39 = arith.constant 0 : i32
    %ne3A_40 = vector.broadcast %ne3A_39 : i32 to vector<16xi32>
    %ne3A_41 = arith.cmpi ne, %rem3A_38, %ne3A_40 : vector<16xi32>
    %and3A = arith.andi %ne3A_37, %ne3A_41 : vector<16xi1>
    %sub3A = arith.constant 1 : i32
    %sub3A_42 = vector.broadcast %sub3A : i32 to vector<16xi32>
    %sub3A_43 = arith.subi %div3A_21, %sub3A_42 : vector<16xi32>
    %select_n3A = arith.select %and3A, %sub3A_43, %div3A_21 : vector<16xi1>, vector<16xi32>
    %add3A_44 = arith.constant 0 : i32
    %add3A_45 = vector.broadcast %add3A_44 : i32 to vector<16xi32>
    %add3A_46 = arith.addi %select_n3A, %add3A_45 : vector<16xi32>
    %add3A_47 = arith.constant 2 : i32
    %add3A_48 = vector.broadcast %add3A_47 : i32 to vector<16xi32>
    %add3A_49 = arith.addi %select_n3A, %add3A_48 : vector<16xi32>
    %add3A_50 = arith.constant 4 : i32
    %add3A_51 = vector.broadcast %add3A_50 : i32 to vector<16xi32>
    %add3A_52 = arith.addi %select_n3A, %add3A_51 : vector<16xi32>
    %add3A_53 = arith.constant 6 : i32
    %add3A_54 = vector.broadcast %add3A_53 : i32 to vector<16xi32>
    %add3A_55 = arith.addi %select_n3A, %add3A_54 : vector<16xi32>
    %dma_start3A = arith.constant 0 : i32
    %dma_start3A_56 = arith.constant 0 : i32
    %dma_start3A_57 = tpu.memref_slice %arg7[%dma_start3A, %dma_start3A_56] : memref<82x128xi32, #tpu.memory_space<vmem>> -> memref<1x128xi32, #tpu.memory_space<vmem>>
    %dma_start3A_58 = tpu.memref_squeeze %dma_start3A_57 : memref<1x128xi32, #tpu.memory_space<vmem>> -> memref<128xi32, #tpu.memory_space<vmem>>
    %dma_start3A_59 = arith.constant 0 : i32
    %dma_start3A_60 = arith.constant 0 : i32
    %dma_start3A_61 = tpu.memref_slice %arg4[%dma_start3A_59, %dma_start3A_60] : memref<10000x80xf32, #tpu.memory_space<hbm>> -> memref<10000x80xf32, #tpu.memory_space<hbm>>
    tpu.enqueue_indirect_dma source(%dma_start3A_61 : memref<10000x80xf32, #tpu.memory_space<hbm>>) target(%arg9 : memref<128x80xf32, #tpu.memory_space<vmem>>) offsets(%dma_start3A_58 : memref<128xi32, #tpu.memory_space<vmem>>) semaphore(%arg16 : memref<!tpu.dma_semaphore, #tpu.memory_space<semaphore_mem>>)
    %dma_start3A_62 = arith.constant 0 : i32
    %dma_start3A_63 = arith.constant 0 : i32
    %dma_start3A_64 = tpu.memref_slice %arg8[%dma_start3A_62, %dma_start3A_63] : memref<82x128xi32, #tpu.memory_space<vmem>> -> memref<1x128xi32, #tpu.memory_space<vmem>>
    %dma_start3A_65 = tpu.memref_squeeze %dma_start3A_64 : memref<1x128xi32, #tpu.memory_space<vmem>> -> memref<128xi32, #tpu.memory_space<vmem>>
    %dma_start3A_66 = arith.constant 0 : i32
    %dma_start3A_67 = arith.constant 0 : i32
    %dma_start3A_68 = tpu.memref_slice %arg5[%dma_start3A_66, %dma_start3A_67] : memref<10000x16xf32, #tpu.memory_space<hbm>> -> memref<10000x16xf32, #tpu.memory_space<hbm>>
    tpu.enqueue_indirect_dma source(%dma_start3A_68 : memref<10000x16xf32, #tpu.memory_space<hbm>>) target(%arg10 : memref<128x16xf32, #tpu.memory_space<vmem>>) offsets(%dma_start3A_65 : memref<128xi32, #tpu.memory_space<vmem>>) semaphore(%arg16 : memref<!tpu.dma_semaphore, #tpu.memory_space<semaphore_mem>>)
    %dma_start3A_69 = arith.constant 1 : i32
    %dma_start3A_70 = arith.constant 0 : i32
    %dma_start3A_71 = tpu.memref_slice %arg7[%dma_start3A_69, %dma_start3A_70] : memref<82x128xi32, #tpu.memory_space<vmem>> -> memref<1x128xi32, #tpu.memory_space<vmem>>
    %dma_start3A_72 = tpu.memref_squeeze %dma_start3A_71 : memref<1x128xi32, #tpu.memory_space<vmem>> -> memref<128xi32, #tpu.memory_space<vmem>>
    %dma_start3A_73 = arith.constant 0 : i32
    %dma_start3A_74 = arith.constant 0 : i32
    %dma_start3A_75 = tpu.memref_slice %arg4[%dma_start3A_73, %dma_start3A_74] : memref<10000x80xf32, #tpu.memory_space<hbm>> -> memref<10000x80xf32, #tpu.memory_space<hbm>>
    tpu.enqueue_indirect_dma source(%dma_start3A_75 : memref<10000x80xf32, #tpu.memory_space<hbm>>) target(%arg11 : memref<128x80xf32, #tpu.memory_space<vmem>>) offsets(%dma_start3A_72 : memref<128xi32, #tpu.memory_space<vmem>>) semaphore(%arg17 : memref<!tpu.dma_semaphore, #tpu.memory_space<semaphore_mem>>)
    %dma_start3A_76 = arith.constant 1 : i32
    %dma_start3A_77 = arith.constant 0 : i32
    %dma_start3A_78 = tpu.memref_slice %arg8[%dma_start3A_76, %dma_start3A_77] : memref<82x128xi32, #tpu.memory_space<vmem>> -> memref<1x128xi32, #tpu.memory_space<vmem>>
    %dma_start3A_79 = tpu.memref_squeeze %dma_start3A_78 : memref<1x128xi32, #tpu.memory_space<vmem>> -> memref<128xi32, #tpu.memory_space<vmem>>
    %dma_start3A_80 = arith.constant 0 : i32
    %dma_start3A_81 = arith.constant 0 : i32
    %dma_start3A_82 = tpu.memref_slice %arg5[%dma_start3A_80, %dma_start3A_81] : memref<10000x16xf32, #tpu.memory_space<hbm>> -> memref<10000x16xf32, #tpu.memory_space<hbm>>
    tpu.enqueue_indirect_dma source(%dma_start3A_82 : memref<10000x16xf32, #tpu.memory_space<hbm>>) target(%arg12 : memref<128x16xf32, #tpu.memory_space<vmem>>) offsets(%dma_start3A_79 : memref<128xi32, #tpu.memory_space<vmem>>) semaphore(%arg17 : memref<!tpu.dma_semaphore, #tpu.memory_space<semaphore_mem>>)
    %scan3A_83 = arith.constant 0 : i32
    %scan3A_84 = arith.constant 41 : i32
    %scan3A_85 = arith.addi %scan3A_83, %scan3A_84 : i32
    %scan3A_86 = arith.constant 1 : i32
    scf.for %scan3A_116 = %scan3A_83 to %scan3A_85 step %scan3A_86  : i32 {
      %mul3A_117 = arith.constant 2 : i32
      %mul3A_118 = arith.muli %scan3A_116, %mul3A_117 : i32
      %add3A_119 = arith.constant 0 : i32
      %add3A_120 = arith.addi %add3A_119, %mul3A_118 : i32
      %dma_wait3A_121 = arith.constant 0 : i32
      %dma_wait3A_122 = tpu.memref_slice %arg7[%add3A_120, %dma_wait3A_121] : memref<82x128xi32, #tpu.memory_space<vmem>> -> memref<1x128xi32, #tpu.memory_space<vmem>>
      %dma_wait3A_123 = tpu.memref_squeeze %dma_wait3A_122 : memref<1x128xi32, #tpu.memory_space<vmem>> -> memref<128xi32, #tpu.memory_space<vmem>>
      %dma_wait3A_124 = arith.constant 0 : i32
      %dma_wait3A_125 = arith.constant 0 : i32
      %dma_wait3A_126 = tpu.memref_slice %arg4[%dma_wait3A_124, %dma_wait3A_125] : memref<10000x80xf32, #tpu.memory_space<hbm>> -> memref<10000x80xf32, #tpu.memory_space<hbm>>
      tpu.wait_indirect_dma semaphore(%arg16 : memref<!tpu.dma_semaphore, #tpu.memory_space<semaphore_mem>>) src(%dma_wait3A_126 : memref<10000x80xf32, #tpu.memory_space<hbm>>) dst(%arg9 : memref<128x80xf32, #tpu.memory_space<vmem>>)
      %dma_wait3A_127 = arith.constant 0 : i32
      %dma_wait3A_128 = tpu.memref_slice %arg8[%add3A_120, %dma_wait3A_127] : memref<82x128xi32, #tpu.memory_space<vmem>> -> memref<1x128xi32, #tpu.memory_space<vmem>>
      %dma_wait3A_129 = tpu.memref_squeeze %dma_wait3A_128 : memref<1x128xi32, #tpu.memory_space<vmem>> -> memref<128xi32, #tpu.memory_space<vmem>>
      %dma_wait3A_130 = arith.constant 0 : i32
      %dma_wait3A_131 = arith.constant 0 : i32
      %dma_wait3A_132 = tpu.memref_slice %arg5[%dma_wait3A_130, %dma_wait3A_131] : memref<10000x16xf32, #tpu.memory_space<hbm>> -> memref<10000x16xf32, #tpu.memory_space<hbm>>
      tpu.wait_indirect_dma semaphore(%arg16 : memref<!tpu.dma_semaphore, #tpu.memory_space<semaphore_mem>>) src(%dma_wait3A_132 : memref<10000x16xf32, #tpu.memory_space<hbm>>) dst(%arg10 : memref<128x16xf32, #tpu.memory_space<vmem>>)
      %parallel_loop3A = arith.constant 0 : i32
      %parallel_loop3A_133 = arith.constant 128 : i32
      %parallel_loop3A_134 = arith.constant 1 : i32
      scf.for %parallel_loop3A_183 = %parallel_loop3A to %parallel_loop3A_133 step %parallel_loop3A_134  : i32 {
        %parallel_loop3A_184 = arith.index_cast %parallel_loop3A_183 : i32 to index
        %parallel_loop3A_185 = arith.constant 64 : index
        %parallel_loop3A_186 = tpu.vector_load %arg9[%parallel_loop3A_184, %parallel_loop3A_185] {strides = array<i32>} : memref<128x80xf32, #tpu.memory_space<vmem>>, vector<16xf32>,
        %parallel_loop3A_187 = arith.index_cast %parallel_loop3A_183 : i32 to index
        %parallel_loop3A_188 = arith.constant 0 : index
        %parallel_loop3A_189 = tpu.vector_load %arg10[%parallel_loop3A_187, %parallel_loop3A_188] {strides = array<i32>} : memref<128x16xf32, #tpu.memory_space<vmem>>, vector<16xf32>,
        %parallel_loop3A_190 = arith.addf %parallel_loop3A_186, %parallel_loop3A_189 : vector<16xf32>
        %parallel_loop3A_191 = arith.constant 2.000000e-01 : f32
        %parallel_loop3A_192 = vector.broadcast %parallel_loop3A_191 : f32 to vector<16xf32>
        %parallel_loop3A_193 = arith.mulf %parallel_loop3A_192, %parallel_loop3A_190 : vector<16xf32>
        %parallel_loop3A_194 = arith.maximumf %parallel_loop3A_190, %parallel_loop3A_193 : vector<16xf32>
        %parallel_loop3A_195 = math.exp %parallel_loop3A_194 : vector<16xf32>
        %parallel_loop3A_196 = arith.index_cast %parallel_loop3A_183 : i32 to index
        %parallel_loop3A_197 = arith.constant 64 : index
        %parallel_loop3A_198 = tpu.vector_load %arg13[%parallel_loop3A_196, %parallel_loop3A_197] {strides = array<i32>} : memref<128x80xf32, #tpu.memory_space<vmem>>, vector<16xf32>,
        tpu.vector_store %arg13[%parallel_loop3A_196, %parallel_loop3A_197], %parallel_loop3A_195 {strides = array<i32>} : memref<128x80xf32, #tpu.memory_space<vmem>>, vector<16xf32>,
        %parallel_loop3A_199 = arith.constant 64 : i32
        %parallel_loop3A_200 = vector.broadcast %parallel_loop3A_199 : i32 to vector<16xi32>
        %parallel_loop3A_201 = arith.addi %add3A_46, %parallel_loop3A_200 : vector<16xi32>
        %parallel_loop3A_202 = arith.constant 0 : i32
        %parallel_loop3A_203 = tpu.memref_slice %arg13[%parallel_loop3A_183, %parallel_loop3A_202] : memref<128x80xf32, #tpu.memory_space<vmem>> -> memref<1x80xf32, #tpu.memory_space<vmem>>
        %parallel_loop3A_204 = tpu.memref_squeeze %parallel_loop3A_203 : memref<1x80xf32, #tpu.memory_space<vmem>> -> memref<80xf32, #tpu.memory_space<vmem>>
        %parallel_loop3A_205 = tpu.vector_load_idx %parallel_loop3A_204[%parallel_loop3A_201] : memref<80xf32, #tpu.memory_space<vmem>>[vector<16xi32>], vector<16xf32>,
        %parallel_loop3A_206 = arith.index_cast %parallel_loop3A_183 : i32 to index
        %parallel_loop3A_207 = arith.constant 0 : index
        %parallel_loop3A_208 = tpu.vector_load %arg9[%parallel_loop3A_206, %parallel_loop3A_207] {strides = array<i32>} : memref<128x80xf32, #tpu.memory_space<vmem>>, vector<16xf32>,
        %parallel_loop3A_209 = arith.mulf %parallel_loop3A_208, %parallel_loop3A_205 : vector<16xf32>
        %parallel_loop3A_210 = arith.index_cast %parallel_loop3A_183 : i32 to index
        %parallel_loop3A_211 = arith.constant 0 : index
        %parallel_loop3A_212 = tpu.vector_load %arg13[%parallel_loop3A_210, %parallel_loop3A_211] {strides = array<i32>} : memref<128x80xf32, #tpu.memory_space<vmem>>, vector<16xf32>,
        tpu.vector_store %arg13[%parallel_loop3A_210, %parallel_loop3A_211], %parallel_loop3A_209 {strides = array<i32>} : memref<128x80xf32, #tpu.memory_space<vmem>>, vector<16xf32>,
        %parallel_loop3A_213 = arith.constant 64 : i32
        %parallel_loop3A_214 = vector.broadcast %parallel_loop3A_213 : i32 to vector<16xi32>
        %parallel_loop3A_215 = arith.addi %add3A_49, %parallel_loop3A_214 : vector<16xi32>
        %parallel_loop3A_216 = arith.constant 0 : i32
        %parallel_loop3A_217 = tpu.memref_slice %arg13[%parallel_loop3A_183, %parallel_loop3A_216] : memref<128x80xf32, #tpu.memory_space<vmem>> -> memref<1x80xf32, #tpu.memory_space<vmem>>
        %parallel_loop3A_218 = tpu.memref_squeeze %parallel_loop3A_217 : memref<1x80xf32, #tpu.memory_space<vmem>> -> memref<80xf32, #tpu.memory_space<vmem>>
        %parallel_loop3A_219 = tpu.vector_load_idx %parallel_loop3A_218[%parallel_loop3A_215] : memref<80xf32, #tpu.memory_space<vmem>>[vector<16xi32>], vector<16xf32>,
        %parallel_loop3A_220 = arith.index_cast %parallel_loop3A_183 : i32 to index
        %parallel_loop3A_221 = arith.constant 16 : index
        %parallel_loop3A_222 = tpu.vector_load %arg9[%parallel_loop3A_220, %parallel_loop3A_221] {strides = array<i32>} : memref<128x80xf32, #tpu.memory_space<vmem>>, vector<16xf32>,
        %parallel_loop3A_223 = arith.mulf %parallel_loop3A_222, %parallel_loop3A_219 : vector<16xf32>
        %parallel_loop3A_224 = arith.index_cast %parallel_loop3A_183 : i32 to index
        %parallel_loop3A_225 = arith.constant 16 : index
        %parallel_loop3A_226 = tpu.vector_load %arg13[%parallel_loop3A_224, %parallel_loop3A_225] {strides = array<i32>} : memref<128x80xf32, #tpu.memory_space<vmem>>, vector<16xf32>,
        tpu.vector_store %arg13[%parallel_loop3A_224, %parallel_loop3A_225], %parallel_loop3A_223 {strides = array<i32>} : memref<128x80xf32, #tpu.memory_space<vmem>>, vector<16xf32>,
        %parallel_loop3A_227 = arith.constant 64 : i32
        %parallel_loop3A_228 = vector.broadcast %parallel_loop3A_227 : i32 to vector<16xi32>
        %parallel_loop3A_229 = arith.addi %add3A_52, %parallel_loop3A_228 : vector<16xi32>
        %parallel_loop3A_230 = arith.constant 0 : i32
        %parallel_loop3A_231 = tpu.memref_slice %arg13[%parallel_loop3A_183, %parallel_loop3A_230] : memref<128x80xf32, #tpu.memory_space<vmem>> -> memref<1x80xf32, #tpu.memory_space<vmem>>
        %parallel_loop3A_232 = tpu.memref_squeeze %parallel_loop3A_231 : memref<1x80xf32, #tpu.memory_space<vmem>> -> memref<80xf32, #tpu.memory_space<vmem>>
        %parallel_loop3A_233 = tpu.vector_load_idx %parallel_loop3A_232[%parallel_loop3A_229] : memref<80xf32, #tpu.memory_space<vmem>>[vector<16xi32>], vector<16xf32>,
        %parallel_loop3A_234 = arith.index_cast %parallel_loop3A_183 : i32 to index
        %parallel_loop3A_235 = arith.constant 32 : index
        %parallel_loop3A_236 = tpu.vector_load %arg9[%parallel_loop3A_234, %parallel_loop3A_235] {strides = array<i32>} : memref<128x80xf32, #tpu.memory_space<vmem>>, vector<16xf32>,
        %parallel_loop3A_237 = arith.mulf %parallel_loop3A_236, %parallel_loop3A_233 : vector<16xf32>
        %parallel_loop3A_238 = arith.index_cast %parallel_loop3A_183 : i32 to index
        %parallel_loop3A_239 = arith.constant 32 : index
        %parallel_loop3A_240 = tpu.vector_load %arg13[%parallel_loop3A_238, %parallel_loop3A_239] {strides = array<i32>} : memref<128x80xf32, #tpu.memory_space<vmem>>, vector<16xf32>,
        tpu.vector_store %arg13[%parallel_loop3A_238, %parallel_loop3A_239], %parallel_loop3A_237 {strides = array<i32>} : memref<128x80xf32, #tpu.memory_space<vmem>>, vector<16xf32>,
        %parallel_loop3A_241 = arith.constant 64 : i32
        %parallel_loop3A_242 = vector.broadcast %parallel_loop3A_241 : i32 to vector<16xi32>
        %parallel_loop3A_243 = arith.addi %add3A_55, %parallel_loop3A_242 : vector<16xi32>
        %parallel_loop3A_244 = arith.constant 0 : i32
        %parallel_loop3A_245 = tpu.memref_slice %arg13[%parallel_loop3A_183, %parallel_loop3A_244] : memref<128x80xf32, #tpu.memory_space<vmem>> -> memref<1x80xf32, #tpu.memory_space<vmem>>
        %parallel_loop3A_246 = tpu.memref_squeeze %parallel_loop3A_245 : memref<1x80xf32, #tpu.memory_space<vmem>> -> memref<80xf32, #tpu.memory_space<vmem>>
        %parallel_loop3A_247 = tpu.vector_load_idx %parallel_loop3A_246[%parallel_loop3A_243] : memref<80xf32, #tpu.memory_space<vmem>>[vector<16xi32>], vector<16xf32>,
        %parallel_loop3A_248 = arith.index_cast %parallel_loop3A_183 : i32 to index
        %parallel_loop3A_249 = arith.constant 48 : index
        %parallel_loop3A_250 = tpu.vector_load %arg9[%parallel_loop3A_248, %parallel_loop3A_249] {strides = array<i32>} : memref<128x80xf32, #tpu.memory_space<vmem>>, vector<16xf32>,
        %parallel_loop3A_251 = arith.mulf %parallel_loop3A_250, %parallel_loop3A_247 : vector<16xf32>
        %parallel_loop3A_252 = arith.index_cast %parallel_loop3A_183 : i32 to index
        %parallel_loop3A_253 = arith.constant 48 : index
        %parallel_loop3A_254 = tpu.vector_load %arg13[%parallel_loop3A_252, %parallel_loop3A_253] {strides = array<i32>} : memref<128x80xf32, #tpu.memory_space<vmem>>, vector<16xf32>,
        tpu.vector_store %arg13[%parallel_loop3A_252, %parallel_loop3A_253], %parallel_loop3A_251 {strides = array<i32>} : memref<128x80xf32, #tpu.memory_space<vmem>>, vector<16xf32>,
      } {sc.loop_unroll_factor = 8 : i64, sc.parallel_access}
      "tpu.region"() ({
        %run_scoped3A = tpu.sem_alloc : memref<!tpu.dma_semaphore, #tpu.memory_space<semaphore_mem>>
        %dma_start3A_183 = arith.constant 0 : i32
        %dma_start3A_184 = tpu.memref_slice %arg8[%add3A_120, %dma_start3A_183] : memref<82x128xi32, #tpu.memory_space<vmem>> -> memref<1x128xi32, #tpu.memory_space<vmem>>
        %dma_start3A_185 = tpu.memref_squeeze %dma_start3A_184 : memref<1x128xi32, #tpu.memory_space<vmem>> -> memref<128xi32, #tpu.memory_space<vmem>>
        %dma_start3A_186 = arith.constant 0 : i32
        %dma_start3A_187 = arith.constant 0 : i32
        %dma_start3A_188 = tpu.memref_slice %arg15[%dma_start3A_186, %dma_start3A_187] : memref<10112x80xf32, #tpu.memory_space<vmem_shared>> -> memref<10112x80xf32, #tpu.memory_space<vmem_shared>>
        tpu.enqueue_indirect_dma source(%arg13 : memref<128x80xf32, #tpu.memory_space<vmem>>) target(%dma_start3A_188 : memref<10112x80xf32, #tpu.memory_space<vmem_shared>>) offsets(%dma_start3A_185 : memref<128xi32, #tpu.memory_space<vmem>>) semaphore(%run_scoped3A : memref<!tpu.dma_semaphore, #tpu.memory_space<semaphore_mem>>) {add = true}
        %dma_wait3A_189 = arith.constant 0 : i32
        %dma_wait3A_190 = tpu.memref_slice %arg8[%add3A_120, %dma_wait3A_189] : memref<82x128xi32, #tpu.memory_space<vmem>> -> memref<1x128xi32, #tpu.memory_space<vmem>>
        %dma_wait3A_191 = tpu.memref_squeeze %dma_wait3A_190 : memref<1x128xi32, #tpu.memory_space<vmem>> -> memref<128xi32, #tpu.memory_space<vmem>>
        %dma_wait3A_192 = arith.constant 0 : i32
        %dma_wait3A_193 = arith.constant 0 : i32
        %dma_wait3A_194 = tpu.memref_slice %arg15[%dma_wait3A_192, %dma_wait3A_193] : memref<10112x80xf32, #tpu.memory_space<vmem_shared>> -> memref<10112x80xf32, #tpu.memory_space<vmem_shared>>
        tpu.wait_indirect_dma semaphore(%run_scoped3A : memref<!tpu.dma_semaphore, #tpu.memory_space<semaphore_mem>>) src(%arg13 : memref<128x80xf32, #tpu.memory_space<vmem>>) dst(%dma_wait3A_194 : memref<10112x80xf32, #tpu.memory_space<vmem_shared>>)
        tpu.yield
      }) : () -> ()
      %add3A_135 = arith.constant 2 : i32
      %add3A_136 = arith.addi %add3A_120, %add3A_135 : i32
      %min3A = arith.constant 81 : i32
      %min3A_137 = arith.minsi %add3A_136, %min3A : i32
      %dma_start3A_138 = arith.constant 0 : i32
      %dma_start3A_139 = tpu.memref_slice %arg7[%min3A_137, %dma_start3A_138] : memref<82x128xi32, #tpu.memory_space<vmem>> -> memref<1x128xi32, #tpu.memory_space<vmem>>
      %dma_start3A_140 = tpu.memref_squeeze %dma_start3A_139 : memref<1x128xi32, #tpu.memory_space<vmem>> -> memref<128xi32, #tpu.memory_space<vmem>>
      %dma_start3A_141 = arith.constant 0 : i32
      %dma_start3A_142 = arith.constant 0 : i32
      %dma_start3A_143 = tpu.memref_slice %arg4[%dma_start3A_141, %dma_start3A_142] : memref<10000x80xf32, #tpu.memory_space<hbm>> -> memref<10000x80xf32, #tpu.memory_space<hbm>>
      tpu.enqueue_indirect_dma source(%dma_start3A_143 : memref<10000x80xf32, #tpu.memory_space<hbm>>) target(%arg9 : memref<128x80xf32, #tpu.memory_space<vmem>>) offsets(%dma_start3A_140 : memref<128xi32, #tpu.memory_space<vmem>>) semaphore(%arg16 : memref<!tpu.dma_semaphore, #tpu.memory_space<semaphore_mem>>)
      %dma_start3A_144 = arith.constant 0 : i32
      %dma_start3A_145 = tpu.memref_slice %arg8[%min3A_137, %dma_start3A_144] : memref<82x128xi32, #tpu.memory_space<vmem>> -> memref<1x128xi32, #tpu.memory_space<vmem>>
      %dma_start3A_146 = tpu.memref_squeeze %dma_start3A_145 : memref<1x128xi32, #tpu.memory_space<vmem>> -> memref<128xi32, #tpu.memory_space<vmem>>
      %dma_start3A_147 = arith.constant 0 : i32
      %dma_start3A_148 = arith.constant 0 : i32
      %dma_start3A_149 = tpu.memref_slice %arg5[%dma_start3A_147, %dma_start3A_148] : memref<10000x16xf32, #tpu.memory_space<hbm>> -> memref<10000x16xf32, #tpu.memory_space<hbm>>
      tpu.enqueue_indirect_dma source(%dma_start3A_149 : memref<10000x16xf32, #tpu.memory_space<hbm>>) target(%arg10 : memref<128x16xf32, #tpu.memory_space<vmem>>) offsets(%dma_start3A_146 : memref<128xi32, #tpu.memory_space<vmem>>) semaphore(%arg16 : memref<!tpu.dma_semaphore, #tpu.memory_space<semaphore_mem>>)
      %add3A_150 = arith.constant 1 : i32
      %add3A_151 = arith.addi %add3A_120, %add3A_150 : i32
      %dma_wait3A_152 = arith.constant 0 : i32
      %dma_wait3A_153 = tpu.memref_slice %arg7[%add3A_151, %dma_wait3A_152] : memref<82x128xi32, #tpu.memory_space<vmem>> -> memref<1x128xi32, #tpu.memory_space<vmem>>
      %dma_wait3A_154 = tpu.memref_squeeze %dma_wait3A_153 : memref<1x128xi32, #tpu.memory_space<vmem>> -> memref<128xi32, #tpu.memory_space<vmem>>
      %dma_wait3A_155 = arith.constant 0 : i32
      %dma_wait3A_156 = arith.constant 0 : i32
      %dma_wait3A_157 = tpu.memref_slice %arg4[%dma_wait3A_155, %dma_wait3A_156] : memref<10000x80xf32, #tpu.memory_space<hbm>> -> memref<10000x80xf32, #tpu.memory_space<hbm>>
      tpu.wait_indirect_dma semaphore(%arg17 : memref<!tpu.dma_semaphore, #tpu.memory_space<semaphore_mem>>) src(%dma_wait3A_157 : memref<10000x80xf32, #tpu.memory_space<hbm>>) dst(%arg11 : memref<128x80xf32, #tpu.memory_space<vmem>>)
      %dma_wait3A_158 = arith.constant 0 : i32
      %dma_wait3A_159 = tpu.memref_slice %arg8[%add3A_151, %dma_wait3A_158] : memref<82x128xi32, #tpu.memory_space<vmem>> -> memref<1x128xi32, #tpu.memory_space<vmem>>
      %dma_wait3A_160 = tpu.memref_squeeze %dma_wait3A_159 : memref<1x128xi32, #tpu.memory_space<vmem>> -> memref<128xi32, #tpu.memory_space<vmem>>
      %dma_wait3A_161 = arith.constant 0 : i32
      %dma_wait3A_162 = arith.constant 0 : i32
      %dma_wait3A_163 = tpu.memref_slice %arg5[%dma_wait3A_161, %dma_wait3A_162] : memref<10000x16xf32, #tpu.memory_space<hbm>> -> memref<10000x16xf32, #tpu.memory_space<hbm>>
      tpu.wait_indirect_dma semaphore(%arg17 : memref<!tpu.dma_semaphore, #tpu.memory_space<semaphore_mem>>) src(%dma_wait3A_163 : memref<10000x16xf32, #tpu.memory_space<hbm>>) dst(%arg12 : memref<128x16xf32, #tpu.memory_space<vmem>>)
      %parallel_loop3A_164 = arith.constant 0 : i32
      %parallel_loop3A_165 = arith.constant 128 : i32
      %parallel_loop3A_166 = arith.constant 1 : i32
      scf.for %parallel_loop3A_183 = %parallel_loop3A_164 to %parallel_loop3A_165 step %parallel_loop3A_166  : i32 {
        %parallel_loop3A_184 = arith.index_cast %parallel_loop3A_183 : i32 to index
        %parallel_loop3A_185 = arith.constant 64 : index
        %parallel_loop3A_186 = tpu.vector_load %arg11[%parallel_loop3A_184, %parallel_loop3A_185] {strides = array<i32>} : memref<128x80xf32, #tpu.memory_space<vmem>>, vector<16xf32>,
        %parallel_loop3A_187 = arith.index_cast %parallel_loop3A_183 : i32 to index
        %parallel_loop3A_188 = arith.constant 0 : index
        %parallel_loop3A_189 = tpu.vector_load %arg12[%parallel_loop3A_187, %parallel_loop3A_188] {strides = array<i32>} : memref<128x16xf32, #tpu.memory_space<vmem>>, vector<16xf32>,
        %parallel_loop3A_190 = arith.addf %parallel_loop3A_186, %parallel_loop3A_189 : vector<16xf32>
        %parallel_loop3A_191 = arith.constant 2.000000e-01 : f32
        %parallel_loop3A_192 = vector.broadcast %parallel_loop3A_191 : f32 to vector<16xf32>
        %parallel_loop3A_193 = arith.mulf %parallel_loop3A_192, %parallel_loop3A_190 : vector<16xf32>
        %parallel_loop3A_194 = arith.maximumf %parallel_loop3A_190, %parallel_loop3A_193 : vector<16xf32>
        %parallel_loop3A_195 = math.exp %parallel_loop3A_194 : vector<16xf32>
        %parallel_loop3A_196 = arith.index_cast %parallel_loop3A_183 : i32 to index
        %parallel_loop3A_197 = arith.constant 64 : index
        %parallel_loop3A_198 = tpu.vector_load %arg14[%parallel_loop3A_196, %parallel_loop3A_197] {strides = array<i32>} : memref<128x80xf32, #tpu.memory_space<vmem>>, vector<16xf32>,
        tpu.vector_store %arg14[%parallel_loop3A_196, %parallel_loop3A_197], %parallel_loop3A_195 {strides = array<i32>} : memref<128x80xf32, #tpu.memory_space<vmem>>, vector<16xf32>,
        %parallel_loop3A_199 = arith.constant 64 : i32
        %parallel_loop3A_200 = vector.broadcast %parallel_loop3A_199 : i32 to vector<16xi32>
        %parallel_loop3A_201 = arith.addi %add3A_46, %parallel_loop3A_200 : vector<16xi32>
        %parallel_loop3A_202 = arith.constant 0 : i32
        %parallel_loop3A_203 = tpu.memref_slice %arg14[%parallel_loop3A_183, %parallel_loop3A_202] : memref<128x80xf32, #tpu.memory_space<vmem>> -> memref<1x80xf32, #tpu.memory_space<vmem>>
        %parallel_loop3A_204 = tpu.memref_squeeze %parallel_loop3A_203 : memref<1x80xf32, #tpu.memory_space<vmem>> -> memref<80xf32, #tpu.memory_space<vmem>>
        %parallel_loop3A_205 = tpu.vector_load_idx %parallel_loop3A_204[%parallel_loop3A_201] : memref<80xf32, #tpu.memory_space<vmem>>[vector<16xi32>], vector<16xf32>,
        %parallel_loop3A_206 = arith.index_cast %parallel_loop3A_183 : i32 to index
        %parallel_loop3A_207 = arith.constant 0 : index
        %parallel_loop3A_208 = tpu.vector_load %arg11[%parallel_loop3A_206, %parallel_loop3A_207] {strides = array<i32>} : memref<128x80xf32, #tpu.memory_space<vmem>>, vector<16xf32>,
        %parallel_loop3A_209 = arith.mulf %parallel_loop3A_208, %parallel_loop3A_205 : vector<16xf32>
        %parallel_loop3A_210 = arith.index_cast %parallel_loop3A_183 : i32 to index
        %parallel_loop3A_211 = arith.constant 0 : index
        %parallel_loop3A_212 = tpu.vector_load %arg14[%parallel_loop3A_210, %parallel_loop3A_211] {strides = array<i32>} : memref<128x80xf32, #tpu.memory_space<vmem>>, vector<16xf32>,
        tpu.vector_store %arg14[%parallel_loop3A_210, %parallel_loop3A_211], %parallel_loop3A_209 {strides = array<i32>} : memref<128x80xf32, #tpu.memory_space<vmem>>, vector<16xf32>,
        %parallel_loop3A_213 = arith.constant 64 : i32
        %parallel_loop3A_214 = vector.broadcast %parallel_loop3A_213 : i32 to vector<16xi32>
        %parallel_loop3A_215 = arith.addi %add3A_49, %parallel_loop3A_214 : vector<16xi32>
        %parallel_loop3A_216 = arith.constant 0 : i32
        %parallel_loop3A_217 = tpu.memref_slice %arg14[%parallel_loop3A_183, %parallel_loop3A_216] : memref<128x80xf32, #tpu.memory_space<vmem>> -> memref<1x80xf32, #tpu.memory_space<vmem>>
        %parallel_loop3A_218 = tpu.memref_squeeze %parallel_loop3A_217 : memref<1x80xf32, #tpu.memory_space<vmem>> -> memref<80xf32, #tpu.memory_space<vmem>>
        %parallel_loop3A_219 = tpu.vector_load_idx %parallel_loop3A_218[%parallel_loop3A_215] : memref<80xf32, #tpu.memory_space<vmem>>[vector<16xi32>], vector<16xf32>,
        %parallel_loop3A_220 = arith.index_cast %parallel_loop3A_183 : i32 to index
        %parallel_loop3A_221 = arith.constant 16 : index
        %parallel_loop3A_222 = tpu.vector_load %arg11[%parallel_loop3A_220, %parallel_loop3A_221] {strides = array<i32>} : memref<128x80xf32, #tpu.memory_space<vmem>>, vector<16xf32>,
        %parallel_loop3A_223 = arith.mulf %parallel_loop3A_222, %parallel_loop3A_219 : vector<16xf32>
        %parallel_loop3A_224 = arith.index_cast %parallel_loop3A_183 : i32 to index
        %parallel_loop3A_225 = arith.constant 16 : index
        %parallel_loop3A_226 = tpu.vector_load %arg14[%parallel_loop3A_224, %parallel_loop3A_225] {strides = array<i32>} : memref<128x80xf32, #tpu.memory_space<vmem>>, vector<16xf32>,
        tpu.vector_store %arg14[%parallel_loop3A_224, %parallel_loop3A_225], %parallel_loop3A_223 {strides = array<i32>} : memref<128x80xf32, #tpu.memory_space<vmem>>, vector<16xf32>,
        %parallel_loop3A_227 = arith.constant 64 : i32
        %parallel_loop3A_228 = vector.broadcast %parallel_loop3A_227 : i32 to vector<16xi32>
        %parallel_loop3A_229 = arith.addi %add3A_52, %parallel_loop3A_228 : vector<16xi32>
        %parallel_loop3A_230 = arith.constant 0 : i32
        %parallel_loop3A_231 = tpu.memref_slice %arg14[%parallel_loop3A_183, %parallel_loop3A_230] : memref<128x80xf32, #tpu.memory_space<vmem>> -> memref<1x80xf32, #tpu.memory_space<vmem>>
        %parallel_loop3A_232 = tpu.memref_squeeze %parallel_loop3A_231 : memref<1x80xf32, #tpu.memory_space<vmem>> -> memref<80xf32, #tpu.memory_space<vmem>>
        %parallel_loop3A_233 = tpu.vector_load_idx %parallel_loop3A_232[%parallel_loop3A_229] : memref<80xf32, #tpu.memory_space<vmem>>[vector<16xi32>], vector<16xf32>,
        %parallel_loop3A_234 = arith.index_cast %parallel_loop3A_183 : i32 to index
        %parallel_loop3A_235 = arith.constant 32 : index
        %parallel_loop3A_236 = tpu.vector_load %arg11[%parallel_loop3A_234, %parallel_loop3A_235] {strides = array<i32>} : memref<128x80xf32, #tpu.memory_space<vmem>>, vector<16xf32>,
        %parallel_loop3A_237 = arith.mulf %parallel_loop3A_236, %parallel_loop3A_233 : vector<16xf32>
        %parallel_loop3A_238 = arith.index_cast %parallel_loop3A_183 : i32 to index
        %parallel_loop3A_239 = arith.constant 32 : index
        %parallel_loop3A_240 = tpu.vector_load %arg14[%parallel_loop3A_238, %parallel_loop3A_239] {strides = array<i32>} : memref<128x80xf32, #tpu.memory_space<vmem>>, vector<16xf32>,
        tpu.vector_store %arg14[%parallel_loop3A_238, %parallel_loop3A_239], %parallel_loop3A_237 {strides = array<i32>} : memref<128x80xf32, #tpu.memory_space<vmem>>, vector<16xf32>,
        %parallel_loop3A_241 = arith.constant 64 : i32
        %parallel_loop3A_242 = vector.broadcast %parallel_loop3A_241 : i32 to vector<16xi32>
        %parallel_loop3A_243 = arith.addi %add3A_55, %parallel_loop3A_242 : vector<16xi32>
        %parallel_loop3A_244 = arith.constant 0 : i32
        %parallel_loop3A_245 = tpu.memref_slice %arg14[%parallel_loop3A_183, %parallel_loop3A_244] : memref<128x80xf32, #tpu.memory_space<vmem>> -> memref<1x80xf32, #tpu.memory_space<vmem>>
        %parallel_loop3A_246 = tpu.memref_squeeze %parallel_loop3A_245 : memref<1x80xf32, #tpu.memory_space<vmem>> -> memref<80xf32, #tpu.memory_space<vmem>>
        %parallel_loop3A_247 = tpu.vector_load_idx %parallel_loop3A_246[%parallel_loop3A_243] : memref<80xf32, #tpu.memory_space<vmem>>[vector<16xi32>], vector<16xf32>,
        %parallel_loop3A_248 = arith.index_cast %parallel_loop3A_183 : i32 to index
        %parallel_loop3A_249 = arith.constant 48 : index
        %parallel_loop3A_250 = tpu.vector_load %arg11[%parallel_loop3A_248, %parallel_loop3A_249] {strides = array<i32>} : memref<128x80xf32, #tpu.memory_space<vmem>>, vector<16xf32>,
        %parallel_loop3A_251 = arith.mulf %parallel_loop3A_250, %parallel_loop3A_247 : vector<16xf32>
        %parallel_loop3A_252 = arith.index_cast %parallel_loop3A_183 : i32 to index
        %parallel_loop3A_253 = arith.constant 48 : index
        %parallel_loop3A_254 = tpu.vector_load %arg14[%parallel_loop3A_252, %parallel_loop3A_253] {strides = array<i32>} : memref<128x80xf32, #tpu.memory_space<vmem>>, vector<16xf32>,
        tpu.vector_store %arg14[%parallel_loop3A_252, %parallel_loop3A_253], %parallel_loop3A_251 {strides = array<i32>} : memref<128x80xf32, #tpu.memory_space<vmem>>, vector<16xf32>,
      } {sc.loop_unroll_factor = 8 : i64, sc.parallel_access}
      "tpu.region"() ({
        %run_scoped3A = tpu.sem_alloc : memref<!tpu.dma_semaphore, #tpu.memory_space<semaphore_mem>>
        %dma_start3A_183 = arith.constant 0 : i32
        %dma_start3A_184 = tpu.memref_slice %arg8[%add3A_151, %dma_start3A_183] : memref<82x128xi32, #tpu.memory_space<vmem>> -> memref<1x128xi32, #tpu.memory_space<vmem>>
        %dma_start3A_185 = tpu.memref_squeeze %dma_start3A_184 : memref<1x128xi32, #tpu.memory_space<vmem>> -> memref<128xi32, #tpu.memory_space<vmem>>
        %dma_start3A_186 = arith.constant 0 : i32
        %dma_start3A_187 = arith.constant 0 : i32
        %dma_start3A_188 = tpu.memref_slice %arg15[%dma_start3A_186, %dma_start3A_187] : memref<10112x80xf32, #tpu.memory_space<vmem_shared>> -> memref<10112x80xf32, #tpu.memory_space<vmem_shared>>
        tpu.enqueue_indirect_dma source(%arg14 : memref<128x80xf32, #tpu.memory_space<vmem>>) target(%dma_start3A_188 : memref<10112x80xf32, #tpu.memory_space<vmem_shared>>) offsets(%dma_start3A_185 : memref<128xi32, #tpu.memory_space<vmem>>) semaphore(%run_scoped3A : memref<!tpu.dma_semaphore, #tpu.memory_space<semaphore_mem>>) {add = true}
        %dma_wait3A_189 = arith.constant 0 : i32
        %dma_wait3A_190 = tpu.memref_slice %arg8[%add3A_151, %dma_wait3A_189] : memref<82x128xi32, #tpu.memory_space<vmem>> -> memref<1x128xi32, #tpu.memory_space<vmem>>
        %dma_wait3A_191 = tpu.memref_squeeze %dma_wait3A_190 : memref<1x128xi32, #tpu.memory_space<vmem>> -> memref<128xi32, #tpu.memory_space<vmem>>
        %dma_wait3A_192 = arith.constant 0 : i32
        %dma_wait3A_193 = arith.constant 0 : i32
        %dma_wait3A_194 = tpu.memref_slice %arg15[%dma_wait3A_192, %dma_wait3A_193] : memref<10112x80xf32, #tpu.memory_space<vmem_shared>> -> memref<10112x80xf32, #tpu.memory_space<vmem_shared>>
        tpu.wait_indirect_dma semaphore(%run_scoped3A : memref<!tpu.dma_semaphore, #tpu.memory_space<semaphore_mem>>) src(%arg14 : memref<128x80xf32, #tpu.memory_space<vmem>>) dst(%dma_wait3A_194 : memref<10112x80xf32, #tpu.memory_space<vmem_shared>>)
        tpu.yield
      }) : () -> ()
      %add3A_167 = arith.constant 2 : i32
      %add3A_168 = arith.addi %add3A_151, %add3A_167 : i32
      %min3A_169 = arith.constant 81 : i32
      %min3A_170 = arith.minsi %add3A_168, %min3A_169 : i32
      %dma_start3A_171 = arith.constant 0 : i32
      %dma_start3A_172 = tpu.memref_slice %arg7[%min3A_170, %dma_start3A_171] : memref<82x128xi32, #tpu.memory_space<vmem>> -> memref<1x128xi32, #tpu.memory_space<vmem>>
      %dma_start3A_173 = tpu.memref_squeeze %dma_start3A_172 : memref<1x128xi32, #tpu.memory_space<vmem>> -> memref<128xi32, #tpu.memory_space<vmem>>
      %dma_start3A_174 = arith.constant 0 : i32
      %dma_start3A_175 = arith.constant 0 : i32
      %dma_start3A_176 = tpu.memref_slice %arg4[%dma_start3A_174, %dma_start3A_175] : memref<10000x80xf32, #tpu.memory_space<hbm>> -> memref<10000x80xf32, #tpu.memory_space<hbm>>
      tpu.enqueue_indirect_dma source(%dma_start3A_176 : memref<10000x80xf32, #tpu.memory_space<hbm>>) target(%arg11 : memref<128x80xf32, #tpu.memory_space<vmem>>) offsets(%dma_start3A_173 : memref<128xi32, #tpu.memory_space<vmem>>) semaphore(%arg17 : memref<!tpu.dma_semaphore, #tpu.memory_space<semaphore_mem>>)
      %dma_start3A_177 = arith.constant 0 : i32
      %dma_start3A_178 = tpu.memref_slice %arg8[%min3A_170, %dma_start3A_177] : memref<82x128xi32, #tpu.memory_space<vmem>> -> memref<1x128xi32, #tpu.memory_space<vmem>>
      %dma_start3A_179 = tpu.memref_squeeze %dma_start3A_178 : memref<1x128xi32, #tpu.memory_space<vmem>> -> memref<128xi32, #tpu.memory_space<vmem>>
      %dma_start3A_180 = arith.constant 0 : i32
      %dma_start3A_181 = arith.constant 0 : i32
      %dma_start3A_182 = tpu.memref_slice %arg5[%dma_start3A_180, %dma_start3A_181] : memref<10000x16xf32, #tpu.memory_space<hbm>> -> memref<10000x16xf32, #tpu.memory_space<hbm>>
      tpu.enqueue_indirect_dma source(%dma_start3A_182 : memref<10000x16xf32, #tpu.memory_space<hbm>>) target(%arg12 : memref<128x16xf32, #tpu.memory_space<vmem>>) offsets(%dma_start3A_179 : memref<128xi32, #tpu.memory_space<vmem>>) semaphore(%arg17 : memref<!tpu.dma_semaphore, #tpu.memory_space<semaphore_mem>>)
    }
    %scan3A_87 = arith.constant 41 : i32
    %dma_wait3A = arith.constant 0 : i32
    %dma_wait3A_88 = arith.constant 0 : i32
    %dma_wait3A_89 = tpu.memref_slice %arg7[%dma_wait3A, %dma_wait3A_88] : memref<82x128xi32, #tpu.memory_space<vmem>> -> memref<1x128xi32, #tpu.memory_space<vmem>>
    %dma_wait3A_90 = tpu.memref_squeeze %dma_wait3A_89 : memref<1x128xi32, #tpu.memory_space<vmem>> -> memref<128xi32, #tpu.memory_space<vmem>>
    %dma_wait3A_91 = arith.constant 0 : i32
    %dma_wait3A_92 = arith.constant 0 : i32
    %dma_wait3A_93 = tpu.memref_slice %arg4[%dma_wait3A_91, %dma_wait3A_92] : memref<10000x80xf32, #tpu.memory_space<hbm>> -> memref<10000x80xf32, #tpu.memory_space<hbm>>
    tpu.wait_indirect_dma semaphore(%arg16 : memref<!tpu.dma_semaphore, #tpu.memory_space<semaphore_mem>>) src(%dma_wait3A_93 : memref<10000x80xf32, #tpu.memory_space<hbm>>) dst(%arg9 : memref<128x80xf32, #tpu.memory_space<vmem>>)
    %dma_wait3A_94 = arith.constant 0 : i32
    %dma_wait3A_95 = arith.constant 0 : i32
    %dma_wait3A_96 = tpu.memref_slice %arg8[%dma_wait3A_94, %dma_wait3A_95] : memref<82x128xi32, #tpu.memory_space<vmem>> -> memref<1x128xi32, #tpu.memory_space<vmem>>
    %dma_wait3A_97 = tpu.memref_squeeze %dma_wait3A_96 : memref<1x128xi32, #tpu.memory_space<vmem>> -> memref<128xi32, #tpu.memory_space<vmem>>
    %dma_wait3A_98 = arith.constant 0 : i32
    %dma_wait3A_99 = arith.constant 0 : i32
    %dma_wait3A_100 = tpu.memref_slice %arg5[%dma_wait3A_98, %dma_wait3A_99] : memref<10000x16xf32, #tpu.memory_space<hbm>> -> memref<10000x16xf32, #tpu.memory_space<hbm>>
    tpu.wait_indirect_dma semaphore(%arg16 : memref<!tpu.dma_semaphore, #tpu.memory_space<semaphore_mem>>) src(%dma_wait3A_100 : memref<10000x16xf32, #tpu.memory_space<hbm>>) dst(%arg10 : memref<128x16xf32, #tpu.memory_space<vmem>>)
    %dma_wait3A_101 = arith.constant 1 : i32
    %dma_wait3A_102 = arith.constant 0 : i32
    %dma_wait3A_103 = tpu.memref_slice %arg7[%dma_wait3A_101, %dma_wait3A_102] : memref<82x128xi32, #tpu.memory_space<vmem>> -> memref<1x128xi32, #tpu.memory_space<vmem>>
    %dma_wait3A_104 = tpu.memref_squeeze %dma_wait3A_103 : memref<1x128xi32, #tpu.memory_space<vmem>> -> memref<128xi32, #tpu.memory_space<vmem>>
    %dma_wait3A_105 = arith.constant 0 : i32
    %dma_wait3A_106 = arith.constant 0 : i32
    %dma_wait3A_107 = tpu.memref_slice %arg4[%dma_wait3A_105, %dma_wait3A_106] : memref<10000x80xf32, #tpu.memory_space<hbm>> -> memref<10000x80xf32, #tpu.memory_space<hbm>>
    tpu.wait_indirect_dma semaphore(%arg17 : memref<!tpu.dma_semaphore, #tpu.memory_space<semaphore_mem>>) src(%dma_wait3A_107 : memref<10000x80xf32, #tpu.memory_space<hbm>>) dst(%arg11 : memref<128x80xf32, #tpu.memory_space<vmem>>)
    %dma_wait3A_108 = arith.constant 1 : i32
    %dma_wait3A_109 = arith.constant 0 : i32
    %dma_wait3A_110 = tpu.memref_slice %arg8[%dma_wait3A_108, %dma_wait3A_109] : memref<82x128xi32, #tpu.memory_space<vmem>> -> memref<1x128xi32, #tpu.memory_space<vmem>>
    %dma_wait3A_111 = tpu.memref_squeeze %dma_wait3A_110 : memref<1x128xi32, #tpu.memory_space<vmem>> -> memref<128xi32, #tpu.memory_space<vmem>>
    %dma_wait3A_112 = arith.constant 0 : i32
    %dma_wait3A_113 = arith.constant 0 : i32
    %dma_wait3A_114 = tpu.memref_slice %arg5[%dma_wait3A_112, %dma_wait3A_113] : memref<10000x16xf32, #tpu.memory_space<hbm>> -> memref<10000x16xf32, #tpu.memory_space<hbm>>
    tpu.wait_indirect_dma semaphore(%arg17 : memref<!tpu.dma_semaphore, #tpu.memory_space<semaphore_mem>>) src(%dma_wait3A_114 : memref<10000x16xf32, #tpu.memory_space<hbm>>) dst(%arg12 : memref<128x16xf32, #tpu.memory_space<vmem>>)
    %barrier3A_115 = arith.constant 0 : index
    tpu.barrier barrier_id(%barrier3A_115)
    "tpu.region"() ({
      %run_scoped3A = tpu.sem_alloc : memref<!tpu.dma_semaphore, #tpu.memory_space<semaphore_mem>>
      %dma_start3A_116 = arith.constant 0 : i32
      %dma_start3A_117 = tpu.memref_slice %arg6[%arg0, %mul3A_6, %dma_start3A_116] : memref<2x10112x80xf32, #tpu.memory_space<hbm>> -> memref<1x632x80xf32, #tpu.memory_space<hbm>>
      %dma_start3A_118 = tpu.memref_squeeze %dma_start3A_117 : memref<1x632x80xf32, #tpu.memory_space<hbm>> -> memref<632x80xf32, #tpu.memory_space<hbm>>
      %dma_start3A_119 = arith.constant 0 : i32
      %dma_start3A_120 = tpu.memref_slice %arg15[%mul3A_6, %dma_start3A_119] : memref<10112x80xf32, #tpu.memory_space<vmem_shared>> -> memref<632x80xf32, #tpu.memory_space<vmem_shared>>
      tpu.enqueue_dma source(%dma_start3A_120 : memref<632x80xf32, #tpu.memory_space<vmem_shared>>) target(%dma_start3A_118 : memref<632x80xf32, #tpu.memory_space<hbm>>) target_semaphore(%run_scoped3A : memref<!tpu.dma_semaphore, #tpu.memory_space<semaphore_mem>>)
      %dma_wait3A_121 = arith.constant 0 : i32
      %dma_wait3A_122 = tpu.memref_slice %arg6[%arg0, %mul3A_6, %dma_wait3A_121] : memref<2x10112x80xf32, #tpu.memory_space<hbm>> -> memref<1x632x80xf32, #tpu.memory_space<hbm>>
      %dma_wait3A_123 = tpu.memref_squeeze %dma_wait3A_122 : memref<1x632x80xf32, #tpu.memory_space<hbm>> -> memref<632x80xf32, #tpu.memory_space<hbm>>
      %dma_wait3A_124 = arith.constant 0 : i32
      %dma_wait3A_125 = tpu.memref_slice %arg15[%mul3A_6, %dma_wait3A_124] : memref<10112x80xf32, #tpu.memory_space<vmem_shared>> -> memref<632x80xf32, #tpu.memory_space<vmem_shared>>
      tpu.wait_dma2 semaphore(%run_scoped3A : memref<!tpu.dma_semaphore, #tpu.memory_space<semaphore_mem>>) src(%dma_wait3A_125 : memref<632x80xf32, #tpu.memory_space<vmem_shared>>) dst(%dma_wait3A_123 : memref<632x80xf32, #tpu.memory_space<hbm>>)
      tpu.yield
    }) : () -> ()
    return
  }
}

#map = affine_map<(d0, d1) -> (0, 0)>
#map1 = affine_map<(d0, d1) -> (0, 0, 0)>
module attributes {stable_mosaic.version = 14 : i64} {
  func.func @sc_gat_edges_l2(%arg0: i32, %arg1: i32, %arg2: memref<2624x128xi32, #tpu.memory_space<hbm>>, %arg3: memref<2624x128xi32, #tpu.memory_space<hbm>>, %arg4: memref<10000x32xf32, #tpu.memory_space<hbm>>, %arg5: memref<10000x16xf32, #tpu.memory_space<hbm>>, %arg6: memref<2x10112x32xf32, #tpu.memory_space<hbm>>, %arg7: memref<82x128xi32, #tpu.memory_space<vmem>>, %arg8: memref<82x128xi32, #tpu.memory_space<vmem>>, %arg9: memref<128x32xf32, #tpu.memory_space<vmem>>, %arg10: memref<128x16xf32, #tpu.memory_space<vmem>>, %arg11: memref<128x32xf32, #tpu.memory_space<vmem>>, %arg12: memref<128x16xf32, #tpu.memory_space<vmem>>, %arg13: memref<128x32xf32, #tpu.memory_space<vmem>>, %arg14: memref<128x32xf32, #tpu.memory_space<vmem>>, %arg15: memref<10112x32xf32, #tpu.memory_space<vmem_shared>>, %arg16: memref<!tpu.dma_semaphore, #tpu.memory_space<semaphore_mem>>, %arg17: memref<!tpu.dma_semaphore, #tpu.memory_space<semaphore_mem>>) attributes {dimension_semantics = [#tpu.dimension_semantics<core_parallel>, #tpu.dimension_semantics<subcore_parallel>], iteration_bounds = array<i64: 2, 16>, scalar_prefetch = 0 : i64, scratch_operands = 11 : i64, tpu.core_type = #tpu.core_type<sc_vector_subcore>, window_params = [{transform_indices = #map}, {transform_indices = #map}, {transform_indices = #map}, {transform_indices = #map}, {transform_indices = #map1}]} {
    %mul3A = arith.constant 16 : i32
    %mul3A_0 = arith.muli %arg0, %mul3A : i32
    %add3A = arith.addi %mul3A_0, %arg1 : i32
    %scan3A = arith.constant 0 : i32
    %scan3A_1 = arith.constant 128 : i32
    %scan3A_2 = arith.addi %scan3A, %scan3A_1 : i32
    %scan3A_3 = arith.constant 1 : i32
    scf.for %scan3A_107 = %scan3A to %scan3A_2 step %scan3A_3  : i32 {
      %mul3A_108 = arith.constant 1 : i32
      %mul3A_109 = arith.muli %scan3A_107, %mul3A_108 : i32
      %add3A_110 = arith.constant 0 : i32
      %add3A_111 = arith.addi %add3A_110, %mul3A_109 : i32
      %broadcast_in_dim3A = arith.constant 0.000000e+00 : f32
      %broadcast_in_dim3A_112 = vector.broadcast %broadcast_in_dim3A : f32 to vector<16xf32>
      %swap3A = arith.index_cast %add3A_111 : i32 to index
      %swap3A_113 = arith.constant 0 : index
      %swap3A_114 = tpu.vector_load %arg9[%swap3A, %swap3A_113] {strides = array<i32>} : memref<128x32xf32, #tpu.memory_space<vmem>>, vector<16xf32>,
      tpu.vector_store %arg9[%swap3A, %swap3A_113], %broadcast_in_dim3A_112 {strides = array<i32>} : memref<128x32xf32, #tpu.memory_space<vmem>>, vector<16xf32>,
      %broadcast_in_dim3A_115 = arith.constant 0.000000e+00 : f32
      %broadcast_in_dim3A_116 = vector.broadcast %broadcast_in_dim3A_115 : f32 to vector<16xf32>
      %swap3A_117 = arith.index_cast %add3A_111 : i32 to index
      %swap3A_118 = arith.constant 16 : index
      %swap3A_119 = tpu.vector_load %arg9[%swap3A_117, %swap3A_118] {strides = array<i32>} : memref<128x32xf32, #tpu.memory_space<vmem>>, vector<16xf32>,
      tpu.vector_store %arg9[%swap3A_117, %swap3A_118], %broadcast_in_dim3A_116 {strides = array<i32>} : memref<128x32xf32, #tpu.memory_space<vmem>>, vector<16xf32>,
    }
    %scan3A_4 = arith.constant 128 : i32
    %mul3A_5 = arith.constant 632 : i32
    %mul3A_6 = arith.muli %arg1, %mul3A_5 : i32
    %add3A_7 = arith.constant 0 : i32
    %add3A_8 = arith.addi %mul3A_6, %add3A_7 : i32
    "tpu.region"() ({
      %run_scoped3A = tpu.sem_alloc : memref<!tpu.dma_semaphore, #tpu.memory_space<semaphore_mem>>
      %dma_start3A_107 = arith.constant 0 : i32
      %dma_start3A_108 = arith.constant 0 : i32
      %dma_start3A_109 = tpu.memref_slice %arg9[%dma_start3A_107, %dma_start3A_108] : memref<128x32xf32, #tpu.memory_space<vmem>> -> memref<128x32xf32, #tpu.memory_space<vmem>>
      %dma_start3A_110 = arith.constant 0 : i32
      %dma_start3A_111 = tpu.memref_slice %arg15[%add3A_8, %dma_start3A_110] : memref<10112x32xf32, #tpu.memory_space<vmem_shared>> -> memref<128x32xf32, #tpu.memory_space<vmem_shared>>
      %dma_start3A_112 = arith.constant 0 : i32
      %dma_start3A_113 = tpu.memref_slice %arg15[%add3A_8, %dma_start3A_112] : memref<10112x32xf32, #tpu.memory_space<vmem_shared>> -> memref<128x32xf32, #tpu.memory_space<vmem_shared>>
      %dma_start3A_114 = arith.constant 0 : i32
      %dma_start3A_115 = arith.constant 0 : i32
      %dma_start3A_116 = tpu.memref_slice %arg9[%dma_start3A_114, %dma_start3A_115] : memref<128x32xf32, #tpu.memory_space<vmem>> -> memref<128x32xf32, #tpu.memory_space<vmem>>
      tpu.enqueue_dma source(%dma_start3A_116 : memref<128x32xf32, #tpu.memory_space<vmem>>) target(%dma_start3A_113 : memref<128x32xf32, #tpu.memory_space<vmem_shared>>) target_semaphore(%run_scoped3A : memref<!tpu.dma_semaphore, #tpu.memory_space<semaphore_mem>>)
      %dma_wait3A_117 = arith.constant 0 : i32
      %dma_wait3A_118 = arith.constant 0 : i32
      %dma_wait3A_119 = tpu.memref_slice %arg9[%dma_wait3A_117, %dma_wait3A_118] : memref<128x32xf32, #tpu.memory_space<vmem>> -> memref<128x32xf32, #tpu.memory_space<vmem>>
      %dma_wait3A_120 = arith.constant 0 : i32
      %dma_wait3A_121 = tpu.memref_slice %arg15[%add3A_8, %dma_wait3A_120] : memref<10112x32xf32, #tpu.memory_space<vmem_shared>> -> memref<128x32xf32, #tpu.memory_space<vmem_shared>>
      %dma_wait3A_122 = arith.constant 0 : i32
      %dma_wait3A_123 = tpu.memref_slice %arg15[%add3A_8, %dma_wait3A_122] : memref<10112x32xf32, #tpu.memory_space<vmem_shared>> -> memref<128x32xf32, #tpu.memory_space<vmem_shared>>
      %dma_wait3A_124 = arith.constant 0 : i32
      %dma_wait3A_125 = arith.constant 0 : i32
      %dma_wait3A_126 = tpu.memref_slice %arg9[%dma_wait3A_124, %dma_wait3A_125] : memref<128x32xf32, #tpu.memory_space<vmem>> -> memref<128x32xf32, #tpu.memory_space<vmem>>
      tpu.wait_dma2 semaphore(%run_scoped3A : memref<!tpu.dma_semaphore, #tpu.memory_space<semaphore_mem>>) src(%dma_wait3A_126 : memref<128x32xf32, #tpu.memory_space<vmem>>) dst(%dma_wait3A_123 : memref<128x32xf32, #tpu.memory_space<vmem_shared>>)
      tpu.yield
    }) : () -> ()
    %add3A_9 = arith.constant 128 : i32
    %add3A_10 = arith.addi %mul3A_6, %add3A_9 : i32
    "tpu.region"() ({
      %run_scoped3A = tpu.sem_alloc : memref<!tpu.dma_semaphore, #tpu.memory_space<semaphore_mem>>
      %dma_start3A_107 = arith.constant 0 : i32
      %dma_start3A_108 = arith.constant 0 : i32
      %dma_start3A_109 = tpu.memref_slice %arg9[%dma_start3A_107, %dma_start3A_108] : memref<128x32xf32, #tpu.memory_space<vmem>> -> memref<128x32xf32, #tpu.memory_space<vmem>>
      %dma_start3A_110 = arith.constant 0 : i32
      %dma_start3A_111 = tpu.memref_slice %arg15[%add3A_10, %dma_start3A_110] : memref<10112x32xf32, #tpu.memory_space<vmem_shared>> -> memref<128x32xf32, #tpu.memory_space<vmem_shared>>
      %dma_start3A_112 = arith.constant 0 : i32
      %dma_start3A_113 = tpu.memref_slice %arg15[%add3A_10, %dma_start3A_112] : memref<10112x32xf32, #tpu.memory_space<vmem_shared>> -> memref<128x32xf32, #tpu.memory_space<vmem_shared>>
      %dma_start3A_114 = arith.constant 0 : i32
      %dma_start3A_115 = arith.constant 0 : i32
      %dma_start3A_116 = tpu.memref_slice %arg9[%dma_start3A_114, %dma_start3A_115] : memref<128x32xf32, #tpu.memory_space<vmem>> -> memref<128x32xf32, #tpu.memory_space<vmem>>
      tpu.enqueue_dma source(%dma_start3A_116 : memref<128x32xf32, #tpu.memory_space<vmem>>) target(%dma_start3A_113 : memref<128x32xf32, #tpu.memory_space<vmem_shared>>) target_semaphore(%run_scoped3A : memref<!tpu.dma_semaphore, #tpu.memory_space<semaphore_mem>>)
      %dma_wait3A_117 = arith.constant 0 : i32
      %dma_wait3A_118 = arith.constant 0 : i32
      %dma_wait3A_119 = tpu.memref_slice %arg9[%dma_wait3A_117, %dma_wait3A_118] : memref<128x32xf32, #tpu.memory_space<vmem>> -> memref<128x32xf32, #tpu.memory_space<vmem>>
      %dma_wait3A_120 = arith.constant 0 : i32
      %dma_wait3A_121 = tpu.memref_slice %arg15[%add3A_10, %dma_wait3A_120] : memref<10112x32xf32, #tpu.memory_space<vmem_shared>> -> memref<128x32xf32, #tpu.memory_space<vmem_shared>>
      %dma_wait3A_122 = arith.constant 0 : i32
      %dma_wait3A_123 = tpu.memref_slice %arg15[%add3A_10, %dma_wait3A_122] : memref<10112x32xf32, #tpu.memory_space<vmem_shared>> -> memref<128x32xf32, #tpu.memory_space<vmem_shared>>
      %dma_wait3A_124 = arith.constant 0 : i32
      %dma_wait3A_125 = arith.constant 0 : i32
      %dma_wait3A_126 = tpu.memref_slice %arg9[%dma_wait3A_124, %dma_wait3A_125] : memref<128x32xf32, #tpu.memory_space<vmem>> -> memref<128x32xf32, #tpu.memory_space<vmem>>
      tpu.wait_dma2 semaphore(%run_scoped3A : memref<!tpu.dma_semaphore, #tpu.memory_space<semaphore_mem>>) src(%dma_wait3A_126 : memref<128x32xf32, #tpu.memory_space<vmem>>) dst(%dma_wait3A_123 : memref<128x32xf32, #tpu.memory_space<vmem_shared>>)
      tpu.yield
    }) : () -> ()
    %add3A_11 = arith.constant 256 : i32
    %add3A_12 = arith.addi %mul3A_6, %add3A_11 : i32
    "tpu.region"() ({
      %run_scoped3A = tpu.sem_alloc : memref<!tpu.dma_semaphore, #tpu.memory_space<semaphore_mem>>
      %dma_start3A_107 = arith.constant 0 : i32
      %dma_start3A_108 = arith.constant 0 : i32
      %dma_start3A_109 = tpu.memref_slice %arg9[%dma_start3A_107, %dma_start3A_108] : memref<128x32xf32, #tpu.memory_space<vmem>> -> memref<128x32xf32, #tpu.memory_space<vmem>>
      %dma_start3A_110 = arith.constant 0 : i32
      %dma_start3A_111 = tpu.memref_slice %arg15[%add3A_12, %dma_start3A_110] : memref<10112x32xf32, #tpu.memory_space<vmem_shared>> -> memref<128x32xf32, #tpu.memory_space<vmem_shared>>
      %dma_start3A_112 = arith.constant 0 : i32
      %dma_start3A_113 = tpu.memref_slice %arg15[%add3A_12, %dma_start3A_112] : memref<10112x32xf32, #tpu.memory_space<vmem_shared>> -> memref<128x32xf32, #tpu.memory_space<vmem_shared>>
      %dma_start3A_114 = arith.constant 0 : i32
      %dma_start3A_115 = arith.constant 0 : i32
      %dma_start3A_116 = tpu.memref_slice %arg9[%dma_start3A_114, %dma_start3A_115] : memref<128x32xf32, #tpu.memory_space<vmem>> -> memref<128x32xf32, #tpu.memory_space<vmem>>
      tpu.enqueue_dma source(%dma_start3A_116 : memref<128x32xf32, #tpu.memory_space<vmem>>) target(%dma_start3A_113 : memref<128x32xf32, #tpu.memory_space<vmem_shared>>) target_semaphore(%run_scoped3A : memref<!tpu.dma_semaphore, #tpu.memory_space<semaphore_mem>>)
      %dma_wait3A_117 = arith.constant 0 : i32
      %dma_wait3A_118 = arith.constant 0 : i32
      %dma_wait3A_119 = tpu.memref_slice %arg9[%dma_wait3A_117, %dma_wait3A_118] : memref<128x32xf32, #tpu.memory_space<vmem>> -> memref<128x32xf32, #tpu.memory_space<vmem>>
      %dma_wait3A_120 = arith.constant 0 : i32
      %dma_wait3A_121 = tpu.memref_slice %arg15[%add3A_12, %dma_wait3A_120] : memref<10112x32xf32, #tpu.memory_space<vmem_shared>> -> memref<128x32xf32, #tpu.memory_space<vmem_shared>>
      %dma_wait3A_122 = arith.constant 0 : i32
      %dma_wait3A_123 = tpu.memref_slice %arg15[%add3A_12, %dma_wait3A_122] : memref<10112x32xf32, #tpu.memory_space<vmem_shared>> -> memref<128x32xf32, #tpu.memory_space<vmem_shared>>
      %dma_wait3A_124 = arith.constant 0 : i32
      %dma_wait3A_125 = arith.constant 0 : i32
      %dma_wait3A_126 = tpu.memref_slice %arg9[%dma_wait3A_124, %dma_wait3A_125] : memref<128x32xf32, #tpu.memory_space<vmem>> -> memref<128x32xf32, #tpu.memory_space<vmem>>
      tpu.wait_dma2 semaphore(%run_scoped3A : memref<!tpu.dma_semaphore, #tpu.memory_space<semaphore_mem>>) src(%dma_wait3A_126 : memref<128x32xf32, #tpu.memory_space<vmem>>) dst(%dma_wait3A_123 : memref<128x32xf32, #tpu.memory_space<vmem_shared>>)
      tpu.yield
    }) : () -> ()
    %add3A_13 = arith.constant 384 : i32
    %add3A_14 = arith.addi %mul3A_6, %add3A_13 : i32
    "tpu.region"() ({
      %run_scoped3A = tpu.sem_alloc : memref<!tpu.dma_semaphore, #tpu.memory_space<semaphore_mem>>
      %dma_start3A_107 = arith.constant 0 : i32
      %dma_start3A_108 = arith.constant 0 : i32
      %dma_start3A_109 = tpu.memref_slice %arg9[%dma_start3A_107, %dma_start3A_108] : memref<128x32xf32, #tpu.memory_space<vmem>> -> memref<128x32xf32, #tpu.memory_space<vmem>>
      %dma_start3A_110 = arith.constant 0 : i32
      %dma_start3A_111 = tpu.memref_slice %arg15[%add3A_14, %dma_start3A_110] : memref<10112x32xf32, #tpu.memory_space<vmem_shared>> -> memref<128x32xf32, #tpu.memory_space<vmem_shared>>
      %dma_start3A_112 = arith.constant 0 : i32
      %dma_start3A_113 = tpu.memref_slice %arg15[%add3A_14, %dma_start3A_112] : memref<10112x32xf32, #tpu.memory_space<vmem_shared>> -> memref<128x32xf32, #tpu.memory_space<vmem_shared>>
      %dma_start3A_114 = arith.constant 0 : i32
      %dma_start3A_115 = arith.constant 0 : i32
      %dma_start3A_116 = tpu.memref_slice %arg9[%dma_start3A_114, %dma_start3A_115] : memref<128x32xf32, #tpu.memory_space<vmem>> -> memref<128x32xf32, #tpu.memory_space<vmem>>
      tpu.enqueue_dma source(%dma_start3A_116 : memref<128x32xf32, #tpu.memory_space<vmem>>) target(%dma_start3A_113 : memref<128x32xf32, #tpu.memory_space<vmem_shared>>) target_semaphore(%run_scoped3A : memref<!tpu.dma_semaphore, #tpu.memory_space<semaphore_mem>>)
      %dma_wait3A_117 = arith.constant 0 : i32
      %dma_wait3A_118 = arith.constant 0 : i32
      %dma_wait3A_119 = tpu.memref_slice %arg9[%dma_wait3A_117, %dma_wait3A_118] : memref<128x32xf32, #tpu.memory_space<vmem>> -> memref<128x32xf32, #tpu.memory_space<vmem>>
      %dma_wait3A_120 = arith.constant 0 : i32
      %dma_wait3A_121 = tpu.memref_slice %arg15[%add3A_14, %dma_wait3A_120] : memref<10112x32xf32, #tpu.memory_space<vmem_shared>> -> memref<128x32xf32, #tpu.memory_space<vmem_shared>>
      %dma_wait3A_122 = arith.constant 0 : i32
      %dma_wait3A_123 = tpu.memref_slice %arg15[%add3A_14, %dma_wait3A_122] : memref<10112x32xf32, #tpu.memory_space<vmem_shared>> -> memref<128x32xf32, #tpu.memory_space<vmem_shared>>
      %dma_wait3A_124 = arith.constant 0 : i32
      %dma_wait3A_125 = arith.constant 0 : i32
      %dma_wait3A_126 = tpu.memref_slice %arg9[%dma_wait3A_124, %dma_wait3A_125] : memref<128x32xf32, #tpu.memory_space<vmem>> -> memref<128x32xf32, #tpu.memory_space<vmem>>
      tpu.wait_dma2 semaphore(%run_scoped3A : memref<!tpu.dma_semaphore, #tpu.memory_space<semaphore_mem>>) src(%dma_wait3A_126 : memref<128x32xf32, #tpu.memory_space<vmem>>) dst(%dma_wait3A_123 : memref<128x32xf32, #tpu.memory_space<vmem_shared>>)
      tpu.yield
    }) : () -> ()
    %add3A_15 = arith.constant 512 : i32
    %add3A_16 = arith.addi %mul3A_6, %add3A_15 : i32
    "tpu.region"() ({
      %run_scoped3A = tpu.sem_alloc : memref<!tpu.dma_semaphore, #tpu.memory_space<semaphore_mem>>
      %dma_start3A_107 = arith.constant 0 : i32
      %dma_start3A_108 = arith.constant 0 : i32
      %dma_start3A_109 = tpu.memref_slice %arg9[%dma_start3A_107, %dma_start3A_108] : memref<128x32xf32, #tpu.memory_space<vmem>> -> memref<120x32xf32, #tpu.memory_space<vmem>>
      %dma_start3A_110 = arith.constant 0 : i32
      %dma_start3A_111 = tpu.memref_slice %arg15[%add3A_16, %dma_start3A_110] : memref<10112x32xf32, #tpu.memory_space<vmem_shared>> -> memref<120x32xf32, #tpu.memory_space<vmem_shared>>
      %dma_start3A_112 = arith.constant 0 : i32
      %dma_start3A_113 = tpu.memref_slice %arg15[%add3A_16, %dma_start3A_112] : memref<10112x32xf32, #tpu.memory_space<vmem_shared>> -> memref<120x32xf32, #tpu.memory_space<vmem_shared>>
      %dma_start3A_114 = arith.constant 0 : i32
      %dma_start3A_115 = arith.constant 0 : i32
      %dma_start3A_116 = tpu.memref_slice %arg9[%dma_start3A_114, %dma_start3A_115] : memref<128x32xf32, #tpu.memory_space<vmem>> -> memref<120x32xf32, #tpu.memory_space<vmem>>
      tpu.enqueue_dma source(%dma_start3A_116 : memref<120x32xf32, #tpu.memory_space<vmem>>) target(%dma_start3A_113 : memref<120x32xf32, #tpu.memory_space<vmem_shared>>) target_semaphore(%run_scoped3A : memref<!tpu.dma_semaphore, #tpu.memory_space<semaphore_mem>>)
      %dma_wait3A_117 = arith.constant 0 : i32
      %dma_wait3A_118 = arith.constant 0 : i32
      %dma_wait3A_119 = tpu.memref_slice %arg9[%dma_wait3A_117, %dma_wait3A_118] : memref<128x32xf32, #tpu.memory_space<vmem>> -> memref<120x32xf32, #tpu.memory_space<vmem>>
      %dma_wait3A_120 = arith.constant 0 : i32
      %dma_wait3A_121 = tpu.memref_slice %arg15[%add3A_16, %dma_wait3A_120] : memref<10112x32xf32, #tpu.memory_space<vmem_shared>> -> memref<120x32xf32, #tpu.memory_space<vmem_shared>>
      %dma_wait3A_122 = arith.constant 0 : i32
      %dma_wait3A_123 = tpu.memref_slice %arg15[%add3A_16, %dma_wait3A_122] : memref<10112x32xf32, #tpu.memory_space<vmem_shared>> -> memref<120x32xf32, #tpu.memory_space<vmem_shared>>
      %dma_wait3A_124 = arith.constant 0 : i32
      %dma_wait3A_125 = arith.constant 0 : i32
      %dma_wait3A_126 = tpu.memref_slice %arg9[%dma_wait3A_124, %dma_wait3A_125] : memref<128x32xf32, #tpu.memory_space<vmem>> -> memref<120x32xf32, #tpu.memory_space<vmem>>
      tpu.wait_dma2 semaphore(%run_scoped3A : memref<!tpu.dma_semaphore, #tpu.memory_space<semaphore_mem>>) src(%dma_wait3A_126 : memref<120x32xf32, #tpu.memory_space<vmem>>) dst(%dma_wait3A_123 : memref<120x32xf32, #tpu.memory_space<vmem_shared>>)
      tpu.yield
    }) : () -> ()
    %barrier3A = arith.constant 0 : index
    tpu.barrier barrier_id(%barrier3A)
    %mul3A_17 = arith.constant 82 : i32
    %mul3A_18 = arith.muli %add3A, %mul3A_17 : i32
    "tpu.region"() ({
      %run_scoped3A = tpu.sem_alloc : memref<!tpu.dma_semaphore, #tpu.memory_space<semaphore_mem>>
      %dma_start3A_107 = arith.constant 0 : i32
      %dma_start3A_108 = tpu.memref_slice %arg2[%mul3A_18, %dma_start3A_107] : memref<2624x128xi32, #tpu.memory_space<hbm>> -> memref<82x128xi32, #tpu.memory_space<hbm>>
      %dma_start3A_109 = arith.constant 0 : i32
      %dma_start3A_110 = tpu.memref_slice %arg2[%mul3A_18, %dma_start3A_109] : memref<2624x128xi32, #tpu.memory_space<hbm>> -> memref<82x128xi32, #tpu.memory_space<hbm>>
      tpu.enqueue_dma source(%dma_start3A_110 : memref<82x128xi32, #tpu.memory_space<hbm>>) target(%arg7 : memref<82x128xi32, #tpu.memory_space<vmem>>) target_semaphore(%run_scoped3A : memref<!tpu.dma_semaphore, #tpu.memory_space<semaphore_mem>>)
      %dma_wait3A_111 = arith.constant 0 : i32
      %dma_wait3A_112 = tpu.memref_slice %arg2[%mul3A_18, %dma_wait3A_111] : memref<2624x128xi32, #tpu.memory_space<hbm>> -> memref<82x128xi32, #tpu.memory_space<hbm>>
      %dma_wait3A_113 = arith.constant 0 : i32
      %dma_wait3A_114 = tpu.memref_slice %arg2[%mul3A_18, %dma_wait3A_113] : memref<2624x128xi32, #tpu.memory_space<hbm>> -> memref<82x128xi32, #tpu.memory_space<hbm>>
      tpu.wait_dma2 semaphore(%run_scoped3A : memref<!tpu.dma_semaphore, #tpu.memory_space<semaphore_mem>>) src(%dma_wait3A_114 : memref<82x128xi32, #tpu.memory_space<hbm>>) dst(%arg7 : memref<82x128xi32, #tpu.memory_space<vmem>>)
      tpu.yield
    }) : () -> ()
    %mul3A_19 = arith.constant 82 : i32
    %mul3A_20 = arith.muli %add3A, %mul3A_19 : i32
    "tpu.region"() ({
      %run_scoped3A = tpu.sem_alloc : memref<!tpu.dma_semaphore, #tpu.memory_space<semaphore_mem>>
      %dma_start3A_107 = arith.constant 0 : i32
      %dma_start3A_108 = tpu.memref_slice %arg3[%mul3A_20, %dma_start3A_107] : memref<2624x128xi32, #tpu.memory_space<hbm>> -> memref<82x128xi32, #tpu.memory_space<hbm>>
      %dma_start3A_109 = arith.constant 0 : i32
      %dma_start3A_110 = tpu.memref_slice %arg3[%mul3A_20, %dma_start3A_109] : memref<2624x128xi32, #tpu.memory_space<hbm>> -> memref<82x128xi32, #tpu.memory_space<hbm>>
      tpu.enqueue_dma source(%dma_start3A_110 : memref<82x128xi32, #tpu.memory_space<hbm>>) target(%arg8 : memref<82x128xi32, #tpu.memory_space<vmem>>) target_semaphore(%run_scoped3A : memref<!tpu.dma_semaphore, #tpu.memory_space<semaphore_mem>>)
      %dma_wait3A_111 = arith.constant 0 : i32
      %dma_wait3A_112 = tpu.memref_slice %arg3[%mul3A_20, %dma_wait3A_111] : memref<2624x128xi32, #tpu.memory_space<hbm>> -> memref<82x128xi32, #tpu.memory_space<hbm>>
      %dma_wait3A_113 = arith.constant 0 : i32
      %dma_wait3A_114 = tpu.memref_slice %arg3[%mul3A_20, %dma_wait3A_113] : memref<2624x128xi32, #tpu.memory_space<hbm>> -> memref<82x128xi32, #tpu.memory_space<hbm>>
      tpu.wait_dma2 semaphore(%run_scoped3A : memref<!tpu.dma_semaphore, #tpu.memory_space<semaphore_mem>>) src(%dma_wait3A_114 : memref<82x128xi32, #tpu.memory_space<hbm>>) dst(%arg8 : memref<82x128xi32, #tpu.memory_space<vmem>>)
      tpu.yield
    }) : () -> ()
    %iota3A = tpu.iota {dimensions = array<i32: 0>} : vector<16xi32>
    %jit3A = arith.constant 8 : i32
    %div3A = vector.broadcast %jit3A : i32 to vector<16xi32>
    %div3A_21 = arith.divsi %iota3A, %div3A : vector<16xi32>
    %sign3A = arith.constant 0 : i32
    %sign3A_22 = vector.broadcast %sign3A : i32 to vector<16xi32>
    %sign3A_23 = arith.cmpi sgt, %iota3A, %sign3A_22 : vector<16xi32>
    %sign3A_24 = arith.extui %sign3A_23 : vector<16xi1> to vector<16xi32>
    %sign3A_25 = arith.constant 0 : i32
    %sign3A_26 = vector.broadcast %sign3A_25 : i32 to vector<16xi32>
    %sign3A_27 = arith.cmpi slt, %iota3A, %sign3A_26 : vector<16xi32>
    %sign3A_28 = arith.extui %sign3A_27 : vector<16xi1> to vector<16xi32>
    %sign3A_29 = arith.subi %sign3A_24, %sign3A_28 : vector<16xi32>
    %sign3A_30 = arith.constant 0 : i32
    %sign3A_31 = arith.cmpi sgt, %jit3A, %sign3A_30 : i32
    %sign3A_32 = arith.extui %sign3A_31 : i1 to i32
    %sign3A_33 = arith.constant 0 : i32
    %sign3A_34 = arith.cmpi slt, %jit3A, %sign3A_33 : i32
    %sign3A_35 = arith.extui %sign3A_34 : i1 to i32
    %sign3A_36 = arith.subi %sign3A_32, %sign3A_35 : i32
    %ne3A = vector.broadcast %sign3A_36 : i32 to vector<16xi32>
    %ne3A_37 = arith.cmpi ne, %sign3A_29, %ne3A : vector<16xi32>
    %rem3A = vector.broadcast %jit3A : i32 to vector<16xi32>
    %rem3A_38 = arith.remsi %iota3A, %rem3A : vector<16xi32>
    %ne3A_39 = arith.constant 0 : i32
    %ne3A_40 = vector.broadcast %ne3A_39 : i32 to vector<16xi32>
    %ne3A_41 = arith.cmpi ne, %rem3A_38, %ne3A_40 : vector<16xi32>
    %and3A = arith.andi %ne3A_37, %ne3A_41 : vector<16xi1>
    %sub3A = arith.constant 1 : i32
    %sub3A_42 = vector.broadcast %sub3A : i32 to vector<16xi32>
    %sub3A_43 = arith.subi %div3A_21, %sub3A_42 : vector<16xi32>
    %select_n3A = arith.select %and3A, %sub3A_43, %div3A_21 : vector<16xi1>, vector<16xi32>
    %add3A_44 = arith.constant 0 : i32
    %add3A_45 = vector.broadcast %add3A_44 : i32 to vector<16xi32>
    %add3A_46 = arith.addi %select_n3A, %add3A_45 : vector<16xi32>
    %dma_start3A = arith.constant 0 : i32
    %dma_start3A_47 = arith.constant 0 : i32
    %dma_start3A_48 = tpu.memref_slice %arg7[%dma_start3A, %dma_start3A_47] : memref<82x128xi32, #tpu.memory_space<vmem>> -> memref<1x128xi32, #tpu.memory_space<vmem>>
    %dma_start3A_49 = tpu.memref_squeeze %dma_start3A_48 : memref<1x128xi32, #tpu.memory_space<vmem>> -> memref<128xi32, #tpu.memory_space<vmem>>
    %dma_start3A_50 = arith.constant 0 : i32
    %dma_start3A_51 = arith.constant 0 : i32
    %dma_start3A_52 = tpu.memref_slice %arg4[%dma_start3A_50, %dma_start3A_51] : memref<10000x32xf32, #tpu.memory_space<hbm>> -> memref<10000x32xf32, #tpu.memory_space<hbm>>
    tpu.enqueue_indirect_dma source(%dma_start3A_52 : memref<10000x32xf32, #tpu.memory_space<hbm>>) target(%arg9 : memref<128x32xf32, #tpu.memory_space<vmem>>) offsets(%dma_start3A_49 : memref<128xi32, #tpu.memory_space<vmem>>) semaphore(%arg16 : memref<!tpu.dma_semaphore, #tpu.memory_space<semaphore_mem>>)
    %dma_start3A_53 = arith.constant 0 : i32
    %dma_start3A_54 = arith.constant 0 : i32
    %dma_start3A_55 = tpu.memref_slice %arg8[%dma_start3A_53, %dma_start3A_54] : memref<82x128xi32, #tpu.memory_space<vmem>> -> memref<1x128xi32, #tpu.memory_space<vmem>>
    %dma_start3A_56 = tpu.memref_squeeze %dma_start3A_55 : memref<1x128xi32, #tpu.memory_space<vmem>> -> memref<128xi32, #tpu.memory_space<vmem>>
    %dma_start3A_57 = arith.constant 0 : i32
    %dma_start3A_58 = arith.constant 0 : i32
    %dma_start3A_59 = tpu.memref_slice %arg5[%dma_start3A_57, %dma_start3A_58] : memref<10000x16xf32, #tpu.memory_space<hbm>> -> memref<10000x16xf32, #tpu.memory_space<hbm>>
    tpu.enqueue_indirect_dma source(%dma_start3A_59 : memref<10000x16xf32, #tpu.memory_space<hbm>>) target(%arg10 : memref<128x16xf32, #tpu.memory_space<vmem>>) offsets(%dma_start3A_56 : memref<128xi32, #tpu.memory_space<vmem>>) semaphore(%arg16 : memref<!tpu.dma_semaphore, #tpu.memory_space<semaphore_mem>>)
    %dma_start3A_60 = arith.constant 1 : i32
    %dma_start3A_61 = arith.constant 0 : i32
    %dma_start3A_62 = tpu.memref_slice %arg7[%dma_start3A_60, %dma_start3A_61] : memref<82x128xi32, #tpu.memory_space<vmem>> -> memref<1x128xi32, #tpu.memory_space<vmem>>
    %dma_start3A_63 = tpu.memref_squeeze %dma_start3A_62 : memref<1x128xi32, #tpu.memory_space<vmem>> -> memref<128xi32, #tpu.memory_space<vmem>>
    %dma_start3A_64 = arith.constant 0 : i32
    %dma_start3A_65 = arith.constant 0 : i32
    %dma_start3A_66 = tpu.memref_slice %arg4[%dma_start3A_64, %dma_start3A_65] : memref<10000x32xf32, #tpu.memory_space<hbm>> -> memref<10000x32xf32, #tpu.memory_space<hbm>>
    tpu.enqueue_indirect_dma source(%dma_start3A_66 : memref<10000x32xf32, #tpu.memory_space<hbm>>) target(%arg11 : memref<128x32xf32, #tpu.memory_space<vmem>>) offsets(%dma_start3A_63 : memref<128xi32, #tpu.memory_space<vmem>>) semaphore(%arg17 : memref<!tpu.dma_semaphore, #tpu.memory_space<semaphore_mem>>)
    %dma_start3A_67 = arith.constant 1 : i32
    %dma_start3A_68 = arith.constant 0 : i32
    %dma_start3A_69 = tpu.memref_slice %arg8[%dma_start3A_67, %dma_start3A_68] : memref<82x128xi32, #tpu.memory_space<vmem>> -> memref<1x128xi32, #tpu.memory_space<vmem>>
    %dma_start3A_70 = tpu.memref_squeeze %dma_start3A_69 : memref<1x128xi32, #tpu.memory_space<vmem>> -> memref<128xi32, #tpu.memory_space<vmem>>
    %dma_start3A_71 = arith.constant 0 : i32
    %dma_start3A_72 = arith.constant 0 : i32
    %dma_start3A_73 = tpu.memref_slice %arg5[%dma_start3A_71, %dma_start3A_72] : memref<10000x16xf32, #tpu.memory_space<hbm>> -> memref<10000x16xf32, #tpu.memory_space<hbm>>
    tpu.enqueue_indirect_dma source(%dma_start3A_73 : memref<10000x16xf32, #tpu.memory_space<hbm>>) target(%arg12 : memref<128x16xf32, #tpu.memory_space<vmem>>) offsets(%dma_start3A_70 : memref<128xi32, #tpu.memory_space<vmem>>) semaphore(%arg17 : memref<!tpu.dma_semaphore, #tpu.memory_space<semaphore_mem>>)
    %scan3A_74 = arith.constant 0 : i32
    %scan3A_75 = arith.constant 41 : i32
    %scan3A_76 = arith.addi %scan3A_74, %scan3A_75 : i32
    %scan3A_77 = arith.constant 1 : i32
    scf.for %scan3A_107 = %scan3A_74 to %scan3A_76 step %scan3A_77  : i32 {
      %mul3A_108 = arith.constant 2 : i32
      %mul3A_109 = arith.muli %scan3A_107, %mul3A_108 : i32
      %add3A_110 = arith.constant 0 : i32
      %add3A_111 = arith.addi %add3A_110, %mul3A_109 : i32
      %dma_wait3A_112 = arith.constant 0 : i32
      %dma_wait3A_113 = tpu.memref_slice %arg7[%add3A_111, %dma_wait3A_112] : memref<82x128xi32, #tpu.memory_space<vmem>> -> memref<1x128xi32, #tpu.memory_space<vmem>>
      %dma_wait3A_114 = tpu.memref_squeeze %dma_wait3A_113 : memref<1x128xi32, #tpu.memory_space<vmem>> -> memref<128xi32, #tpu.memory_space<vmem>>
      %dma_wait3A_115 = arith.constant 0 : i32
      %dma_wait3A_116 = arith.constant 0 : i32
      %dma_wait3A_117 = tpu.memref_slice %arg4[%dma_wait3A_115, %dma_wait3A_116] : memref<10000x32xf32, #tpu.memory_space<hbm>> -> memref<10000x32xf32, #tpu.memory_space<hbm>>
      tpu.wait_indirect_dma semaphore(%arg16 : memref<!tpu.dma_semaphore, #tpu.memory_space<semaphore_mem>>) src(%dma_wait3A_117 : memref<10000x32xf32, #tpu.memory_space<hbm>>) dst(%arg9 : memref<128x32xf32, #tpu.memory_space<vmem>>)
      %dma_wait3A_118 = arith.constant 0 : i32
      %dma_wait3A_119 = tpu.memref_slice %arg8[%add3A_111, %dma_wait3A_118] : memref<82x128xi32, #tpu.memory_space<vmem>> -> memref<1x128xi32, #tpu.memory_space<vmem>>
      %dma_wait3A_120 = tpu.memref_squeeze %dma_wait3A_119 : memref<1x128xi32, #tpu.memory_space<vmem>> -> memref<128xi32, #tpu.memory_space<vmem>>
      %dma_wait3A_121 = arith.constant 0 : i32
      %dma_wait3A_122 = arith.constant 0 : i32
      %dma_wait3A_123 = tpu.memref_slice %arg5[%dma_wait3A_121, %dma_wait3A_122] : memref<10000x16xf32, #tpu.memory_space<hbm>> -> memref<10000x16xf32, #tpu.memory_space<hbm>>
      tpu.wait_indirect_dma semaphore(%arg16 : memref<!tpu.dma_semaphore, #tpu.memory_space<semaphore_mem>>) src(%dma_wait3A_123 : memref<10000x16xf32, #tpu.memory_space<hbm>>) dst(%arg10 : memref<128x16xf32, #tpu.memory_space<vmem>>)
      %parallel_loop3A = arith.constant 0 : i32
      %parallel_loop3A_124 = arith.constant 128 : i32
      %parallel_loop3A_125 = arith.constant 1 : i32
      scf.for %parallel_loop3A_174 = %parallel_loop3A to %parallel_loop3A_124 step %parallel_loop3A_125  : i32 {
        %parallel_loop3A_175 = arith.index_cast %parallel_loop3A_174 : i32 to index
        %parallel_loop3A_176 = arith.constant 16 : index
        %parallel_loop3A_177 = tpu.vector_load %arg9[%parallel_loop3A_175, %parallel_loop3A_176] {strides = array<i32>} : memref<128x32xf32, #tpu.memory_space<vmem>>, vector<16xf32>,
        %parallel_loop3A_178 = arith.index_cast %parallel_loop3A_174 : i32 to index
        %parallel_loop3A_179 = arith.constant 0 : index
        %parallel_loop3A_180 = tpu.vector_load %arg10[%parallel_loop3A_178, %parallel_loop3A_179] {strides = array<i32>} : memref<128x16xf32, #tpu.memory_space<vmem>>, vector<16xf32>,
        %parallel_loop3A_181 = arith.addf %parallel_loop3A_177, %parallel_loop3A_180 : vector<16xf32>
        %parallel_loop3A_182 = arith.constant 2.000000e-01 : f32
        %parallel_loop3A_183 = vector.broadcast %parallel_loop3A_182 : f32 to vector<16xf32>
        %parallel_loop3A_184 = arith.mulf %parallel_loop3A_183, %parallel_loop3A_181 : vector<16xf32>
        %parallel_loop3A_185 = arith.maximumf %parallel_loop3A_181, %parallel_loop3A_184 : vector<16xf32>
        %parallel_loop3A_186 = math.exp %parallel_loop3A_185 : vector<16xf32>
        %parallel_loop3A_187 = arith.index_cast %parallel_loop3A_174 : i32 to index
        %parallel_loop3A_188 = arith.constant 16 : index
        %parallel_loop3A_189 = tpu.vector_load %arg13[%parallel_loop3A_187, %parallel_loop3A_188] {strides = array<i32>} : memref<128x32xf32, #tpu.memory_space<vmem>>, vector<16xf32>,
        tpu.vector_store %arg13[%parallel_loop3A_187, %parallel_loop3A_188], %parallel_loop3A_186 {strides = array<i32>} : memref<128x32xf32, #tpu.memory_space<vmem>>, vector<16xf32>,
        %parallel_loop3A_190 = arith.index_cast %parallel_loop3A_174 : i32 to index
        %parallel_loop3A_191 = arith.constant 0 : index
        %parallel_loop3A_192 = tpu.vector_load %arg9[%parallel_loop3A_190, %parallel_loop3A_191] {strides = array<i32>} : memref<128x32xf32, #tpu.memory_space<vmem>>, vector<16xf32>,
        %parallel_loop3A_193 = arith.mulf %parallel_loop3A_192, %parallel_loop3A_186 : vector<16xf32>
        %parallel_loop3A_194 = arith.index_cast %parallel_loop3A_174 : i32 to index
        %parallel_loop3A_195 = arith.constant 0 : index
        %parallel_loop3A_196 = tpu.vector_load %arg13[%parallel_loop3A_194, %parallel_loop3A_195] {strides = array<i32>} : memref<128x32xf32, #tpu.memory_space<vmem>>, vector<16xf32>,
        tpu.vector_store %arg13[%parallel_loop3A_194, %parallel_loop3A_195], %parallel_loop3A_193 {strides = array<i32>} : memref<128x32xf32, #tpu.memory_space<vmem>>, vector<16xf32>,
      } {sc.loop_unroll_factor = 8 : i64, sc.parallel_access}
      "tpu.region"() ({
        %run_scoped3A = tpu.sem_alloc : memref<!tpu.dma_semaphore, #tpu.memory_space<semaphore_mem>>
        %dma_start3A_174 = arith.constant 0 : i32
        %dma_start3A_175 = tpu.memref_slice %arg8[%add3A_111, %dma_start3A_174] : memref<82x128xi32, #tpu.memory_space<vmem>> -> memref<1x128xi32, #tpu.memory_space<vmem>>
        %dma_start3A_176 = tpu.memref_squeeze %dma_start3A_175 : memref<1x128xi32, #tpu.memory_space<vmem>> -> memref<128xi32, #tpu.memory_space<vmem>>
        %dma_start3A_177 = arith.constant 0 : i32
        %dma_start3A_178 = arith.constant 0 : i32
        %dma_start3A_179 = tpu.memref_slice %arg15[%dma_start3A_177, %dma_start3A_178] : memref<10112x32xf32, #tpu.memory_space<vmem_shared>> -> memref<10112x32xf32, #tpu.memory_space<vmem_shared>>
        tpu.enqueue_indirect_dma source(%arg13 : memref<128x32xf32, #tpu.memory_space<vmem>>) target(%dma_start3A_179 : memref<10112x32xf32, #tpu.memory_space<vmem_shared>>) offsets(%dma_start3A_176 : memref<128xi32, #tpu.memory_space<vmem>>) semaphore(%run_scoped3A : memref<!tpu.dma_semaphore, #tpu.memory_space<semaphore_mem>>) {add = true}
        %dma_wait3A_180 = arith.constant 0 : i32
        %dma_wait3A_181 = tpu.memref_slice %arg8[%add3A_111, %dma_wait3A_180] : memref<82x128xi32, #tpu.memory_space<vmem>> -> memref<1x128xi32, #tpu.memory_space<vmem>>
        %dma_wait3A_182 = tpu.memref_squeeze %dma_wait3A_181 : memref<1x128xi32, #tpu.memory_space<vmem>> -> memref<128xi32, #tpu.memory_space<vmem>>
        %dma_wait3A_183 = arith.constant 0 : i32
        %dma_wait3A_184 = arith.constant 0 : i32
        %dma_wait3A_185 = tpu.memref_slice %arg15[%dma_wait3A_183, %dma_wait3A_184] : memref<10112x32xf32, #tpu.memory_space<vmem_shared>> -> memref<10112x32xf32, #tpu.memory_space<vmem_shared>>
        tpu.wait_indirect_dma semaphore(%run_scoped3A : memref<!tpu.dma_semaphore, #tpu.memory_space<semaphore_mem>>) src(%arg13 : memref<128x32xf32, #tpu.memory_space<vmem>>) dst(%dma_wait3A_185 : memref<10112x32xf32, #tpu.memory_space<vmem_shared>>)
        tpu.yield
      }) : () -> ()
      %add3A_126 = arith.constant 2 : i32
      %add3A_127 = arith.addi %add3A_111, %add3A_126 : i32
      %min3A = arith.constant 81 : i32
      %min3A_128 = arith.minsi %add3A_127, %min3A : i32
      %dma_start3A_129 = arith.constant 0 : i32
      %dma_start3A_130 = tpu.memref_slice %arg7[%min3A_128, %dma_start3A_129] : memref<82x128xi32, #tpu.memory_space<vmem>> -> memref<1x128xi32, #tpu.memory_space<vmem>>
      %dma_start3A_131 = tpu.memref_squeeze %dma_start3A_130 : memref<1x128xi32, #tpu.memory_space<vmem>> -> memref<128xi32, #tpu.memory_space<vmem>>
      %dma_start3A_132 = arith.constant 0 : i32
      %dma_start3A_133 = arith.constant 0 : i32
      %dma_start3A_134 = tpu.memref_slice %arg4[%dma_start3A_132, %dma_start3A_133] : memref<10000x32xf32, #tpu.memory_space<hbm>> -> memref<10000x32xf32, #tpu.memory_space<hbm>>
      tpu.enqueue_indirect_dma source(%dma_start3A_134 : memref<10000x32xf32, #tpu.memory_space<hbm>>) target(%arg9 : memref<128x32xf32, #tpu.memory_space<vmem>>) offsets(%dma_start3A_131 : memref<128xi32, #tpu.memory_space<vmem>>) semaphore(%arg16 : memref<!tpu.dma_semaphore, #tpu.memory_space<semaphore_mem>>)
      %dma_start3A_135 = arith.constant 0 : i32
      %dma_start3A_136 = tpu.memref_slice %arg8[%min3A_128, %dma_start3A_135] : memref<82x128xi32, #tpu.memory_space<vmem>> -> memref<1x128xi32, #tpu.memory_space<vmem>>
      %dma_start3A_137 = tpu.memref_squeeze %dma_start3A_136 : memref<1x128xi32, #tpu.memory_space<vmem>> -> memref<128xi32, #tpu.memory_space<vmem>>
      %dma_start3A_138 = arith.constant 0 : i32
      %dma_start3A_139 = arith.constant 0 : i32
      %dma_start3A_140 = tpu.memref_slice %arg5[%dma_start3A_138, %dma_start3A_139] : memref<10000x16xf32, #tpu.memory_space<hbm>> -> memref<10000x16xf32, #tpu.memory_space<hbm>>
      tpu.enqueue_indirect_dma source(%dma_start3A_140 : memref<10000x16xf32, #tpu.memory_space<hbm>>) target(%arg10 : memref<128x16xf32, #tpu.memory_space<vmem>>) offsets(%dma_start3A_137 : memref<128xi32, #tpu.memory_space<vmem>>) semaphore(%arg16 : memref<!tpu.dma_semaphore, #tpu.memory_space<semaphore_mem>>)
      %add3A_141 = arith.constant 1 : i32
      %add3A_142 = arith.addi %add3A_111, %add3A_141 : i32
      %dma_wait3A_143 = arith.constant 0 : i32
      %dma_wait3A_144 = tpu.memref_slice %arg7[%add3A_142, %dma_wait3A_143] : memref<82x128xi32, #tpu.memory_space<vmem>> -> memref<1x128xi32, #tpu.memory_space<vmem>>
      %dma_wait3A_145 = tpu.memref_squeeze %dma_wait3A_144 : memref<1x128xi32, #tpu.memory_space<vmem>> -> memref<128xi32, #tpu.memory_space<vmem>>
      %dma_wait3A_146 = arith.constant 0 : i32
      %dma_wait3A_147 = arith.constant 0 : i32
      %dma_wait3A_148 = tpu.memref_slice %arg4[%dma_wait3A_146, %dma_wait3A_147] : memref<10000x32xf32, #tpu.memory_space<hbm>> -> memref<10000x32xf32, #tpu.memory_space<hbm>>
      tpu.wait_indirect_dma semaphore(%arg17 : memref<!tpu.dma_semaphore, #tpu.memory_space<semaphore_mem>>) src(%dma_wait3A_148 : memref<10000x32xf32, #tpu.memory_space<hbm>>) dst(%arg11 : memref<128x32xf32, #tpu.memory_space<vmem>>)
      %dma_wait3A_149 = arith.constant 0 : i32
      %dma_wait3A_150 = tpu.memref_slice %arg8[%add3A_142, %dma_wait3A_149] : memref<82x128xi32, #tpu.memory_space<vmem>> -> memref<1x128xi32, #tpu.memory_space<vmem>>
      %dma_wait3A_151 = tpu.memref_squeeze %dma_wait3A_150 : memref<1x128xi32, #tpu.memory_space<vmem>> -> memref<128xi32, #tpu.memory_space<vmem>>
      %dma_wait3A_152 = arith.constant 0 : i32
      %dma_wait3A_153 = arith.constant 0 : i32
      %dma_wait3A_154 = tpu.memref_slice %arg5[%dma_wait3A_152, %dma_wait3A_153] : memref<10000x16xf32, #tpu.memory_space<hbm>> -> memref<10000x16xf32, #tpu.memory_space<hbm>>
      tpu.wait_indirect_dma semaphore(%arg17 : memref<!tpu.dma_semaphore, #tpu.memory_space<semaphore_mem>>) src(%dma_wait3A_154 : memref<10000x16xf32, #tpu.memory_space<hbm>>) dst(%arg12 : memref<128x16xf32, #tpu.memory_space<vmem>>)
      %parallel_loop3A_155 = arith.constant 0 : i32
      %parallel_loop3A_156 = arith.constant 128 : i32
      %parallel_loop3A_157 = arith.constant 1 : i32
      scf.for %parallel_loop3A_174 = %parallel_loop3A_155 to %parallel_loop3A_156 step %parallel_loop3A_157  : i32 {
        %parallel_loop3A_175 = arith.index_cast %parallel_loop3A_174 : i32 to index
        %parallel_loop3A_176 = arith.constant 16 : index
        %parallel_loop3A_177 = tpu.vector_load %arg11[%parallel_loop3A_175, %parallel_loop3A_176] {strides = array<i32>} : memref<128x32xf32, #tpu.memory_space<vmem>>, vector<16xf32>,
        %parallel_loop3A_178 = arith.index_cast %parallel_loop3A_174 : i32 to index
        %parallel_loop3A_179 = arith.constant 0 : index
        %parallel_loop3A_180 = tpu.vector_load %arg12[%parallel_loop3A_178, %parallel_loop3A_179] {strides = array<i32>} : memref<128x16xf32, #tpu.memory_space<vmem>>, vector<16xf32>,
        %parallel_loop3A_181 = arith.addf %parallel_loop3A_177, %parallel_loop3A_180 : vector<16xf32>
        %parallel_loop3A_182 = arith.constant 2.000000e-01 : f32
        %parallel_loop3A_183 = vector.broadcast %parallel_loop3A_182 : f32 to vector<16xf32>
        %parallel_loop3A_184 = arith.mulf %parallel_loop3A_183, %parallel_loop3A_181 : vector<16xf32>
        %parallel_loop3A_185 = arith.maximumf %parallel_loop3A_181, %parallel_loop3A_184 : vector<16xf32>
        %parallel_loop3A_186 = math.exp %parallel_loop3A_185 : vector<16xf32>
        %parallel_loop3A_187 = arith.index_cast %parallel_loop3A_174 : i32 to index
        %parallel_loop3A_188 = arith.constant 16 : index
        %parallel_loop3A_189 = tpu.vector_load %arg14[%parallel_loop3A_187, %parallel_loop3A_188] {strides = array<i32>} : memref<128x32xf32, #tpu.memory_space<vmem>>, vector<16xf32>,
        tpu.vector_store %arg14[%parallel_loop3A_187, %parallel_loop3A_188], %parallel_loop3A_186 {strides = array<i32>} : memref<128x32xf32, #tpu.memory_space<vmem>>, vector<16xf32>,
        %parallel_loop3A_190 = arith.index_cast %parallel_loop3A_174 : i32 to index
        %parallel_loop3A_191 = arith.constant 0 : index
        %parallel_loop3A_192 = tpu.vector_load %arg11[%parallel_loop3A_190, %parallel_loop3A_191] {strides = array<i32>} : memref<128x32xf32, #tpu.memory_space<vmem>>, vector<16xf32>,
        %parallel_loop3A_193 = arith.mulf %parallel_loop3A_192, %parallel_loop3A_186 : vector<16xf32>
        %parallel_loop3A_194 = arith.index_cast %parallel_loop3A_174 : i32 to index
        %parallel_loop3A_195 = arith.constant 0 : index
        %parallel_loop3A_196 = tpu.vector_load %arg14[%parallel_loop3A_194, %parallel_loop3A_195] {strides = array<i32>} : memref<128x32xf32, #tpu.memory_space<vmem>>, vector<16xf32>,
        tpu.vector_store %arg14[%parallel_loop3A_194, %parallel_loop3A_195], %parallel_loop3A_193 {strides = array<i32>} : memref<128x32xf32, #tpu.memory_space<vmem>>, vector<16xf32>,
      } {sc.loop_unroll_factor = 8 : i64, sc.parallel_access}
      "tpu.region"() ({
        %run_scoped3A = tpu.sem_alloc : memref<!tpu.dma_semaphore, #tpu.memory_space<semaphore_mem>>
        %dma_start3A_174 = arith.constant 0 : i32
        %dma_start3A_175 = tpu.memref_slice %arg8[%add3A_142, %dma_start3A_174] : memref<82x128xi32, #tpu.memory_space<vmem>> -> memref<1x128xi32, #tpu.memory_space<vmem>>
        %dma_start3A_176 = tpu.memref_squeeze %dma_start3A_175 : memref<1x128xi32, #tpu.memory_space<vmem>> -> memref<128xi32, #tpu.memory_space<vmem>>
        %dma_start3A_177 = arith.constant 0 : i32
        %dma_start3A_178 = arith.constant 0 : i32
        %dma_start3A_179 = tpu.memref_slice %arg15[%dma_start3A_177, %dma_start3A_178] : memref<10112x32xf32, #tpu.memory_space<vmem_shared>> -> memref<10112x32xf32, #tpu.memory_space<vmem_shared>>
        tpu.enqueue_indirect_dma source(%arg14 : memref<128x32xf32, #tpu.memory_space<vmem>>) target(%dma_start3A_179 : memref<10112x32xf32, #tpu.memory_space<vmem_shared>>) offsets(%dma_start3A_176 : memref<128xi32, #tpu.memory_space<vmem>>) semaphore(%run_scoped3A : memref<!tpu.dma_semaphore, #tpu.memory_space<semaphore_mem>>) {add = true}
        %dma_wait3A_180 = arith.constant 0 : i32
        %dma_wait3A_181 = tpu.memref_slice %arg8[%add3A_142, %dma_wait3A_180] : memref<82x128xi32, #tpu.memory_space<vmem>> -> memref<1x128xi32, #tpu.memory_space<vmem>>
        %dma_wait3A_182 = tpu.memref_squeeze %dma_wait3A_181 : memref<1x128xi32, #tpu.memory_space<vmem>> -> memref<128xi32, #tpu.memory_space<vmem>>
        %dma_wait3A_183 = arith.constant 0 : i32
        %dma_wait3A_184 = arith.constant 0 : i32
        %dma_wait3A_185 = tpu.memref_slice %arg15[%dma_wait3A_183, %dma_wait3A_184] : memref<10112x32xf32, #tpu.memory_space<vmem_shared>> -> memref<10112x32xf32, #tpu.memory_space<vmem_shared>>
        tpu.wait_indirect_dma semaphore(%run_scoped3A : memref<!tpu.dma_semaphore, #tpu.memory_space<semaphore_mem>>) src(%arg14 : memref<128x32xf32, #tpu.memory_space<vmem>>) dst(%dma_wait3A_185 : memref<10112x32xf32, #tpu.memory_space<vmem_shared>>)
        tpu.yield
      }) : () -> ()
      %add3A_158 = arith.constant 2 : i32
      %add3A_159 = arith.addi %add3A_142, %add3A_158 : i32
      %min3A_160 = arith.constant 81 : i32
      %min3A_161 = arith.minsi %add3A_159, %min3A_160 : i32
      %dma_start3A_162 = arith.constant 0 : i32
      %dma_start3A_163 = tpu.memref_slice %arg7[%min3A_161, %dma_start3A_162] : memref<82x128xi32, #tpu.memory_space<vmem>> -> memref<1x128xi32, #tpu.memory_space<vmem>>
      %dma_start3A_164 = tpu.memref_squeeze %dma_start3A_163 : memref<1x128xi32, #tpu.memory_space<vmem>> -> memref<128xi32, #tpu.memory_space<vmem>>
      %dma_start3A_165 = arith.constant 0 : i32
      %dma_start3A_166 = arith.constant 0 : i32
      %dma_start3A_167 = tpu.memref_slice %arg4[%dma_start3A_165, %dma_start3A_166] : memref<10000x32xf32, #tpu.memory_space<hbm>> -> memref<10000x32xf32, #tpu.memory_space<hbm>>
      tpu.enqueue_indirect_dma source(%dma_start3A_167 : memref<10000x32xf32, #tpu.memory_space<hbm>>) target(%arg11 : memref<128x32xf32, #tpu.memory_space<vmem>>) offsets(%dma_start3A_164 : memref<128xi32, #tpu.memory_space<vmem>>) semaphore(%arg17 : memref<!tpu.dma_semaphore, #tpu.memory_space<semaphore_mem>>)
      %dma_start3A_168 = arith.constant 0 : i32
      %dma_start3A_169 = tpu.memref_slice %arg8[%min3A_161, %dma_start3A_168] : memref<82x128xi32, #tpu.memory_space<vmem>> -> memref<1x128xi32, #tpu.memory_space<vmem>>
      %dma_start3A_170 = tpu.memref_squeeze %dma_start3A_169 : memref<1x128xi32, #tpu.memory_space<vmem>> -> memref<128xi32, #tpu.memory_space<vmem>>
      %dma_start3A_171 = arith.constant 0 : i32
      %dma_start3A_172 = arith.constant 0 : i32
      %dma_start3A_173 = tpu.memref_slice %arg5[%dma_start3A_171, %dma_start3A_172] : memref<10000x16xf32, #tpu.memory_space<hbm>> -> memref<10000x16xf32, #tpu.memory_space<hbm>>
      tpu.enqueue_indirect_dma source(%dma_start3A_173 : memref<10000x16xf32, #tpu.memory_space<hbm>>) target(%arg12 : memref<128x16xf32, #tpu.memory_space<vmem>>) offsets(%dma_start3A_170 : memref<128xi32, #tpu.memory_space<vmem>>) semaphore(%arg17 : memref<!tpu.dma_semaphore, #tpu.memory_space<semaphore_mem>>)
    }
    %scan3A_78 = arith.constant 41 : i32
    %dma_wait3A = arith.constant 0 : i32
    %dma_wait3A_79 = arith.constant 0 : i32
    %dma_wait3A_80 = tpu.memref_slice %arg7[%dma_wait3A, %dma_wait3A_79] : memref<82x128xi32, #tpu.memory_space<vmem>> -> memref<1x128xi32, #tpu.memory_space<vmem>>
    %dma_wait3A_81 = tpu.memref_squeeze %dma_wait3A_80 : memref<1x128xi32, #tpu.memory_space<vmem>> -> memref<128xi32, #tpu.memory_space<vmem>>
    %dma_wait3A_82 = arith.constant 0 : i32
    %dma_wait3A_83 = arith.constant 0 : i32
    %dma_wait3A_84 = tpu.memref_slice %arg4[%dma_wait3A_82, %dma_wait3A_83] : memref<10000x32xf32, #tpu.memory_space<hbm>> -> memref<10000x32xf32, #tpu.memory_space<hbm>>
    tpu.wait_indirect_dma semaphore(%arg16 : memref<!tpu.dma_semaphore, #tpu.memory_space<semaphore_mem>>) src(%dma_wait3A_84 : memref<10000x32xf32, #tpu.memory_space<hbm>>) dst(%arg9 : memref<128x32xf32, #tpu.memory_space<vmem>>)
    %dma_wait3A_85 = arith.constant 0 : i32
    %dma_wait3A_86 = arith.constant 0 : i32
    %dma_wait3A_87 = tpu.memref_slice %arg8[%dma_wait3A_85, %dma_wait3A_86] : memref<82x128xi32, #tpu.memory_space<vmem>> -> memref<1x128xi32, #tpu.memory_space<vmem>>
    %dma_wait3A_88 = tpu.memref_squeeze %dma_wait3A_87 : memref<1x128xi32, #tpu.memory_space<vmem>> -> memref<128xi32, #tpu.memory_space<vmem>>
    %dma_wait3A_89 = arith.constant 0 : i32
    %dma_wait3A_90 = arith.constant 0 : i32
    %dma_wait3A_91 = tpu.memref_slice %arg5[%dma_wait3A_89, %dma_wait3A_90] : memref<10000x16xf32, #tpu.memory_space<hbm>> -> memref<10000x16xf32, #tpu.memory_space<hbm>>
    tpu.wait_indirect_dma semaphore(%arg16 : memref<!tpu.dma_semaphore, #tpu.memory_space<semaphore_mem>>) src(%dma_wait3A_91 : memref<10000x16xf32, #tpu.memory_space<hbm>>) dst(%arg10 : memref<128x16xf32, #tpu.memory_space<vmem>>)
    %dma_wait3A_92 = arith.constant 1 : i32
    %dma_wait3A_93 = arith.constant 0 : i32
    %dma_wait3A_94 = tpu.memref_slice %arg7[%dma_wait3A_92, %dma_wait3A_93] : memref<82x128xi32, #tpu.memory_space<vmem>> -> memref<1x128xi32, #tpu.memory_space<vmem>>
    %dma_wait3A_95 = tpu.memref_squeeze %dma_wait3A_94 : memref<1x128xi32, #tpu.memory_space<vmem>> -> memref<128xi32, #tpu.memory_space<vmem>>
    %dma_wait3A_96 = arith.constant 0 : i32
    %dma_wait3A_97 = arith.constant 0 : i32
    %dma_wait3A_98 = tpu.memref_slice %arg4[%dma_wait3A_96, %dma_wait3A_97] : memref<10000x32xf32, #tpu.memory_space<hbm>> -> memref<10000x32xf32, #tpu.memory_space<hbm>>
    tpu.wait_indirect_dma semaphore(%arg17 : memref<!tpu.dma_semaphore, #tpu.memory_space<semaphore_mem>>) src(%dma_wait3A_98 : memref<10000x32xf32, #tpu.memory_space<hbm>>) dst(%arg11 : memref<128x32xf32, #tpu.memory_space<vmem>>)
    %dma_wait3A_99 = arith.constant 1 : i32
    %dma_wait3A_100 = arith.constant 0 : i32
    %dma_wait3A_101 = tpu.memref_slice %arg8[%dma_wait3A_99, %dma_wait3A_100] : memref<82x128xi32, #tpu.memory_space<vmem>> -> memref<1x128xi32, #tpu.memory_space<vmem>>
    %dma_wait3A_102 = tpu.memref_squeeze %dma_wait3A_101 : memref<1x128xi32, #tpu.memory_space<vmem>> -> memref<128xi32, #tpu.memory_space<vmem>>
    %dma_wait3A_103 = arith.constant 0 : i32
    %dma_wait3A_104 = arith.constant 0 : i32
    %dma_wait3A_105 = tpu.memref_slice %arg5[%dma_wait3A_103, %dma_wait3A_104] : memref<10000x16xf32, #tpu.memory_space<hbm>> -> memref<10000x16xf32, #tpu.memory_space<hbm>>
    tpu.wait_indirect_dma semaphore(%arg17 : memref<!tpu.dma_semaphore, #tpu.memory_space<semaphore_mem>>) src(%dma_wait3A_105 : memref<10000x16xf32, #tpu.memory_space<hbm>>) dst(%arg12 : memref<128x16xf32, #tpu.memory_space<vmem>>)
    %barrier3A_106 = arith.constant 0 : index
    tpu.barrier barrier_id(%barrier3A_106)
    "tpu.region"() ({
      %run_scoped3A = tpu.sem_alloc : memref<!tpu.dma_semaphore, #tpu.memory_space<semaphore_mem>>
      %dma_start3A_107 = arith.constant 0 : i32
      %dma_start3A_108 = tpu.memref_slice %arg6[%arg0, %mul3A_6, %dma_start3A_107] : memref<2x10112x32xf32, #tpu.memory_space<hbm>> -> memref<1x632x32xf32, #tpu.memory_space<hbm>>
      %dma_start3A_109 = tpu.memref_squeeze %dma_start3A_108 : memref<1x632x32xf32, #tpu.memory_space<hbm>> -> memref<632x32xf32, #tpu.memory_space<hbm>>
      %dma_start3A_110 = arith.constant 0 : i32
      %dma_start3A_111 = tpu.memref_slice %arg15[%mul3A_6, %dma_start3A_110] : memref<10112x32xf32, #tpu.memory_space<vmem_shared>> -> memref<632x32xf32, #tpu.memory_space<vmem_shared>>
      tpu.enqueue_dma source(%dma_start3A_111 : memref<632x32xf32, #tpu.memory_space<vmem_shared>>) target(%dma_start3A_109 : memref<632x32xf32, #tpu.memory_space<hbm>>) target_semaphore(%run_scoped3A : memref<!tpu.dma_semaphore, #tpu.memory_space<semaphore_mem>>)
      %dma_wait3A_112 = arith.constant 0 : i32
      %dma_wait3A_113 = tpu.memref_slice %arg6[%arg0, %mul3A_6, %dma_wait3A_112] : memref<2x10112x32xf32, #tpu.memory_space<hbm>> -> memref<1x632x32xf32, #tpu.memory_space<hbm>>
      %dma_wait3A_114 = tpu.memref_squeeze %dma_wait3A_113 : memref<1x632x32xf32, #tpu.memory_space<hbm>> -> memref<632x32xf32, #tpu.memory_space<hbm>>
      %dma_wait3A_115 = arith.constant 0 : i32
      %dma_wait3A_116 = tpu.memref_slice %arg15[%mul3A_6, %dma_wait3A_115] : memref<10112x32xf32, #tpu.memory_space<vmem_shared>> -> memref<632x32xf32, #tpu.memory_space<vmem_shared>>
      tpu.wait_dma2 semaphore(%run_scoped3A : memref<!tpu.dma_semaphore, #tpu.memory_space<semaphore_mem>>) src(%dma_wait3A_116 : memref<632x32xf32, #tpu.memory_space<vmem_shared>>) dst(%dma_wait3A_114 : memref<632x32xf32, #tpu.memory_space<hbm>>)
      tpu.yield
    }) : () -> ()
    return
  }
}

module attributes {stable_mosaic.version = 14 : i64} {
  func.func @tc_gat_dense1(%arg0: i32, %arg1: memref<1000x128xf32, #tpu.memory_space<vmem>>, %arg2: memref<128x64xf32, #tpu.memory_space<vmem>>, %arg3: memref<8x8xf32, #tpu.memory_space<vmem>>, %arg4: memref<8x8xf32, #tpu.memory_space<vmem>>, %arg5: memref<1000x80xf32, #tpu.memory_space<vmem>>, %arg6: memref<1000x16xf32, #tpu.memory_space<vmem>>) attributes {dimension_semantics = [#tpu.dimension_semantics<arbitrary>], iteration_bounds = array<i64: 10>, scalar_prefetch = 0 : i64, scratch_operands = 0 : i64, tpu.core_type = #tpu.core_type<tc>, window_params = [{transform_indices = @transform_0, window_bounds = array<i64: 1000, 128>}, {pipeline_mode = #tpu.pipeline_mode<synchronous>, transform_indices = @transform_1, window_bounds = array<i64: 128, 64>}, {pipeline_mode = #tpu.pipeline_mode<synchronous>, transform_indices = @transform_2, window_bounds = array<i64: 8, 8>}, {pipeline_mode = #tpu.pipeline_mode<synchronous>, transform_indices = @transform_3, window_bounds = array<i64: 8, 8>}, {transform_indices = @transform_4, window_bounds = array<i64: 1000, 80>}, {transform_indices = @transform_5, window_bounds = array<i64: 1000, 16>}]} {
    %get3A = arith.constant 0 : index
    %get3A_0 = arith.constant 0 : index
    %get3A_1 = vector.load %arg1[%get3A, %get3A_0] : memref<1000x128xf32, #tpu.memory_space<vmem>>, vector<1000x128xf32>
    %get3A_2 = arith.constant 0 : index
    %get3A_3 = arith.constant 0 : index
    %get3A_4 = vector.load %arg2[%get3A_2, %get3A_3] : memref<128x64xf32, #tpu.memory_space<vmem>>, vector<128x64xf32>
    %dot_general3A = arith.constant dense<0.000000e+00> : vector<1000x64xf32>
    %dot_general3A_5 = tpu.matmul %get3A_1, %get3A_4, %dot_general3A {dimension_numbers = #tpu.dot_dimension_numbers<[1], [0], [0], [1], [0, 0, 1, 1], [], []>, transpose_lhs_hint = false} : vector<1000x128xf32>, vector<128x64xf32>, vector<1000x64xf32> -> vector<1000x64xf32>
    %reshape3A = vector.shape_cast %dot_general3A_5 : vector<1000x64xf32> to vector<1000x8x8xf32>
    %get3A_6 = arith.constant 0 : index
    %get3A_7 = arith.constant 0 : index
    %get3A_8 = vector.load %arg3[%get3A_6, %get3A_7] : memref<8x8xf32, #tpu.memory_space<vmem>>, vector<8x8xf32>
    %broadcast_in_dim3A = vector.shape_cast %get3A_8 : vector<8x8xf32> to vector<1x8x8xf32>
    %mul3A = vector.broadcast %broadcast_in_dim3A : vector<1x8x8xf32> to vector<1000x8x8xf32>
    %mul3A_9 = arith.mulf %reshape3A, %mul3A : vector<1000x8x8xf32>
    %reduce_sum3A = arith.constant dense<0.000000e+00> : vector<1000x8xf32>
    %reduce_sum3A_10 = vector.multi_reduction <add>, %mul3A_9, %reduce_sum3A [2] : vector<1000x8x8xf32> to vector<1000x8xf32>
    %get3A_11 = arith.constant 0 : index
    %get3A_12 = arith.constant 0 : index
    %get3A_13 = vector.load %arg4[%get3A_11, %get3A_12] : memref<8x8xf32, #tpu.memory_space<vmem>>, vector<8x8xf32>
    %broadcast_in_dim3A_14 = vector.shape_cast %get3A_13 : vector<8x8xf32> to vector<1x8x8xf32>
    %mul3A_15 = vector.broadcast %broadcast_in_dim3A_14 : vector<1x8x8xf32> to vector<1000x8x8xf32>
    %mul3A_16 = arith.mulf %reshape3A, %mul3A_15 : vector<1000x8x8xf32>
    %reduce_sum3A_17 = arith.constant dense<0.000000e+00> : vector<1000x8xf32>
    %reduce_sum3A_18 = vector.multi_reduction <add>, %mul3A_16, %reduce_sum3A_17 [2] : vector<1000x8x8xf32> to vector<1000x8xf32>
    %broadcast_in_dim3A_19 = arith.constant 0.000000e+00 : f32
    %broadcast_in_dim3A_20 = vector.broadcast %broadcast_in_dim3A_19 : f32 to vector<1000x8xf32>
    %concatenate3A = tpu.concatenate %dot_general3A_5, %reduce_sum3A_10, %broadcast_in_dim3A_20 in 1 : vector<1000x64xf32>, vector<1000x8xf32>, vector<1000x8xf32> -> vector<1000x80xf32>
    %swap3A = arith.constant 0 : index
    %swap3A_21 = arith.constant 0 : index
    %swap3A_22 = vector.load %arg5[%swap3A, %swap3A_21] : memref<1000x80xf32, #tpu.memory_space<vmem>>, vector<1000x80xf32>
    tpu.vector_store %arg5[%swap3A, %swap3A_21], %concatenate3A {strides = array<i32>} : memref<1000x80xf32, #tpu.memory_space<vmem>>, vector<1000x80xf32>,
    %concatenate3A_23 = tpu.concatenate %reduce_sum3A_18, %broadcast_in_dim3A_20 in 1 : vector<1000x8xf32>, vector<1000x8xf32> -> vector<1000x16xf32>
    %swap3A_24 = arith.constant 0 : index
    %swap3A_25 = arith.constant 0 : index
    %swap3A_26 = vector.load %arg6[%swap3A_24, %swap3A_25] : memref<1000x16xf32, #tpu.memory_space<vmem>>, vector<1000x16xf32>
    tpu.vector_store %arg6[%swap3A_24, %swap3A_25], %concatenate3A_23 {strides = array<i32>} : memref<1000x16xf32, #tpu.memory_space<vmem>>, vector<1000x16xf32>,
    return
  }
  func.func @transform_0(%arg0: i32) -> (i32, i32) {
    %c0_i32 = arith.constant 0 : i32
    %c0_i32_0 = arith.constant 0 : i32
    return %arg0, %c0_i32 : i32, i32
  }
  func.func @transform_1(%arg0: i32) -> (i32, i32) {
    %c0_i32 = arith.constant 0 : i32
    %c0_i32_0 = arith.constant 0 : i32
    %c0_i32_1 = arith.constant 0 : i32
    return %c0_i32, %c0_i32_0 : i32, i32
  }
  func.func @transform_2(%arg0: i32) -> (i32, i32) {
    %c0_i32 = arith.constant 0 : i32
    %c0_i32_0 = arith.constant 0 : i32
    %c0_i32_1 = arith.constant 0 : i32
    return %c0_i32, %c0_i32_0 : i32, i32
  }
  func.func @transform_3(%arg0: i32) -> (i32, i32) {
    %c0_i32 = arith.constant 0 : i32
    %c0_i32_0 = arith.constant 0 : i32
    %c0_i32_1 = arith.constant 0 : i32
    return %c0_i32, %c0_i32_0 : i32, i32
  }
  func.func @transform_4(%arg0: i32) -> (i32, i32) {
    %c0_i32 = arith.constant 0 : i32
    %c0_i32_0 = arith.constant 0 : i32
    return %arg0, %c0_i32 : i32, i32
  }
  func.func @transform_5(%arg0: i32) -> (i32, i32) {
    %c0_i32 = arith.constant 0 : i32
    %c0_i32_0 = arith.constant 0 : i32
    return %arg0, %c0_i32 : i32, i32
  }
}

module attributes {stable_mosaic.version = 14 : i64} {
  func.func @tc_gat_dense2(%arg0: i32, %arg1: memref<2x1000x80xf32, #tpu.memory_space<vmem>>, %arg2: memref<64xf32, #tpu.memory_space<vmem>>, %arg3: memref<64x16xf32, #tpu.memory_space<vmem>>, %arg4: memref<1x16xf32, #tpu.memory_space<vmem>>, %arg5: memref<1x16xf32, #tpu.memory_space<vmem>>, %arg6: memref<1000x32xf32, #tpu.memory_space<vmem>>, %arg7: memref<1000x16xf32, #tpu.memory_space<vmem>>) attributes {dimension_semantics = [#tpu.dimension_semantics<arbitrary>], iteration_bounds = array<i64: 10>, scalar_prefetch = 0 : i64, scratch_operands = 0 : i64, tpu.core_type = #tpu.core_type<tc>, window_params = [{transform_indices = @transform_0, window_bounds = array<i64: 2, 1000, 80>}, {pipeline_mode = #tpu.pipeline_mode<synchronous>, transform_indices = @transform_1, window_bounds = array<i64: 64>}, {pipeline_mode = #tpu.pipeline_mode<synchronous>, transform_indices = @transform_2, window_bounds = array<i64: 64, 16>}, {pipeline_mode = #tpu.pipeline_mode<synchronous>, transform_indices = @transform_3, window_bounds = array<i64: 1, 16>}, {pipeline_mode = #tpu.pipeline_mode<synchronous>, transform_indices = @transform_4, window_bounds = array<i64: 1, 16>}, {transform_indices = @transform_5, window_bounds = array<i64: 1000, 32>}, {transform_indices = @transform_6, window_bounds = array<i64: 1000, 16>}]} {
    %get3A = arith.constant 0 : index
    %get3A_0 = arith.constant 0 : index
    %get3A_1 = arith.constant 0 : index
    %get3A_2 = vector.load %arg1[%get3A, %get3A_0, %get3A_1] : memref<2x1000x80xf32, #tpu.memory_space<vmem>>, vector<1x1000x80xf32>
    %get3A_3 = vector.shape_cast %get3A_2 : vector<1x1000x80xf32> to vector<1000x80xf32>
    %get3A_4 = arith.constant 1 : index
    %get3A_5 = arith.constant 0 : index
    %get3A_6 = arith.constant 0 : index
    %get3A_7 = vector.load %arg1[%get3A_4, %get3A_5, %get3A_6] : memref<2x1000x80xf32, #tpu.memory_space<vmem>>, vector<1x1000x80xf32>
    %get3A_8 = vector.shape_cast %get3A_7 : vector<1x1000x80xf32> to vector<1000x80xf32>
    %add3A = arith.addf %get3A_3, %get3A_8 : vector<1000x80xf32>
    %slice3A = vector.extract_strided_slice %add3A {offsets = [0, 64], sizes = [1000, 8], strides = [1, 1]} : vector<1000x80xf32> to vector<1000x8xf32>
    %slice3A_9 = vector.extract_strided_slice %add3A {offsets = [0, 0], sizes = [1000, 64], strides = [1, 1]} : vector<1000x80xf32> to vector<1000x64xf32>
    %reshape3A = vector.shape_cast %slice3A_9 : vector<1000x64xf32> to vector<1000x8x8xf32>
    %broadcast_in_dim3A = vector.shape_cast %slice3A : vector<1000x8xf32> to vector<1000x8x1xf32>
    %add3A_10 = arith.constant 1.000000e-16 : f32
    %add3A_11 = vector.broadcast %add3A_10 : f32 to vector<1000x8x1xf32>
    %add3A_12 = arith.addf %broadcast_in_dim3A, %add3A_11 : vector<1000x8x1xf32>
    %div3A = vector.broadcast %add3A_12 : vector<1000x8x1xf32> to vector<1000x8x8xf32>
    %div3A_13 = arith.divf %reshape3A, %div3A : vector<1000x8x8xf32>
    %reshape3A_14 = vector.shape_cast %div3A_13 : vector<1000x8x8xf32> to vector<1000x64xf32>
    %get3A_15 = arith.constant 0 : index
    %get3A_16 = vector.load %arg2[%get3A_15] : memref<64xf32, #tpu.memory_space<vmem>>, vector<64xf32>
    %broadcast_in_dim3A_17 = vector.shape_cast %get3A_16 : vector<64xf32> to vector<1x64xf32>
    %add3A_18 = vector.broadcast %broadcast_in_dim3A_17 : vector<1x64xf32> to vector<1000x64xf32>
    %add3A_19 = arith.addf %reshape3A_14, %add3A_18 : vector<1000x64xf32>
    %gt3A = arith.constant 0.000000e+00 : f32
    %gt3A_20 = vector.broadcast %gt3A : f32 to vector<1000x64xf32>
    %gt3A_21 = arith.cmpf ogt, %add3A_19, %gt3A_20 : vector<1000x64xf32>
    %min3A = arith.constant 0.000000e+00 : f32
    %min3A_22 = vector.broadcast %min3A : f32 to vector<1000x64xf32>
    %min3A_23 = arith.minimumf %add3A_19, %min3A_22 : vector<1000x64xf32>
    %exp3A = math.exp %min3A_23 : vector<1000x64xf32>
    %sub3A = arith.constant 1.000000e+00 : f32
    %sub3A_24 = vector.broadcast %sub3A : f32 to vector<1000x64xf32>
    %sub3A_25 = arith.subf %exp3A, %sub3A_24 : vector<1000x64xf32>
    %select_n3A = arith.select %gt3A_21, %add3A_19, %sub3A_25 : vector<1000x64xi1>, vector<1000x64xf32>
    %get3A_26 = arith.constant 0 : index
    %get3A_27 = arith.constant 0 : index
    %get3A_28 = vector.load %arg3[%get3A_26, %get3A_27] : memref<64x16xf32, #tpu.memory_space<vmem>>, vector<64x16xf32>
    %dot_general3A = arith.constant dense<0.000000e+00> : vector<1000x16xf32>
    %dot_general3A_29 = tpu.matmul %select_n3A, %get3A_28, %dot_general3A {dimension_numbers = #tpu.dot_dimension_numbers<[1], [0], [0], [1], [0, 0, 1, 1], [], []>, transpose_lhs_hint = false} : vector<1000x64xf32>, vector<64x16xf32>, vector<1000x16xf32> -> vector<1000x16xf32>
    %get3A_30 = arith.constant 0 : index
    %get3A_31 = arith.constant 0 : index
    %get3A_32 = vector.load %arg4[%get3A_30, %get3A_31] : memref<1x16xf32, #tpu.memory_space<vmem>>, vector<1x16xf32>
    %mul3A = vector.broadcast %get3A_32 : vector<1x16xf32> to vector<1000x16xf32>
    %mul3A_33 = arith.mulf %dot_general3A_29, %mul3A : vector<1000x16xf32>
    %reduce_sum3A = arith.constant dense<0.000000e+00> : vector<1000xf32>
    %reduce_sum3A_34 = vector.multi_reduction <add>, %mul3A_33, %reduce_sum3A [1] : vector<1000x16xf32> to vector<1000xf32>
    %broadcast_in_dim3A_35 = vector.shape_cast %reduce_sum3A_34 : vector<1000xf32> to vector<1000x1xf32>
    %get3A_36 = arith.constant 0 : index
    %get3A_37 = arith.constant 0 : index
    %get3A_38 = vector.load %arg5[%get3A_36, %get3A_37] : memref<1x16xf32, #tpu.memory_space<vmem>>, vector<1x16xf32>
    %mul3A_39 = vector.broadcast %get3A_38 : vector<1x16xf32> to vector<1000x16xf32>
    %mul3A_40 = arith.mulf %dot_general3A_29, %mul3A_39 : vector<1000x16xf32>
    %reduce_sum3A_41 = arith.constant dense<0.000000e+00> : vector<1000xf32>
    %reduce_sum3A_42 = vector.multi_reduction <add>, %mul3A_40, %reduce_sum3A_41 [1] : vector<1000x16xf32> to vector<1000xf32>
    %broadcast_in_dim3A_43 = vector.shape_cast %reduce_sum3A_42 : vector<1000xf32> to vector<1000x1xf32>
    %broadcast_in_dim3A_44 = vector.shape_cast %broadcast_in_dim3A_35 : vector<1000x1xf32> to vector<1000x1xf32>
    %broadcast_in_dim3A_45 = vector.broadcast %broadcast_in_dim3A_44 : vector<1000x1xf32> to vector<1000x16xf32>
    %concatenate3A = tpu.concatenate %dot_general3A_29, %broadcast_in_dim3A_45 in 1 : vector<1000x16xf32>, vector<1000x16xf32> -> vector<1000x32xf32>
    %swap3A = arith.constant 0 : index
    %swap3A_46 = arith.constant 0 : index
    %swap3A_47 = vector.load %arg6[%swap3A, %swap3A_46] : memref<1000x32xf32, #tpu.memory_space<vmem>>, vector<1000x32xf32>
    tpu.vector_store %arg6[%swap3A, %swap3A_46], %concatenate3A {strides = array<i32>} : memref<1000x32xf32, #tpu.memory_space<vmem>>, vector<1000x32xf32>,
    %broadcast_in_dim3A_48 = vector.shape_cast %broadcast_in_dim3A_43 : vector<1000x1xf32> to vector<1000x1xf32>
    %broadcast_in_dim3A_49 = vector.broadcast %broadcast_in_dim3A_48 : vector<1000x1xf32> to vector<1000x16xf32>
    %swap3A_50 = arith.constant 0 : index
    %swap3A_51 = arith.constant 0 : index
    %swap3A_52 = vector.load %arg7[%swap3A_50, %swap3A_51] : memref<1000x16xf32, #tpu.memory_space<vmem>>, vector<1000x16xf32>
    tpu.vector_store %arg7[%swap3A_50, %swap3A_51], %broadcast_in_dim3A_49 {strides = array<i32>} : memref<1000x16xf32, #tpu.memory_space<vmem>>, vector<1000x16xf32>,
    return
  }
  func.func @transform_0(%arg0: i32) -> (i32, i32, i32) {
    %c0_i32 = arith.constant 0 : i32
    %c0_i32_0 = arith.constant 0 : i32
    %c0_i32_1 = arith.constant 0 : i32
    return %c0_i32, %arg0, %c0_i32_0 : i32, i32, i32
  }
  func.func @transform_1(%arg0: i32) -> i32 {
    %c0_i32 = arith.constant 0 : i32
    %c0_i32_0 = arith.constant 0 : i32
    return %c0_i32 : i32
  }
  func.func @transform_2(%arg0: i32) -> (i32, i32) {
    %c0_i32 = arith.constant 0 : i32
    %c0_i32_0 = arith.constant 0 : i32
    %c0_i32_1 = arith.constant 0 : i32
    return %c0_i32, %c0_i32_0 : i32, i32
  }
  func.func @transform_3(%arg0: i32) -> (i32, i32) {
    %c0_i32 = arith.constant 0 : i32
    %c0_i32_0 = arith.constant 0 : i32
    %c0_i32_1 = arith.constant 0 : i32
    return %c0_i32, %c0_i32_0 : i32, i32
  }
  func.func @transform_4(%arg0: i32) -> (i32, i32) {
    %c0_i32 = arith.constant 0 : i32
    %c0_i32_0 = arith.constant 0 : i32
    %c0_i32_1 = arith.constant 0 : i32
    return %c0_i32, %c0_i32_0 : i32, i32
  }
  func.func @transform_5(%arg0: i32) -> (i32, i32) {
    %c0_i32 = arith.constant 0 : i32
    %c0_i32_0 = arith.constant 0 : i32
    return %arg0, %c0_i32 : i32, i32
  }
  func.func @transform_6(%arg0: i32) -> (i32, i32) {
    %c0_i32 = arith.constant 0 : i32
    %c0_i32_0 = arith.constant 0 : i32
    return %arg0, %c0_i32 : i32, i32
  }
}

module attributes {stable_mosaic.version = 14 : i64} {
  func.func @tc_gat_out(%arg0: i32, %arg1: memref<2x1000x32xf32, #tpu.memory_space<vmem>>, %arg2: memref<16xf32, #tpu.memory_space<vmem>>, %arg3: memref<1000x16xf32, #tpu.memory_space<vmem>>) attributes {dimension_semantics = [#tpu.dimension_semantics<arbitrary>], iteration_bounds = array<i64: 10>, scalar_prefetch = 0 : i64, scratch_operands = 0 : i64, tpu.core_type = #tpu.core_type<tc>, window_params = [{transform_indices = @transform_0, window_bounds = array<i64: 2, 1000, 32>}, {pipeline_mode = #tpu.pipeline_mode<synchronous>, transform_indices = @transform_1, window_bounds = array<i64: 16>}, {transform_indices = @transform_2, window_bounds = array<i64: 1000, 16>}]} {
    %get3A = arith.constant 0 : index
    %get3A_0 = arith.constant 0 : index
    %get3A_1 = arith.constant 0 : index
    %get3A_2 = vector.load %arg1[%get3A, %get3A_0, %get3A_1] : memref<2x1000x32xf32, #tpu.memory_space<vmem>>, vector<1x1000x32xf32>
    %get3A_3 = vector.shape_cast %get3A_2 : vector<1x1000x32xf32> to vector<1000x32xf32>
    %get3A_4 = arith.constant 1 : index
    %get3A_5 = arith.constant 0 : index
    %get3A_6 = arith.constant 0 : index
    %get3A_7 = vector.load %arg1[%get3A_4, %get3A_5, %get3A_6] : memref<2x1000x32xf32, #tpu.memory_space<vmem>>, vector<1x1000x32xf32>
    %get3A_8 = vector.shape_cast %get3A_7 : vector<1x1000x32xf32> to vector<1000x32xf32>
    %add3A = arith.addf %get3A_3, %get3A_8 : vector<1000x32xf32>
    %slice3A = vector.extract_strided_slice %add3A {offsets = [0, 16], sizes = [1000, 1], strides = [1, 1]} : vector<1000x32xf32> to vector<1000x1xf32>
    %slice3A_9 = vector.extract_strided_slice %add3A {offsets = [0, 0], sizes = [1000, 16], strides = [1, 1]} : vector<1000x32xf32> to vector<1000x16xf32>
    %add3A_10 = arith.constant 1.000000e-16 : f32
    %add3A_11 = vector.broadcast %add3A_10 : f32 to vector<1000x1xf32>
    %add3A_12 = arith.addf %slice3A, %add3A_11 : vector<1000x1xf32>
    %div3A = vector.broadcast %add3A_12 : vector<1000x1xf32> to vector<1000x16xf32>
    %div3A_13 = arith.divf %slice3A_9, %div3A : vector<1000x16xf32>
    %get3A_14 = arith.constant 0 : index
    %get3A_15 = vector.load %arg2[%get3A_14] : memref<16xf32, #tpu.memory_space<vmem>>, vector<16xf32>
    %broadcast_in_dim3A = vector.shape_cast %get3A_15 : vector<16xf32> to vector<1x16xf32>
    %add3A_16 = vector.broadcast %broadcast_in_dim3A : vector<1x16xf32> to vector<1000x16xf32>
    %add3A_17 = arith.addf %div3A_13, %add3A_16 : vector<1000x16xf32>
    %reduce_max3A = arith.constant dense<0xFF800000> : vector<1000xf32>
    %reduce_max3A_18 = vector.multi_reduction <maximumf>, %add3A_17, %reduce_max3A [1] : vector<1000x16xf32> to vector<1000xf32>
    %broadcast_in_dim3A_19 = vector.shape_cast %reduce_max3A_18 : vector<1000xf32> to vector<1000x1xf32>
    %sub3A = vector.broadcast %broadcast_in_dim3A_19 : vector<1000x1xf32> to vector<1000x16xf32>
    %sub3A_20 = arith.subf %add3A_17, %sub3A : vector<1000x16xf32>
    %exp3A = math.exp %sub3A_20 : vector<1000x16xf32>
    %reduce_sum3A = arith.constant dense<0.000000e+00> : vector<1000xf32>
    %reduce_sum3A_21 = vector.multi_reduction <add>, %exp3A, %reduce_sum3A [1] : vector<1000x16xf32> to vector<1000xf32>
    %broadcast_in_dim3A_22 = vector.shape_cast %reduce_sum3A_21 : vector<1000xf32> to vector<1000x1xf32>
    %log3A = math.log %broadcast_in_dim3A_22 : vector<1000x1xf32>
    %sub3A_23 = vector.broadcast %log3A : vector<1000x1xf32> to vector<1000x16xf32>
    %sub3A_24 = arith.subf %sub3A_20, %sub3A_23 : vector<1000x16xf32>
    %swap3A = arith.constant 0 : index
    %swap3A_25 = arith.constant 0 : index
    %swap3A_26 = vector.load %arg3[%swap3A, %swap3A_25] : memref<1000x16xf32, #tpu.memory_space<vmem>>, vector<1000x16xf32>
    tpu.vector_store %arg3[%swap3A, %swap3A_25], %sub3A_24 {strides = array<i32>} : memref<1000x16xf32, #tpu.memory_space<vmem>>, vector<1000x16xf32>,
    return
  }
  func.func @transform_0(%arg0: i32) -> (i32, i32, i32) {
    %c0_i32 = arith.constant 0 : i32
    %c0_i32_0 = arith.constant 0 : i32
    %c0_i32_1 = arith.constant 0 : i32
    return %c0_i32, %arg0, %c0_i32_0 : i32, i32, i32
  }
  func.func @transform_1(%arg0: i32) -> i32 {
    %c0_i32 = arith.constant 0 : i32
    %c0_i32_0 = arith.constant 0 : i32
    return %c0_i32 : i32
  }
  func.func @transform_2(%arg0: i32) -> (i32, i32) {
    %c0_i32 = arith.constant 0 : i32
    %c0_i32_0 = arith.constant 0 : i32
    return %arg0, %c0_i32 : i32, i32
  }
}

</mosaic_0001>

<sc_bundles>
// kernel: sc_gat_edges_l1.3.cloned.1.call-start
scs
__scs_entry_jumppad:
0x0: {  	(pc) =	sbr.rel $0x88, $3  }
0x1: {  	(tag) =	ssettag $0x0;
	lr =	simm.s32 $0x1  }
0x2: {  	[smem:$0x3F97] =	sst lr;
	_ =	strace $0xD0000000  }
0x3: {  	_ = 	snop  }
0x4: {  	_ = 	snop  }
0x5: {  	_ = 	snop  }
0x6: {  	_ = 	snop  }
0x7: {  	_ = 	snop  }
__scs_overlays_trampoline_lowered:
0x8: {  	[smem:$0x3FA6] =	sst s0  }
0x9: {  	[smem:$0x3FA7] =	sst s1  }
0xa: {  	[smem:$0x3FA8] =	sst s2  }
0xb: {  	[smem:$0x3FA9] =	sst s3  }
0xc: {  	[smem:$0x3FAA] =	sst s4  }
0xd: {  	[smem:$0x3FAB] =	sst s5  }
0xe: {  	[smem:$0x3FAC] =	sst s6  }
0xf: {  	[smem:$0x3FAD] =	sst s7  }
0x10: {  	[smem:$0x3FAE] =	sst s8  }
0x11: {  	[smem:$0x3FAF] =	sst s9;
	s0 =	simm.s32 @!p0 $0x0  }
0x12: {  	s1 =	sld [smem:$0x3F95];
	s0 =	simm.s32 @p0 $0x1  }
0x13: {  	[smem:$0x3FB0] =	sst s0;
	s0 =	simm.s32 @!p1 $0x0  }
0x14: {  	s2 =	sld [smem:$0x3F94];
	s0 =	simm.s32 @p1 $0x1  }
0x15: {  	[smem:$0x3FB1] =	sst s0;
	s0 =	simm.s32 @!p2 $0x0  }
0x16: {  	s3 =	sld [smem:$0x3FDB];
	s0 =	simm.s32 @p2 $0x1  }
0x17: {  	s4 =	simm.s32 $0x1BF5;
	[smem:$0x3FB3] =	sst s0  }
0x18: {  	s0 =	sld [smem:$0x3F96];
	_ =	swait.ge [sflag:s4], $0x0  }
0x19: {  	s7 =	sld [smem:$0x3F97]  }
0x1a: {  	s8 =	sadd.s32 $0xFFFFE003, lr  }
0x1b: {  	s9 =	sadd.s32 $0xFFFFFEF7, lr;
	s5 =	simm.s32 $0xFFFFFFFF;
	p2 =	slt.u32 s8, $0xFFFFF086  }
0x1c: {  	p1 =	slt.u32 s9, $0xF7A;
	s5 =	simm.s32 @!p2 $0x0  }
0x1d: {  	s5 =	simm.s32 @p1 $0x1;
	p0 =	seq.s32 s7, s2  }
0x1e: {  	s7 =	smul.u32 @!p0 $0xF7A, s2;
	p2 =	seq.s32 @!p0 s5, $0x0  }
0x1f: {  	s9 =	smul.u32 $0xF7A, s1;
	s8 =	simm.s32 @!p0 $0x1BF5;
	p2 =	por !p2, p0  }
0x20: {  	[sflag:s8] =	ssyncset.s32 @!p0 $0xFFFFF086;
	s6 =	sadd.s32 @!p0 s3, s7;
	s7 =	simm.s32 @!p0 $0x108  }
0x21: {  	s3 =	sadd.s32 s3, s9;
	s6 =	sadd.s32 @!p0 $0x88, s6;
	s7 =	simm.s32 @p2 $0x1082  }
0x22: {  	[simem:s7], [sflag:s8] =	dma.local @!p0 [hbm:s6], $0xF7A  }
0x23: {  	s9 =	sor.u32 $0xD0000000, s2;
	s6 =	simm.s32 $0x108;
	_ =	swait.ge @!p0 [sflag:s8], $0x0  }
0x24: {  	s3 =	sadd.s32 $0x88, s3;
	s6 =	simm.s32 @!p1 $0x1082;
	[sflag:s4] =	ssyncset.s32 $0xFFFFF086  }
0x25: {  	[simem:s6], [sflag:s4] =	dma.local [hbm:s3], $0xF7A  }
0x26: {  	[smem:$0x3F97] =	sst s1;
	(tag) =	ssettag s2;
	_ =	strace s9  }
0x27: {  	s1 =	sld [smem:$0x3FA7]  }
0x28: {  	s2 =	sld [smem:$0x3FA8]  }
0x29: {  	s4 =	sld [smem:$0x3FAA]  }
0x2a: {  	p0 =	seq.s32 s5, $0x0;
	s5 =	sld [smem:$0x3FAB]  }
0x2b: {  	s6 =	sld [smem:$0x3FAC]  }
0x2c: {  	s7 =	sld [smem:$0x3FAD]  }
0x2d: {  	s3 =	simm.s32 $0x108;
	s8 =	sld [smem:$0x3FAE]  }
0x2e: {  	s3 =	simm.s32 @!p0 $0x1082;
	s9 =	sld [smem:$0x3FAF]  }
0x2f: {  	lr =	sadd.s32 s0, s3;
	s0 =	sld [smem:$0x3FA6]  }
0x30: {  	s3 =	sld [smem:$0x3FA9]  }
0x31: {  	[smem:$0x3FB2] =	sst s10  }
0x32: {  	s10 =	sld [smem:$0x3FB0];
	_ =	sdelay $0x3  }
0x33: {  	p0 =	seq.s32 s10, $0x1;
	s10 =	sld [smem:$0x3FB2];
	_ =	sdelay $0x3  }
0x34: {  	[smem:$0x3FB2] =	sst s10  }
0x35: {  	s10 =	sld [smem:$0x3FB1];
	_ =	sdelay $0x3  }
0x36: {  	p1 =	seq.s32 s10, $0x1;
	s10 =	sld [smem:$0x3FB2];
	_ =	sdelay $0x3  }
0x37: {  	[smem:$0x3FB2] =	sst s10  }
0x38: {  	s10 =	sld [smem:$0x3FB3]  }
0x39: {  	_ = 	snop;
	(pc) =	sbr.ind lr, $3  }
0x3a: {  	_ = 	snop  }
0x3b: {  	_ = 	snop  }
0x3c: {  	p2 =	seq.s32 s10, $0x1;
	s10 =	sld [smem:$0x3FB2]  }
0x3d: {  	_ =	shalt  }
0x3e: {  	_ =	shalt  }
0x3f: {  	_ =	shalt  }
0x40: {  	_ =	shalt  }
0x41: {  	_ =	shalt  }
0x42: {  	_ =	shalt  }
0x43: {  	_ =	shalt  }
0x44: {  	_ =	shalt  }
0x45: {  	_ =	shalt  }
0x46: {  	_ =	shalt  }
0x47: {  	_ =	shalt  }
0x48: {  	_ =	shalt  }
0x49: {  	_ =	shalt  }
0x4a: {  	_ =	shalt  }
0x4b: {  	_ =	shalt  }
0x4c: {  	_ =	shalt  }
0x4d: {  	_ =	shalt  }
0x4e: {  	_ =	shalt  }
0x4f: {  	_ =	shalt  }
0x50: {  	_ =	shalt  }
0x51: {  	_ =	shalt  }
0x52: {  	_ =	shalt  }
0x53: {  	_ =	shalt  }
0x54: {  	_ =	shalt  }
0x55: {  	_ =	shalt  }
0x56: {  	_ =	shalt  }
0x57: {  	_ =	shalt  }
0x58: {  	_ =	shalt  }
0x59: {  	_ =	shalt  }
0x5a: {  	_ =	shalt  }
0x5b: {  	_ =	shalt  }
0x5c: {  	_ =	shalt  }
0x5d: {  	_ =	shalt  }
0x5e: {  	_ =	shalt  }
0x5f: {  	_ =	shalt  }
0x60: {  	_ =	shalt  }
0x61: {  	_ =	shalt  }
0x62: {  	_ =	shalt  }
0x63: {  	_ =	shalt  }
0x64: {  	_ =	shalt  }
0x65: {  	_ =	shalt  }
0x66: {  	_ =	shalt  }
0x67: {  	_ =	shalt  }
0x68: {  	_ =	shalt  }
0x69: {  	_ =	shalt  }
0x6a: {  	_ =	shalt  }
0x6b: {  	_ =	shalt  }
0x6c: {  	_ =	shalt  }
0x6d: {  	_ =	shalt  }
0x6e: {  	_ =	shalt  }
0x6f: {  	_ =	shalt  }
0x70: {  	_ =	shalt  }
0x71: {  	_ =	shalt  }
0x72: {  	_ =	shalt  }
0x73: {  	_ =	shalt  }
0x74: {  	_ =	shalt  }
0x75: {  	_ =	shalt  }
0x76: {  	_ =	shalt  }
0x77: {  	_ =	shalt  }
0x78: {  	_ =	shalt  }
0x79: {  	_ =	shalt  }
0x7a: {  	_ =	shalt  }
0x7b: {  	_ =	shalt  }
0x7c: {  	_ =	shalt  }
0x7d: {  	_ =	shalt  }
0x7e: {  	_ =	shalt  }
0x7f: {  	_ =	shalt  }
0x80: {  	_ =	shalt  }
0x81: {  	_ =	shalt  }
0x82: {  	_ =	shalt  }
0x83: {  	_ =	shalt  }
0x84: {  	_ =	shalt  }
0x85: {  	_ =	shalt  }
0x86: {  	_ =	shalt  }
0x87: {  	_ =	shalt  }
.Lfunc_end0:
.L_simem_size_0:
called_computation_lowered:
.L_overlay_start_0:
0x88: {  	s2 =	sld [smem:$0x3FD9]  }
0x89: {  	s3 =	sld [smem:$0x3FFE];
	_ =	sdelay $0x1  }
0x8a: {  	s1 =	srdreg.scid  }
0x8b: {  	s0 =	sand.u32 $0x1, s1  }
0x8c: {  	s17 =	sshll.u32 s0, $0xA;
	s2 =	sadd.s32 s3, s2  }
0x8d: {  	s2 =	sadd.s32 s2, s17  }
0x8e: {  	[smem:$0x3FBE] =	sst s2  }
0x8f: {  	_ = 	snop  }
0x90: {  	s2 =	sld [smem:$0x3FD0];
	(tm) =	ssettm $0x1  }
0x91: {  	s18 =	sld [smem:$0x3FFB];
	_ =	sdelay $0x3  }
0x92: {  	_ =	strace s18  }
0x93: {  	s3 =	sld [smem:$0x3FFC];
	_ =	sdelay $0x3  }
0x94: {  	_ =	strace s3  }
0x95: {  	s3 =	sld [smem:$0x3FFD];
	_ =	sdelay $0x3  }
0x96: {  	_ =	strace s3  }
0x97: {  	_ =	strace $0x8FFFFFFF  }
0x98: {  	s19 =	sld [smem:$0x3FDB];
	_ =	sdelay $0x1  }
0x99: {  	s4 =	simm.s32 $_scs_section_size  }
0x9a: {  	s5 =	simm.s32 $_size__tile_overlayer_lowered;
	s6 =	simm.s32 $_tile_overlayer_lowered  }
0x9b: {  	s22 =	simm.s32 $0x1BFF;
	s21 =	sshll.u32 s6, $0x1;
	s3 =	sadd.s32 s4, s19  }
0x9c: {  	s7 =	simm.s32 $0x0;
	s20 =	sshll.u32 s5, $0x1;
	s5 =	sadd.s32 s21, s3  }
0x9d: {  	[timem:s7], [sflag:s22] =	dma.local [hbm:s5], s20  }
0x9e: {  	_ =	swait.ge [sflag:s22], s20  }
0x9f: {  	s4 =	ssub.s32 $0x0, s20;
	[sflag:s22] =	ssyncset.done $0x0  }
0xa0: {  	[sflag:s22] =	ssyncadd.s32 s4;
	_ =	sdelay $0x1  }
0xa1: {  	s23 =	simm.s32 $0x1B8B  }
0xa2: {  	_ =	swait.ge [sflag:s23], $0x1  }
0xa3: {  	[sflag:s23] =	ssyncset.done $0x0  }
0xa4: {  	s25 =	simm.s32 $0x1B8E;
	s24 =	sld [smem:$0x3FFE];
	[sflag:s23] =	ssyncadd.s32 $0xFFFFFFFF  }
0xa5: {  	s26 =	simm.s32 $execute0_lowered;
	[smem:$0x3FD2] =	sst s25  }
0xa6: {  	s5 =	sshll.u32 s26, $0x1;
	_ =	strace $0x80000046;
	[dreg:$0x1] =	wrdreg $0xFFFFFFFF  }
0xa7: {  	s28 =	simm.s32 $_size_execute0_lowered;
	s3 =	sadd.s32 s3, s5;
	[dreg:$0x0] =	wrdreg $0x0  }
0xa8: {  	s5 =	sshll.u32 s28, $0x1;
	[dreg:$0x2] =	wrdreg s3  }
0xa9: {  	[dreg:$0x3] =	wrdreg s5  }
0xaa: {  	[dreg:$0x4] =	wrdreg $0xC0  }
0xab: {  	_ =	task [dreg:s7], $0x5FFFF  }
0xac: {  	[dreg:$0x1] =	wrdreg $0xFFFFFFFF  }
0xad: {  	[dreg:$0x0] =	wrdreg $0x60  }
0xae: {  	[dreg:$0x2] =	wrdreg s24  }
0xaf: {  	[dreg:$0x3] =	wrdreg s2  }
0xb0: {  	[dreg:$0x4] =	wrdreg $0x102000  }
0xb1: {  	[dreg:$0x5] =	wrdreg $0x9  }
0xb2: {  	_ =	task.clear_ibuf [dreg:s7], $0x6FFFF;
	_ =	strace $0x90000046  }
0xb3: {  	s29 =	simm.s32 $0x9;
	_ =	strace $0x80000048  }
0xb4: {  	_ =	swait.ge [sflag:s29], $0x1  }
0xb5: {  	[sflag:s29] =	ssyncadd.s32 $0xFFFFFFFF  }
0xb6: {  	_ =	strace $0x90000048  }
0xb7: {  	_ =	sfence  }
0xb8: {  	s30 =	sld [smem:$0x0];
	_ =	sdelay $0x2  }
0xb9: {  	s31 =	sshll.u32 s1, $0xD;
	s1 =	sshrl.u32 s1, $0x2  }
0xba: {  	s3 =	sand.u32 $0x4000, s31;
	s1 =	sadd.s32 s1, s30  }
0xbb: {  	s0 =	sor.u32 s3, s0;
	s1 =	sshll.u32 s1, $0x11  }
0xbc: {  	s0 =	sor.u32 s1, s0  }
0xbd: {  	s0 =	sadd.s32 $0x8F2B, s0  }
0xbe: {  	[sflag:s0] =	ssyncadd.remote.s32 $0x1  }
0xbf: {  	_ =	sfence.sel $0xFFFF  }
0xc0: {  	[dreg:$0x0] =	wrdreg $0xFFFFFFFF;
	(pc) =	sbr.abs _section_cstart, $3  }
0xc1: {  	[dreg:$0x1] =	wrdreg $0xFFFFFFFF  }
0xc2: {  	_ =	task.clear_ibuf [dreg:s7], $0x2FFFF;
	_ =	strace $0x9FFFFFFF  }
0xc3: {  	(tm) =	ssettm $0x7FFFFFFF  }
tec
execute0_lowered:
.L_overlay_start_1:
0x0: {  	(tag) =	ssettag $0x1  }
0x1: {  	s0 =	srdreg.scid;
	s1 =	rddreg [dreg:$0x0]  }
0x2: {  	s8 =	stileid.u32;
	s2 =	rddreg [dreg:$0x1];
	s15 =	simm.s32 $0x5200  }
0x3: {  	s16 =	simm.s32 $0x3;
	s18 =	simm.s32 $0x80;
	s19 =	simm.s32 $0x7A00  }
0x4: {  	s20 =	simm.s32 $0x8200;
	s22 =	simm.s32 $0xAA00;
	s23 =	simm.s32 $0x1  }
0x5: {  	s24 =	simm.s32 $0xB200;
	s25 =	simm.s32 $0x2;
	s0 =	sand.u32 $0x1, s0  }
0x6: {  	s26 =	simm.s32 $0xDA00;
	s6 =	smul.u32 $0xC580, s8;
	s3 =	sshll.u32 s0, $0x4  }
0x7: {  	s7 =	smul.u32 $0xC5800, s0;
	s0 =	ssub.s32 $0x2, s0;
	s4 =	sor.u32 s8, s3  }
0x8: {  	s3 =	rddreg [dreg:$0x2];
	s8 =	smul.u32 $0x31600, s8;
	s9 =	sshrl.u32 s0, $0x1  }
0x9: {  	s5 =	smul.u32 $0x520, s4;
	s4 =	simm.s32 $0x0;
	s7 =	sadd.s32 s6, s7  }
0xa: {  	s0 =	ssub.s32 s0, s9;
	s6 =	sadd.s32 s6, s3;
	[smem:$0x7FF] =	sst s4  }
0xb: {  	s7 =	sshrl.u32 s7, $0x3;
	s8 =	sshrl.u32 s8, $0x2;
	s14 =	smax.u32 s0, $0x1  }
0xc: {  	v0 =	vlaneseq.u32;
	_ =	strace $0x80000047;
	s12 =	sadd.s32 s5, s1;
	s10 =	sadd.s32 s8, s3  }
0xd: {  	v4 =	vshrl.u32 v0, $0x3;
	s5 =	sadd.s32 $0x1400, s1;
	s1 =	sadd.s32 s7, s1;
	s7 =	sadd.s32 $0x2800, s10  }
0xe: {  	v0 =	vimm.f32 $0.0e+00;
	v1 =	vor.u32 $0x40, v4;
	s8 =	sadd.s32 $0x5000, s10;
	s9 =	sadd.s32 $0x7800, s10;
	s10 =	sadd.s32 $0xA000, s10  }
0xf: {  	v2 =	vor.u32 $0x42, v4;
	v3 =	vor.u32 $0x44, v4;
	v4 =	vor.u32 $0x46, v4;
	s11 =	sadd.s32 $0x24000, s12;
	s12 =	sadd.s32 $0x19C00, s12;
	s13 =	sadd.s32 $0x2E400, s1  }
.LBB2_1:
0x10: {  	s1 =	simm.s32 $0x140;
	s0 =	simm.s32 $0x0  }
.LBB2_2:
0x11: {  	p0 =	sne.s32 s1, $0x9EC0;
	[tilespmem:s0+$0x5240] =	vst v0;
	s21 =	smov.u32 s1;
	s1 =	sadd.s32 $0x140, s1  }
.Ltmp0:
0x12: {  	[tilespmem:s0+$0x5230] =	vst v0;
	(pc) =	sbr.rel @p0 .LBB2_2-.Ltmp0, $4  }
0x13: {  	[tilespmem:s0+$0x5220] =	vst v0  }
0x14: {  	[tilespmem:s0+$0x5200] =	vst v0  }
0x15: {  	[tilespmem:s0+$0x5210] =	vst v0  }
0x16: {  	s0 =	sshra.s32 s21, $0x2  }
0x17: {  	[tilespmem:s0+$0x5240] =	vst v0  }
0x18: {  	[tilespmem:s0+$0x5230] =	vst v0  }
0x19: {  	[tilespmem:s0+$0x5220] =	vst v0  }
0x1a: {  	[tilespmem:s0+$0x5200] =	vst v0  }
0x1b: {  	[tilespmem:s0+$0x5210] =	vst v0  }
0x1c: {  	[spmem:s6] =	stream.linear.scatter [tilespmem:s15], [sflag:$0x3], $0x2800, $0x38;
	[tilespmem:$0x1C780] =	vst v63  }
0x1d: {  	_ =	swait.ge [sflag:s16], $0x2800  }
0x1e: {  	[sflag:s16] =	ssyncset.done $0x0  }
0x1f: {  	[sflag:s16] =	ssyncadd.s32 $0xFFFFD800  }
0x20: {  	[spmem:s7] =	stream.linear.scatter [tilespmem:s15], [sflag:$0x3], $0x2800, $0x38;
	[tilespmem:$0x1C780] =	vst v63  }
0x21: {  	_ =	swait.ge [sflag:s16], $0x2800  }
0x22: {  	[sflag:s16] =	ssyncset.done $0x0  }
0x23: {  	[sflag:s16] =	ssyncadd.s32 $0xFFFFD800  }
0x24: {  	[spmem:s8] =	stream.linear.scatter [tilespmem:s15], [sflag:$0x3], $0x2800, $0x38;
	[tilespmem:$0x1C780] =	vst v63  }
0x25: {  	_ =	swait.ge [sflag:s16], $0x2800  }
0x26: {  	[sflag:s16] =	ssyncset.done $0x0  }
0x27: {  	[sflag:s16] =	ssyncadd.s32 $0xFFFFD800  }
0x28: {  	[spmem:s9] =	stream.linear.scatter [tilespmem:s15], [sflag:$0x3], $0x2800, $0x38;
	[tilespmem:$0x1C780] =	vst v63  }
0x29: {  	_ =	swait.ge [sflag:s16], $0x2800  }
0x2a: {  	[sflag:s16] =	ssyncset.done $0x0  }
0x2b: {  	[sflag:s16] =	ssyncadd.s32 $0xFFFFD800  }
0x2c: {  	[spmem:s10] =	stream.linear.scatter [tilespmem:s15], [sflag:$0x3], $0x2580, $0x38;
	[tilespmem:$0x1C780] =	vst v63  }
0x2d: {  	_ =	swait.ge [sflag:s16], $0x2580  }
0x2e: {  	[sflag:s16] =	ssyncset.done $0x0  }
0x2f: {  	[sflag:s16] =	ssyncadd.s32 $0xFFFFDA80  }
0x30: {  	s28 =	simm.s32 $0x0;
	[bflag:$0x0] =	sbarrier.arrive $0xFFFF  }
0x31: {  	[tilespmem:s28], [sflag:$0x3] =	stream.linear.gather [hbm4b:s11+s28], $0x2900, $0x38;
	[tilespmem:$0x1C780] =	vst v63  }
0x32: {  	_ =	swait.ge [sflag:s16], $0x2900  }
0x33: {  	[sflag:s16] =	ssyncset.done $0x0  }
0x34: {  	s30 =	simm.s32 $0x2900;
	[sflag:s16] =	ssyncadd.s32 $0xFFFFD700  }
0x35: {  	[tilespmem:s30], [sflag:$0x3] =	stream.linear.gather [hbm4b:s12+s28], $0x2900, $0x38;
	[tilespmem:$0x1C780] =	vst v63  }
0x36: {  	_ =	swait.ge [sflag:s16], $0x2900  }
0x37: {  	[sflag:s16] =	ssyncset.done $0x0  }
0x38: {  	[sflag:s16] =	ssyncadd.s32 $0xFFFFD700  }
0x39: {  	[tilespmem:s15], [sflag:$0x1] =	stream.indirect.gather [hbm4b:s5+s18], $0x50, s28, s18, $0xb8;
	[tilespmem:$0x1C780] =	vst v63  }
0x3a: {  	_ = 	snop  }
0x3b: {  	[tilespmem:s19], [sflag:$0x1] =	stream.indirect.gather [hbm4b:s2+s18], $0x10, s30, s18, $0xb8;
	[tilespmem:$0x1C780] =	vst v63  }
0x3c: {  	_ = 	snop  }
0x3d: {  	[tilespmem:s20], [sflag:$0x2] =	stream.indirect.gather [hbm4b:s5+s18], $0x50, s18, s18, $0xb8;
	[tilespmem:$0x1C780] =	vst v63  }
0x3e: {  	s31 =	simm.s32 $0x2980  }
0x3f: {  	[tilespmem:s22], [sflag:$0x2] =	stream.indirect.gather [hbm4b:s2+s18], $0x10, s31, s18, $0xb8;
	[tilespmem:$0x1C780] =	vst v63  }
.LBB2_4:
0x40: {  	_ =	swait.ge [sflag:s23], $0x2800  }
0x41: {  	[sflag:s23] =	ssyncset.done $0x0  }
0x42: {  	[sflag:s23] =	ssyncadd.s32 $0xFFFFD800  }
0x43: {  	_ =	swait.ge [sflag:s23], $0x800  }
0x44: {  	[sflag:s23] =	ssyncset.done $0x0  }
0x45: {  	s0 =	simm.s32 $0x7A40;
	[sflag:s23] =	ssyncadd.s32 $0xFFFFF800  }
0x46: {  	s29 =	simm.s32 $0x0;
	v5 =	vld [tilespmem:s0+$0x30]  }
0x47: {  	v6 =	vld [tilespmem:s29+$0x5470]  }
0x48: {  	v7 =	vld [tilespmem:s29+$0x5240]  }
0x49: {  	v8 =	vld [tilespmem:s29+$0x5290]  }
0x4a: {  	v9 =	vld [tilespmem:s29+$0x52E0]  }
0x4b: {  	v10 =	vld [tilespmem:s29+$0x5330]  }
0x4c: {  	v11 =	vld [tilespmem:s29+$0x5380]  }
0x4d: {  	v12 =	vld [tilespmem:s29+$0x5420];
	v5 =	vadd.f32 v5, v6  }
0x4e: {  	v14 =	vld [tilespmem:s0+$0xFFFFFFC0]  }
0x4f: {  	v15 =	vld [tilespmem:s0+$0xFFFFFFD0];
	v13 =	vmul.f32 $2.000000030e-01, v5  }
0x50: {  	v16 =	vld [tilespmem:s0+$0xFFFFFFF0]  }
0x51: {  	v17 =	vld [tilespmem:s0+$0x0];
	v5 =	vmax.f32 v5, v13  }
0x52: {  	v18 =	vld [tilespmem:s0+$0x20];
	v5 =	vmul.f32 $1.442695020e+00, v5  }
0x53: {  	v19 =	vld [tilespmem:s29+$0x5200]  }
0x54: {  	v13 =	vld [tilespmem:s0+$0xFFFFFFE0];
	(erf) = vpow2.f32 v5  }
0x55: {  	v49 =	vld [tilespmem:s29+$0x53E0]  }
0x56: {  	v24 =	vld [tilespmem:s29+$0x5210]  }
0x57: {  	v6 =	vld [tilespmem:s29+$0x53D0];
	v7 =	vadd.f32 v14, v7;
	v8 =	vadd.f32 v15, v8  }
0x58: {  	v10 =	vadd.f32 v16, v10;
	v11 =	vadd.f32 v17, v11;
	v5 =	vld [tilespmem:s0+$0x10]  }
0x59: {  	v51 =	vld [tilespmem:s29+$0x5430];
	v20 =	vmul.f32 $2.000000030e-01, v7;
	v21 =	vmul.f32 $2.000000030e-01, v8;
	v9 =	vadd.f32 v13, v9  }
0x5a: {  	v52 =	vld [tilespmem:s29+$0x5220];
	v48 =	vmul.f32 $2.000000030e-01, v10;
	v22 =	vmul.f32 $2.000000030e-01, v11  }
0x5b: {  	v54 =	vld [tilespmem:s29+$0x5270];
	v7 =	vmax.f32 v7, v20;
	v8 =	vmax.f32 v8, v21;
	v17 =	vmul.f32 $2.000000030e-01, v9  }
0x5c: {  	v14 =	vld [tilespmem:s29+$0x5250];
	v10 =	vmax.f32 v10, v48;
	v7 =	vmul.f32 $1.442695020e+00, v7;
	v8 =	vmul.f32 $1.442695020e+00, v8  }
0x5d: {  	v15 =	vld [tilespmem:s29+$0x52A0];
	v10 =	vmul.f32 $1.442695020e+00, v10;
	v5 =	vadd.f32 v5, v6;
	v9 =	vmax.f32 v9, v17;
	v23 =	vpop (erf)  }
0x5e: {  	v16 =	vld [tilespmem:s29+$0x5340];
	v12 =	vadd.f32 v18, v12;
	v9 =	vmul.f32 $1.442695020e+00, v9;
	(erf) = vpow2.f32 v7;
	[tilespmem:s29+$0xB470] =	vst v23  }
0x5f: {  	v50 =	vmul.f32 $2.000000030e-01, v5;
	v7 =	vmax.f32 v11, v22;
	(erf) = vpow2.f32 v8;
	v23 =	vld.idx.msk [tilespmem:v1+s29+$0xB430], $0xffff  }
0x60: {  	v13 =	vld [tilespmem:s29+$0x52F0];
	v7 =	vmul.f32 $1.442695020e+00, v7;
	(erf) = vpow2.f32 v9  }
0x61: {  	v6 =	vld [tilespmem:s29+$0x5390];
	v17 =	vmul.f32 $2.000000030e-01, v12;
	v5 =	vmax.f32 v5, v50;
	(erf) = vpow2.f32 v10  }
0x62: {  	v11 =	vld [tilespmem:s29+$0x5260];
	v5 =	vmul.f32 $1.442695020e+00, v5;
	(erf) = vpow2.f32 v7  }
0x63: {  	v8 =	vld [tilespmem:s29+$0x52B0]  }
0x64: {  	v9 =	vld [tilespmem:s29+$0x5300];
	v7 =	vmax.f32 v12, v17;
	(erf) = vpow2.f32 v5;
	v17 =	vmul.f32 v51, v23  }
0x65: {  	v10 =	vld [tilespmem:s29+$0x5350];
	v5 =	vmul.f32 $1.442695020e+00, v7  }
0x66: {  	[tilespmem:s29+$0xB430] =	vst v17;
	v17 =	vld [tilespmem:s29+$0x5440]  }
0x67: {  	(erf) = vpow2.f32 v5;
	v53 =	vpop (erf);
	v5 =	vld.idx.msk [tilespmem:v2+s29+$0xB430], $0xffff  }
0x68: {  	v12 =	vld [tilespmem:s29+$0x53A0];
	[tilespmem:s29+$0xB240] =	vst v53;
	v55 =	vpop (erf)  }
0x69: {  	v56 =	vld.idx.msk [tilespmem:v1+s29+$0xB200], $0xffff;
	v57 =	vpop (erf)  }
0x6a: {  	v7 =	vld [tilespmem:s29+$0x53F0];
	[tilespmem:s29+$0xB2E0] =	vst v57;
	v58 =	vpop (erf)  }
0x6b: {  	[tilespmem:s29+$0xB290] =	vst v55;
	v26 =	vld.idx.msk [tilespmem:v1+s29+$0xB2A0], $0xffff;
	v59 =	vpop (erf)  }
0x6c: {  	v25 =	vld.idx.msk [tilespmem:v1+s29+$0xB250], $0xffff;
	[tilespmem:s29+$0xB380] =	vst v59;
	v5 =	vmul.f32 v17, v5  }
0x6d: {  	[tilespmem:s29+$0xB330] =	vst v58;
	v17 =	vpop (erf);
	v22 =	vld.idx.msk [tilespmem:v1+s29+$0xB340], $0xffff  }
0x6e: {  	v27 =	vld.idx.msk [tilespmem:v1+s29+$0xB2F0], $0xffff;
	[tilespmem:s29+$0xB3D0] =	vst v17;
	v19 =	vmul.f32 v19, v56  }
0x6f: {  	v17 =	vld.idx.msk [tilespmem:v1+s29+$0xB390], $0xffff;
	[tilespmem:s29+$0xB440] =	vst v5  }
0x70: {  	v60 =	vld.idx.msk [tilespmem:v3+s29+$0xB430], $0xffff;
	[tilespmem:s29+$0xB200] =	vst v19;
	v15 =	vmul.f32 v15, v26;
	v5 =	vpop (erf)  }
0x71: {  	[tilespmem:s29+$0xB420] =	vst v5;
	v5 =	vmul.f32 v14, v25;
	v14 =	vld [tilespmem:s29+$0x5450]  }
0x72: {  	v62 =	vld.idx.msk [tilespmem:v2+s29+$0xB200], $0xffff;
	[tilespmem:s29+$0xB2A0] =	vst v15;
	v15 =	vmul.f32 v16, v22  }
0x73: {  	v61 =	vld.idx.msk [tilespmem:v1+s29+$0xB3E0], $0xffff;
	[tilespmem:s29+$0xB250] =	vst v5;
	v5 =	vmul.f32 v13, v27  }
0x74: {  	v16 =	vld.idx.msk [tilespmem:v2+s29+$0xB2A0], $0xffff;
	[tilespmem:s29+$0xB340] =	vst v15  }
0x75: {  	v13 =	vld.idx.msk [tilespmem:v2+s29+$0xB250], $0xffff;
	[tilespmem:s29+$0xB2F0] =	vst v5;
	v5 =	vmul.f32 v6, v17  }
0x76: {  	v15 =	vld.idx.msk [tilespmem:v2+s29+$0xB340], $0xffff;
	v14 =	vmul.f32 v14, v60  }
0x77: {  	v6 =	vld.idx.msk [tilespmem:v2+s29+$0xB2F0], $0xffff;
	[tilespmem:s29+$0xB390] =	vst v5  }
0x78: {  	v17 =	vmul.f32 v49, v61;
	v5 =	vld.idx.msk [tilespmem:v2+s29+$0xB390], $0xffff;
	[tilespmem:s29+$0xB450] =	vst v14  }
0x79: {  	v8 =	vmul.f32 v8, v16;
	v63 =	vld.idx.msk [tilespmem:v4+s29+$0xB430], $0xffff  }
0x7a: {  	v14 =	vmul.f32 v24, v62;
	v11 =	vmul.f32 v11, v13;
	[tilespmem:s29+$0xB3E0] =	vst v17;
	v13 =	vld [tilespmem:s29+$0x5460]  }
0x7b: {  	[tilespmem:s29+$0xB2B0] =	vst v8;
	v8 =	vmul.f32 v10, v15;
	v15 =	vld [tilespmem:s29+$0x5360]  }
0x7c: {  	[tilespmem:s29+$0xB210] =	vst v14;
	v14 =	vld.idx.msk [tilespmem:v2+s29+$0xB3E0], $0xffff  }
0x7d: {  	v10 =	vld.idx.msk [tilespmem:v3+s29+$0xB2A0], $0xffff  }
0x7e: {  	v16 =	vld.idx.msk [tilespmem:v3+s29+$0xB200], $0xffff;
	[tilespmem:s29+$0xB260] =	vst v11  }
0x7f: {  	v6 =	vmul.f32 v9, v6;
	[tilespmem:s29+$0xB350] =	vst v8;
	v9 =	vld.idx.msk [tilespmem:v3+s29+$0xB250], $0xffff  }
0x80: {  	v8 =	vld.idx.msk [tilespmem:v3+s29+$0xB340], $0xffff  }
0x81: {  	[tilespmem:s29+$0xB300] =	vst v6;
	v5 =	vmul.f32 v12, v5;
	v12 =	vld [tilespmem:s29+$0x5310]  }
0x82: {  	v6 =	vld.idx.msk [tilespmem:v3+s29+$0xB2F0], $0xffff  }
0x83: {  	[tilespmem:s29+$0xB3A0] =	vst v5;
	v5 =	vmul.f32 v7, v14;
	v7 =	vld [tilespmem:s29+$0x52C0]  }
0x84: {  	v11 =	vld.idx.msk [tilespmem:v3+s29+$0xB390], $0xffff  }
0x85: {  	[tilespmem:s29+$0xB3F0] =	vst v5;
	v5 =	vmul.f32 v52, v16;
	v16 =	vld [tilespmem:s29+$0x53B0]  }
0x86: {  	v8 =	vmul.f32 v15, v8;
	v15 =	vmul.f32 v13, v63;
	v13 =	vld [tilespmem:s29+$0x5320]  }
0x87: {  	v14 =	vld.idx.msk [tilespmem:v3+s29+$0xB3E0], $0xffff  }
0x88: {  	v9 =	vmul.f32 v54, v9;
	v6 =	vmul.f32 v12, v6;
	v12 =	vld [tilespmem:s29+$0x5230]  }
0x89: {  	[tilespmem:s29+$0xB220] =	vst v5;
	v5 =	vmul.f32 v7, v10;
	v7 =	vld [tilespmem:s29+$0x5400]  }
0x8a: {  	[tilespmem:s29+$0xB270] =	vst v9;
	v10 =	vld.idx.msk [tilespmem:v4+s29+$0xB200], $0xffff  }
0x8b: {  	[tilespmem:s29+$0xB360] =	vst v8;
	v17 =	vld.idx.msk [tilespmem:v4+s29+$0xB250], $0xffff  }
0x8c: {  	v9 =	vld.idx.msk [tilespmem:v4+s29+$0xB340], $0xffff;
	[tilespmem:s29+$0xB310] =	vst v6  }
0x8d: {  	[tilespmem:s29+$0xB2C0] =	vst v5;
	v6 =	vld.idx.msk [tilespmem:v4+s29+$0xB2F0], $0xffff;
	v11 =	vmul.f32 v16, v11  }
0x8e: {  	v5 =	vld.idx.msk [tilespmem:v4+s29+$0xB2A0], $0xffff  }
0x8f: {  	[tilespmem:s29+$0xB3B0] =	vst v11;
	v11 =	vld [tilespmem:s29+$0x5280]  }
0x90: {  	v8 =	vld.idx.msk [tilespmem:v4+s29+$0xB390], $0xffff  }
0x91: {  	v7 =	vmul.f32 v7, v14;
	v14 =	vld [tilespmem:s29+$0x52D0]  }
0x92: {  	v16 =	vmul.f32 v12, v10;
	v12 =	vld [tilespmem:s29+$0x5370]  }
0x93: {  	v10 =	vld [tilespmem:s29+$0x53C0];
	[tilespmem:s29+$0xB400] =	vst v7  }
0x94: {  	[tilespmem:s29+$0xB460] =	vst v15;
	v7 =	vld.idx.msk [tilespmem:v4+s29+$0xB3E0], $0xffff  }
0x95: {  	s30 =	simm.s32 $0x0;
	s1 =	simm.s32 $0xA00;
	s21 =	simm.s32 $0x7AC0;
	[tilespmem:s29+$0xB230] =	vst v16;
	v15 =	vmul.f32 v11, v17;
	v11 =	vld [tilespmem:s29+$0x5410]  }
.LBB2_5:
0x96: {  	s0 =	sshra.s32 s1, $0x2;
	v16 =	vld [tilespmem:s21+$0x30];
	s30 =	sadd.s32 $0x8, s30;
	v5 =	vmul.f32 v14, v5  }
0x97: {  	v14 =	vld [tilespmem:s0+$0x5470];
	p0 =	slt.u32 s30, $0x78;
	[tilespmem:s29+$0xB280] =	vst v15;
	v6 =	vmul.f32 v13, v6  }
0x98: {  	v13 =	vld [tilespmem:s0+$0x5240];
	[tilespmem:s29+$0xB2D0] =	vst v5;
	v5 =	vmul.f32 v12, v9  }
0x99: {  	v9 =	vld [tilespmem:s0+$0x5290];
	[tilespmem:s29+$0xB320] =	vst v6;
	v6 =	vmul.f32 v10, v8  }
0x9a: {  	v8 =	vld [tilespmem:s0+$0x52E0];
	[tilespmem:s29+$0xB370] =	vst v5;
	v5 =	vmul.f32 v11, v7  }
0x9b: {  	v7 =	vld [tilespmem:s0+$0x5330];
	[tilespmem:s29+$0xB3C0] =	vst v6  }
0x9c: {  	v6 =	vld [tilespmem:s0+$0x5380];
	v10 =	vadd.f32 v16, v14;
	[tilespmem:s29+$0xB410] =	vst v5;
	s29 =	smov.u32 s0  }
0x9d: {  	v5 =	vld [tilespmem:s29+$0x53D0]  }
0x9e: {  	v11 =	vld [tilespmem:s29+$0x5420];
	v12 =	vmul.f32 $2.000000030e-01, v10  }
0x9f: {  	v14 =	vld [tilespmem:s21+$0xFFFFFFC0]  }
0xa0: {  	v15 =	vld [tilespmem:s21+$0xFFFFFFD0];
	v10 =	vmax.f32 v10, v12  }
0xa1: {  	v12 =	vld [tilespmem:s21+$0xFFFFFFE0];
	v10 =	vmul.f32 $1.442695020e+00, v10  }
0xa2: {  	v16 =	vld [tilespmem:s21+$0xFFFFFFF0]  }
0xa3: {  	v17 =	vld [tilespmem:s21+$0x0];
	(erf) = vpow2.f32 v10  }
0xa4: {  	v10 =	vadd.f32 v14, v13;
	v13 =	vld [tilespmem:s21+$0x10]  }
0xa5: {  	v9 =	vadd.f32 v15, v9;
	v14 =	vld [tilespmem:s21+$0x20]  }
0xa6: {  	v15 =	vmul.f32 $2.000000030e-01, v10;
	v18 =	vld [tilespmem:s29+$0x5200];
	v8 =	vadd.f32 v12, v8  }
0xa7: {  	v12 =	vmul.f32 $2.000000030e-01, v9;
	v19 =	vld [tilespmem:s29+$0x5250];
	v7 =	vadd.f32 v16, v7  }
0xa8: {  	v10 =	vmax.f32 v10, v15;
	v15 =	vmul.f32 $2.000000030e-01, v8;
	v16 =	vld [tilespmem:s29+$0x52A0];
	v6 =	vadd.f32 v17, v6  }
0xa9: {  	v9 =	vmax.f32 v9, v12;
	v12 =	vmul.f32 $2.000000030e-01, v7;
	v17 =	vld [tilespmem:s29+$0x52F0];
	v5 =	vadd.f32 v13, v5  }
0xaa: {  	v8 =	vmax.f32 v8, v15;
	v13 =	vmul.f32 $2.000000030e-01, v6;
	v15 =	vld [tilespmem:s29+$0x5340];
	v11 =	vadd.f32 v14, v11  }
0xab: {  	v10 =	vmul.f32 $1.442695020e+00, v10;
	v7 =	vmax.f32 v7, v12;
	v12 =	vmul.f32 $2.000000030e-01, v5;
	v14 =	vld [tilespmem:s29+$0x5390]  }
0xac: {  	v9 =	vmul.f32 $1.442695020e+00, v9;
	v6 =	vmax.f32 v6, v13;
	v13 =	vmul.f32 $2.000000030e-01, v11;
	v20 =	vld [tilespmem:s29+$0x53E0];
	v21 =	vpop (erf)  }
0xad: {  	v8 =	vmul.f32 $1.442695020e+00, v8;
	v7 =	vmul.f32 $1.442695020e+00, v7;
	v22 =	vld [tilespmem:s29+$0x5210];
	v5 =	vmax.f32 v5, v12;
	[tilespmem:s29+$0xB470] =	vst v21  }
0xae: {  	v6 =	vmul.f32 $1.442695020e+00, v6;
	v5 =	vmul.f32 $1.442695020e+00, v5;
	v11 =	vmax.f32 v11, v13;
	v12 =	vld.idx.msk [tilespmem:v1+s29+$0xB430], $0xffff  }
0xaf: {  	v11 =	vmul.f32 $1.442695020e+00, v11;
	v13 =	vld [tilespmem:s29+$0x5430];
	(erf) = vpow2.f32 v10  }
0xb0: {  	v10 =	vld [tilespmem:s29+$0x5260];
	(erf) = vpow2.f32 v9  }
0xb1: {  	v9 =	vld [tilespmem:s29+$0x52B0];
	(erf) = vpow2.f32 v8  }
0xb2: {  	v8 =	vld [tilespmem:s29+$0x5300];
	(erf) = vpow2.f32 v7  }
0xb3: {  	v7 =	vld [tilespmem:s29+$0x5350];
	(erf) = vpow2.f32 v6  }
0xb4: {  	v6 =	vld [tilespmem:s29+$0x53A0];
	v12 =	vmul.f32 v13, v12;
	(erf) = vpow2.f32 v5  }
0xb5: {  	v5 =	vld [tilespmem:s29+$0x53F0];
	(erf) = vpow2.f32 v11  }
0xb6: {  	v11 =	vld [tilespmem:s29+$0x5220];
	[tilespmem:s29+$0xB430] =	vst v12  }
0xb7: {  	v12 =	vld.idx.msk [tilespmem:v2+s29+$0xB430], $0xffff  }
0xb8: {  	v13 =	vld [tilespmem:s29+$0x5440];
	v21 =	vpop (erf)  }
0xb9: {  	[tilespmem:s29+$0xB240] =	vst v21;
	v21 =	vld [tilespmem:s29+$0x5270];
	v23 =	vpop (erf)  }
0xba: {  	v24 =	vld.idx.msk [tilespmem:v1+s29+$0xB200], $0xffff;
	[tilespmem:s29+$0xB290] =	vst v23;
	v23 =	vpop (erf)  }
0xbb: {  	v25 =	vld.idx.msk [tilespmem:v1+s29+$0xB250], $0xffff;
	[tilespmem:s29+$0xB2E0] =	vst v23;
	v23 =	vpop (erf)  }
0xbc: {  	v26 =	vld.idx.msk [tilespmem:v1+s29+$0xB2A0], $0xffff;
	[tilespmem:s29+$0xB330] =	vst v23;
	v23 =	vpop (erf)  }
0xbd: {  	v27 =	vld.idx.msk [tilespmem:v1+s29+$0xB2F0], $0xffff;
	[tilespmem:s29+$0xB380] =	vst v23;
	v12 =	vmul.f32 v13, v12;
	v13 =	vpop (erf)  }
0xbe: {  	v23 =	vld.idx.msk [tilespmem:v1+s29+$0xB340], $0xffff;
	[tilespmem:s29+$0xB3D0] =	vst v13;
	v13 =	vpop (erf)  }
0xbf: {  	v28 =	vld.idx.msk [tilespmem:v1+s29+$0xB390], $0xffff;
	[tilespmem:s29+$0xB440] =	vst v12  }
0xc0: {  	v12 =	vmul.f32 v18, v24;
	[tilespmem:s29+$0xB420] =	vst v13;
	v13 =	vld.idx.msk [tilespmem:v3+s29+$0xB430], $0xffff  }
0xc1: {  	v18 =	vmul.f32 v19, v25;
	v19 =	vld [tilespmem:s29+$0x5450]  }
0xc2: {  	[tilespmem:s29+$0xB200] =	vst v12;
	v12 =	vmul.f32 v16, v26;
	v16 =	vld.idx.msk [tilespmem:v1+s29+$0xB3E0], $0xffff  }
0xc3: {  	v17 =	vmul.f32 v17, v27;
	v24 =	vld.idx.msk [tilespmem:v2+s29+$0xB200], $0xffff;
	[tilespmem:s29+$0xB250] =	vst v18  }
0xc4: {  	v18 =	vld.idx.msk [tilespmem:v2+s29+$0xB250], $0xffff;
	[tilespmem:s29+$0xB2A0] =	vst v12;
	v12 =	vmul.f32 v15, v23  }
0xc5: {  	v14 =	vmul.f32 v14, v28;
	v15 =	vld.idx.msk [tilespmem:v2+s29+$0xB2A0], $0xffff;
	[tilespmem:s29+$0xB2F0] =	vst v17  }
0xc6: {  	v17 =	vld.idx.msk [tilespmem:v2+s29+$0xB2F0], $0xffff;
	[tilespmem:s29+$0xB340] =	vst v12;
	v12 =	vmul.f32 v19, v13  }
0xc7: {  	v13 =	vld.idx.msk [tilespmem:v2+s29+$0xB340], $0xffff;
	[tilespmem:s29+$0xB390] =	vst v14  }
0xc8: {  	v16 =	vmul.f32 v20, v16;
	v14 =	vld.idx.msk [tilespmem:v2+s29+$0xB390], $0xffff;
	[tilespmem:s29+$0xB450] =	vst v12  }
0xc9: {  	v12 =	vmul.f32 v22, v24;
	v19 =	vld.idx.msk [tilespmem:v4+s29+$0xB430], $0xffff  }
0xca: {  	v10 =	vmul.f32 v10, v18;
	[tilespmem:s29+$0xB3E0] =	vst v16;
	v16 =	vld [tilespmem:s29+$0x5460]  }
0xcb: {  	v9 =	vmul.f32 v9, v15;
	[tilespmem:s29+$0xB210] =	vst v12;
	v12 =	vld.idx.msk [tilespmem:v2+s29+$0xB3E0], $0xffff  }
0xcc: {  	v8 =	vmul.f32 v8, v17;
	v15 =	vld.idx.msk [tilespmem:v3+s29+$0xB200], $0xffff;
	[tilespmem:s29+$0xB260] =	vst v10  }
0xcd: {  	v7 =	vmul.f32 v7, v13;
	v10 =	vld.idx.msk [tilespmem:v3+s29+$0xB250], $0xffff;
	[tilespmem:s29+$0xB2B0] =	vst v9  }
0xce: {  	v6 =	vmul.f32 v6, v14;
	v9 =	vld.idx.msk [tilespmem:v3+s29+$0xB2A0], $0xffff;
	[tilespmem:s29+$0xB300] =	vst v8  }
0xcf: {  	v8 =	vld.idx.msk [tilespmem:v3+s29+$0xB2F0], $0xffff;
	[tilespmem:s29+$0xB350] =	vst v7;
	v7 =	vmul.f32 v16, v19  }
0xd0: {  	v13 =	vld.idx.msk [tilespmem:v3+s29+$0xB340], $0xffff;
	[tilespmem:s29+$0xB3A0] =	vst v6  }
0xd1: {  	v5 =	vmul.f32 v5, v12;
	v14 =	vld.idx.msk [tilespmem:v3+s29+$0xB390], $0xffff;
	[tilespmem:s29+$0xB460] =	vst v7  }
0xd2: {  	v6 =	vmul.f32 v11, v15;
	v7 =	vld [tilespmem:s29+$0x52C0]  }
0xd3: {  	v10 =	vmul.f32 v21, v10;
	v11 =	vld [tilespmem:s29+$0x5310];
	[tilespmem:s29+$0xB3F0] =	vst v5  }
0xd4: {  	[tilespmem:s29+$0xB220] =	vst v6;
	v12 =	vld.idx.msk [tilespmem:v3+s29+$0xB3E0], $0xffff  }
0xd5: {  	[tilespmem:s29+$0xB270] =	vst v10;
	v6 =	vld [tilespmem:s29+$0x5360]  }
0xd6: {  	v10 =	vld [tilespmem:s29+$0x53B0]  }
0xd7: {  	v5 =	vmul.f32 v7, v9;
	v7 =	vld [tilespmem:s29+$0x5400]  }
0xd8: {  	v15 =	vld.idx.msk [tilespmem:v4+s29+$0xB200], $0xffff;
	v8 =	vmul.f32 v11, v8  }
0xd9: {  	v11 =	vld.idx.msk [tilespmem:v4+s29+$0xB250], $0xffff;
	[tilespmem:s29+$0xB2C0] =	vst v5  }
0xda: {  	v5 =	vld.idx.msk [tilespmem:v4+s29+$0xB2A0], $0xffff;
	[tilespmem:s29+$0xB310] =	vst v8;
	v8 =	vmul.f32 v6, v13  }
0xdb: {  	v6 =	vld.idx.msk [tilespmem:v4+s29+$0xB2F0], $0xffff;
	v10 =	vmul.f32 v10, v14  }
0xdc: {  	v13 =	vld [tilespmem:s29+$0x5230];
	[tilespmem:s29+$0xB360] =	vst v8;
	v7 =	vmul.f32 v7, v12  }
0xdd: {  	v9 =	vld.idx.msk [tilespmem:v4+s29+$0xB340], $0xffff;
	[tilespmem:s29+$0xB3B0] =	vst v10  }
0xde: {  	v8 =	vld.idx.msk [tilespmem:v4+s29+$0xB390], $0xffff;
	[tilespmem:s29+$0xB400] =	vst v7  }
0xdf: {  	v7 =	vld.idx.msk [tilespmem:v4+s29+$0xB3E0], $0xffff  }
0xe0: {  	v16 =	vld [tilespmem:s29+$0x5280]  }
.Ltmp1:
0xe1: {  	v10 =	vmul.f32 v13, v15;
	v14 =	vld [tilespmem:s29+$0x52D0];
	(pc) =	sbr.rel @p0 .LBB2_5-.Ltmp1, $4  }
0xe2: {  	v13 =	vld [tilespmem:s29+$0x5320]  }
0xe3: {  	[tilespmem:s29+$0xB230] =	vst v10;
	v12 =	vld [tilespmem:s29+$0x5370]  }
0xe4: {  	v10 =	vld [tilespmem:s29+$0x53C0]  }
0xe5: {  	s1 =	sadd.s32 $0xA00, s1;
	s21 =	sadd.s32 $0x80, s21;
	v15 =	vmul.f32 v16, v11;
	v11 =	vld [tilespmem:s29+$0x5410]  }
0xe6: {  	v5 =	vmul.f32 v14, v5  }
0xe7: {  	[tilespmem:s29+$0xB280] =	vst v15;
	v6 =	vmul.f32 v13, v6  }
0xe8: {  	[tilespmem:s29+$0xB2D0] =	vst v5;
	v5 =	vmul.f32 v12, v9  }
0xe9: {  	[tilespmem:s29+$0xB320] =	vst v6;
	v6 =	vmul.f32 v10, v8  }
0xea: {  	s0 =	sshll.u32 s28, $0x8;
	[tilespmem:s29+$0xB370] =	vst v5;
	v5 =	vmul.f32 v11, v7  }
0xeb: {  	s30 =	sand.u32 $0x3FFFFF00, s0;
	[tilespmem:s29+$0xB3C0] =	vst v6  }
0xec: {  	s0 =	sadd.s32 $0x2900, s30;
	[tilespmem:s29+$0xB410] =	vst v5;
	s29 =	sshll.u32 s28, $0x1  }
0xed: {  	[spmem:s3] =	stream.indirect.scatter.add.f32 [tilespmem:s24], [sflag:$0x3], $0x50, s0, s18, $0xb8;
	[tilespmem:$0x1C780] =	vst v63  }
0xee: {  	s17 =	smin.u32 s29, $0x4F;
	_ =	swait.ge [sflag:s16], $0x2800  }
0xef: {  	s0 =	sshll.u32 s17, $0x7;
	[sflag:s16] =	ssyncset.done $0x0  }
0xf0: {  	s1 =	sadd.s32 $0x100, s0;
	[sflag:s16] =	ssyncadd.s32 $0xFFFFD800  }
0xf1: {  	[tilespmem:s15], [sflag:$0x1] =	stream.indirect.gather [hbm4b:s5+s18], $0x50, s1, s18, $0xb8;
	[tilespmem:$0x1C780] =	vst v63  }
0xf2: {  	s0 =	sadd.s32 $0x2A00, s0  }
0xf3: {  	[tilespmem:s19], [sflag:$0x1] =	stream.indirect.gather [hbm4b:s2+s18], $0x10, s0, s18, $0xb8;
	[tilespmem:$0x1C780] =	vst v63  }
0xf4: {  	_ =	swait.ge [sflag:s25], $0x2800  }
0xf5: {  	[sflag:s25] =	ssyncset.done $0x0  }
0xf6: {  	[sflag:s25] =	ssyncadd.s32 $0xFFFFD800  }
0xf7: {  	_ =	swait.ge [sflag:s25], $0x800  }
0xf8: {  	[sflag:s25] =	ssyncset.done $0x0  }
0xf9: {  	s21 =	simm.s32 $0xAA40;
	[sflag:s25] =	ssyncadd.s32 $0xFFFFF800  }
0xfa: {  	s31 =	simm.s32 $0x0;
	v5 =	vld [tilespmem:s21+$0x30]  }
0xfb: {  	v6 =	vld [tilespmem:s31+$0x8470]  }
0xfc: {  	v7 =	vld [tilespmem:s31+$0x8240]  }
0xfd: {  	v8 =	vld [tilespmem:s31+$0x8290]  }
0xfe: {  	v9 =	vld [tilespmem:s31+$0x82E0]  }
0xff: {  	v10 =	vld [tilespmem:s31+$0x8330]  }
0x100: {  	v11 =	vld [tilespmem:s31+$0x8380]  }
0x101: {  	v12 =	vld [tilespmem:s31+$0x8420];
	v5 =	vadd.f32 v5, v6  }
0x102: {  	v14 =	vld [tilespmem:s21+$0xFFFFFFC0]  }
0x103: {  	v15 =	vld [tilespmem:s21+$0xFFFFFFD0];
	v13 =	vmul.f32 $2.000000030e-01, v5  }
0x104: {  	v16 =	vld [tilespmem:s21+$0xFFFFFFF0]  }
0x105: {  	v17 =	vld [tilespmem:s21+$0x0];
	v5 =	vmax.f32 v5, v13  }
0x106: {  	v18 =	vld [tilespmem:s21+$0x20];
	v5 =	vmul.f32 $1.442695020e+00, v5  }
0x107: {  	v19 =	vld [tilespmem:s31+$0x8200]  }
0x108: {  	v13 =	vld [tilespmem:s21+$0xFFFFFFE0];
	(erf) = vpow2.f32 v5  }
0x109: {  	v49 =	vld [tilespmem:s31+$0x83E0]  }
0x10a: {  	v24 =	vld [tilespmem:s31+$0x8210]  }
0x10b: {  	v6 =	vld [tilespmem:s31+$0x83D0];
	v7 =	vadd.f32 v14, v7;
	v8 =	vadd.f32 v15, v8  }
0x10c: {  	v10 =	vadd.f32 v16, v10;
	v11 =	vadd.f32 v17, v11;
	v5 =	vld [tilespmem:s21+$0x10]  }
0x10d: {  	v51 =	vld [tilespmem:s31+$0x8430];
	v20 =	vmul.f32 $2.000000030e-01, v7;
	v21 =	vmul.f32 $2.000000030e-01, v8;
	v9 =	vadd.f32 v13, v9  }
0x10e: {  	v52 =	vld [tilespmem:s31+$0x8220];
	v48 =	vmul.f32 $2.000000030e-01, v10;
	v22 =	vmul.f32 $2.000000030e-01, v11  }
0x10f: {  	v54 =	vld [tilespmem:s31+$0x8270];
	v7 =	vmax.f32 v7, v20;
	v8 =	vmax.f32 v8, v21;
	v17 =	vmul.f32 $2.000000030e-01, v9  }
0x110: {  	v14 =	vld [tilespmem:s31+$0x8250];
	v10 =	vmax.f32 v10, v48;
	v7 =	vmul.f32 $1.442695020e+00, v7;
	v8 =	vmul.f32 $1.442695020e+00, v8  }
0x111: {  	v15 =	vld [tilespmem:s31+$0x82A0];
	v10 =	vmul.f32 $1.442695020e+00, v10;
	v5 =	vadd.f32 v5, v6;
	v9 =	vmax.f32 v9, v17;
	v23 =	vpop (erf)  }
0x112: {  	v16 =	vld [tilespmem:s31+$0x8340];
	v12 =	vadd.f32 v18, v12;
	v9 =	vmul.f32 $1.442695020e+00, v9;
	(erf) = vpow2.f32 v7;
	[tilespmem:s31+$0xDC70] =	vst v23  }
0x113: {  	v50 =	vmul.f32 $2.000000030e-01, v5;
	v7 =	vmax.f32 v11, v22;
	(erf) = vpow2.f32 v8;
	v23 =	vld.idx.msk [tilespmem:v1+s31+$0xDC30], $0xffff  }
0x114: {  	v13 =	vld [tilespmem:s31+$0x82F0];
	v7 =	vmul.f32 $1.442695020e+00, v7;
	(erf) = vpow2.f32 v9  }
0x115: {  	v6 =	vld [tilespmem:s31+$0x8390];
	v17 =	vmul.f32 $2.000000030e-01, v12;
	v5 =	vmax.f32 v5, v50;
	(erf) = vpow2.f32 v10  }
0x116: {  	v11 =	vld [tilespmem:s31+$0x8260];
	v5 =	vmul.f32 $1.442695020e+00, v5;
	(erf) = vpow2.f32 v7  }
0x117: {  	v8 =	vld [tilespmem:s31+$0x82B0]  }
0x118: {  	v9 =	vld [tilespmem:s31+$0x8300];
	v7 =	vmax.f32 v12, v17;
	(erf) = vpow2.f32 v5;
	v17 =	vmul.f32 v51, v23  }
0x119: {  	v10 =	vld [tilespmem:s31+$0x8350];
	v5 =	vmul.f32 $1.442695020e+00, v7  }
0x11a: {  	[tilespmem:s31+$0xDC30] =	vst v17;
	v17 =	vld [tilespmem:s31+$0x8440]  }
0x11b: {  	(erf) = vpow2.f32 v5;
	v53 =	vpop (erf);
	v5 =	vld.idx.msk [tilespmem:v2+s31+$0xDC30], $0xffff  }
0x11c: {  	v12 =	vld [tilespmem:s31+$0x83A0];
	[tilespmem:s31+$0xDA40] =	vst v53;
	v55 =	vpop (erf)  }
0x11d: {  	v56 =	vld.idx.msk [tilespmem:v1+s31+$0xDA00], $0xffff;
	v57 =	vpop (erf)  }
0x11e: {  	v7 =	vld [tilespmem:s31+$0x83F0];
	[tilespmem:s31+$0xDAE0] =	vst v57;
	v58 =	vpop (erf)  }
0x11f: {  	[tilespmem:s31+$0xDA90] =	vst v55;
	v26 =	vld.idx.msk [tilespmem:v1+s31+$0xDAA0], $0xffff;
	v59 =	vpop (erf)  }
0x120: {  	v25 =	vld.idx.msk [tilespmem:v1+s31+$0xDA50], $0xffff;
	[tilespmem:s31+$0xDB80] =	vst v59;
	v5 =	vmul.f32 v17, v5  }
0x121: {  	[tilespmem:s31+$0xDB30] =	vst v58;
	v17 =	vpop (erf);
	v22 =	vld.idx.msk [tilespmem:v1+s31+$0xDB40], $0xffff  }
0x122: {  	v27 =	vld.idx.msk [tilespmem:v1+s31+$0xDAF0], $0xffff;
	[tilespmem:s31+$0xDBD0] =	vst v17;
	v19 =	vmul.f32 v19, v56  }
0x123: {  	v17 =	vld.idx.msk [tilespmem:v1+s31+$0xDB90], $0xffff;
	[tilespmem:s31+$0xDC40] =	vst v5  }
0x124: {  	v60 =	vld.idx.msk [tilespmem:v3+s31+$0xDC30], $0xffff;
	[tilespmem:s31+$0xDA00] =	vst v19;
	v15 =	vmul.f32 v15, v26;
	v5 =	vpop (erf)  }
0x125: {  	[tilespmem:s31+$0xDC20] =	vst v5;
	v5 =	vmul.f32 v14, v25;
	v14 =	vld [tilespmem:s31+$0x8450]  }
0x126: {  	v62 =	vld.idx.msk [tilespmem:v2+s31+$0xDA00], $0xffff;
	[tilespmem:s31+$0xDAA0] =	vst v15;
	v15 =	vmul.f32 v16, v22  }
0x127: {  	v61 =	vld.idx.msk [tilespmem:v1+s31+$0xDBE0], $0xffff;
	[tilespmem:s31+$0xDA50] =	vst v5;
	v5 =	vmul.f32 v13, v27  }
0x128: {  	v16 =	vld.idx.msk [tilespmem:v2+s31+$0xDAA0], $0xffff;
	[tilespmem:s31+$0xDB40] =	vst v15  }
0x129: {  	v13 =	vld.idx.msk [tilespmem:v2+s31+$0xDA50], $0xffff;
	[tilespmem:s31+$0xDAF0] =	vst v5;
	v5 =	vmul.f32 v6, v17  }
0x12a: {  	v15 =	vld.idx.msk [tilespmem:v2+s31+$0xDB40], $0xffff;
	v14 =	vmul.f32 v14, v60  }
0x12b: {  	v6 =	vld.idx.msk [tilespmem:v2+s31+$0xDAF0], $0xffff;
	[tilespmem:s31+$0xDB90] =	vst v5  }
0x12c: {  	v17 =	vmul.f32 v49, v61;
	v5 =	vld.idx.msk [tilespmem:v2+s31+$0xDB90], $0xffff;
	[tilespmem:s31+$0xDC50] =	vst v14  }
0x12d: {  	v8 =	vmul.f32 v8, v16;
	v63 =	vld.idx.msk [tilespmem:v4+s31+$0xDC30], $0xffff  }
0x12e: {  	v14 =	vmul.f32 v24, v62;
	v11 =	vmul.f32 v11, v13;
	[tilespmem:s31+$0xDBE0] =	vst v17;
	v13 =	vld [tilespmem:s31+$0x8460]  }
0x12f: {  	[tilespmem:s31+$0xDAB0] =	vst v8;
	v8 =	vmul.f32 v10, v15;
	v15 =	vld [tilespmem:s31+$0x8360]  }
0x130: {  	[tilespmem:s31+$0xDA10] =	vst v14;
	v14 =	vld.idx.msk [tilespmem:v2+s31+$0xDBE0], $0xffff  }
0x131: {  	v10 =	vld.idx.msk [tilespmem:v3+s31+$0xDAA0], $0xffff  }
0x132: {  	v16 =	vld.idx.msk [tilespmem:v3+s31+$0xDA00], $0xffff;
	[tilespmem:s31+$0xDA60] =	vst v11  }
0x133: {  	v6 =	vmul.f32 v9, v6;
	[tilespmem:s31+$0xDB50] =	vst v8;
	v9 =	vld.idx.msk [tilespmem:v3+s31+$0xDA50], $0xffff  }
0x134: {  	v8 =	vld.idx.msk [tilespmem:v3+s31+$0xDB40], $0xffff  }
0x135: {  	[tilespmem:s31+$0xDB00] =	vst v6;
	v5 =	vmul.f32 v12, v5;
	v12 =	vld [tilespmem:s31+$0x8310]  }
0x136: {  	v6 =	vld.idx.msk [tilespmem:v3+s31+$0xDAF0], $0xffff  }
0x137: {  	[tilespmem:s31+$0xDBA0] =	vst v5;
	v5 =	vmul.f32 v7, v14;
	v7 =	vld [tilespmem:s31+$0x82C0]  }
0x138: {  	v11 =	vld.idx.msk [tilespmem:v3+s31+$0xDB90], $0xffff  }
0x139: {  	[tilespmem:s31+$0xDBF0] =	vst v5;
	v5 =	vmul.f32 v52, v16;
	v16 =	vld [tilespmem:s31+$0x83B0]  }
0x13a: {  	v8 =	vmul.f32 v15, v8;
	v15 =	vmul.f32 v13, v63;
	v13 =	vld [tilespmem:s31+$0x8320]  }
0x13b: {  	v14 =	vld.idx.msk [tilespmem:v3+s31+$0xDBE0], $0xffff  }
0x13c: {  	v9 =	vmul.f32 v54, v9;
	v6 =	vmul.f32 v12, v6;
	v12 =	vld [tilespmem:s31+$0x8230]  }
0x13d: {  	[tilespmem:s31+$0xDA20] =	vst v5;
	v5 =	vmul.f32 v7, v10;
	v7 =	vld [tilespmem:s31+$0x8400]  }
0x13e: {  	[tilespmem:s31+$0xDA70] =	vst v9;
	v10 =	vld.idx.msk [tilespmem:v4+s31+$0xDA00], $0xffff  }
0x13f: {  	[tilespmem:s31+$0xDB60] =	vst v8;
	v17 =	vld.idx.msk [tilespmem:v4+s31+$0xDA50], $0xffff  }
0x140: {  	v9 =	vld.idx.msk [tilespmem:v4+s31+$0xDB40], $0xffff;
	[tilespmem:s31+$0xDB10] =	vst v6  }
0x141: {  	[tilespmem:s31+$0xDAC0] =	vst v5;
	v6 =	vld.idx.msk [tilespmem:v4+s31+$0xDAF0], $0xffff;
	v11 =	vmul.f32 v16, v11  }
0x142: {  	v5 =	vld.idx.msk [tilespmem:v4+s31+$0xDAA0], $0xffff  }
0x143: {  	[tilespmem:s31+$0xDBB0] =	vst v11;
	v11 =	vld [tilespmem:s31+$0x8280]  }
0x144: {  	v8 =	vld.idx.msk [tilespmem:v4+s31+$0xDB90], $0xffff  }
0x145: {  	v7 =	vmul.f32 v7, v14;
	v14 =	vld [tilespmem:s31+$0x82D0]  }
0x146: {  	v16 =	vmul.f32 v12, v10;
	v12 =	vld [tilespmem:s31+$0x8370]  }
0x147: {  	v10 =	vld [tilespmem:s31+$0x83C0];
	[tilespmem:s31+$0xDC00] =	vst v7  }
0x148: {  	[tilespmem:s31+$0xDC60] =	vst v15;
	v7 =	vld.idx.msk [tilespmem:v4+s31+$0xDBE0], $0xffff  }
0x149: {  	s1 =	simm.s32 $0x0;
	s0 =	simm.s32 $0xAAC0;
	s21 =	simm.s32 $0xA00;
	[tilespmem:s31+$0xDA30] =	vst v16;
	v15 =	vmul.f32 v11, v17;
	v11 =	vld [tilespmem:s31+$0x8410]  }
.LBB2_7:
0x14a: {  	s17 =	sshra.s32 s21, $0x2;
	v16 =	vld [tilespmem:s0+$0x30];
	s1 =	sadd.s32 $0x8, s1;
	v5 =	vmul.f32 v14, v5  }
0x14b: {  	v14 =	vld [tilespmem:s17+$0x8470];
	p0 =	slt.u32 s1, $0x78;
	[tilespmem:s31+$0xDA80] =	vst v15;
	v6 =	vmul.f32 v13, v6  }
0x14c: {  	v13 =	vld [tilespmem:s17+$0x8240];
	[tilespmem:s31+$0xDAD0] =	vst v5;
	v5 =	vmul.f32 v12, v9  }
0x14d: {  	v9 =	vld [tilespmem:s17+$0x8290];
	[tilespmem:s31+$0xDB20] =	vst v6;
	v6 =	vmul.f32 v10, v8  }
0x14e: {  	v8 =	vld [tilespmem:s17+$0x82E0];
	[tilespmem:s31+$0xDB70] =	vst v5;
	v5 =	vmul.f32 v11, v7  }
0x14f: {  	v7 =	vld [tilespmem:s17+$0x8330];
	[tilespmem:s31+$0xDBC0] =	vst v6  }
0x150: {  	v6 =	vld [tilespmem:s17+$0x8380];
	v10 =	vadd.f32 v16, v14;
	[tilespmem:s31+$0xDC10] =	vst v5;
	s31 =	smov.u32 s17  }
0x151: {  	v5 =	vld [tilespmem:s31+$0x83D0]  }
0x152: {  	v11 =	vld [tilespmem:s31+$0x8420];
	v12 =	vmul.f32 $2.000000030e-01, v10  }
0x153: {  	v14 =	vld [tilespmem:s0+$0xFFFFFFC0]  }
0x154: {  	v15 =	vld [tilespmem:s0+$0xFFFFFFD0];
	v10 =	vmax.f32 v10, v12  }
0x155: {  	v12 =	vld [tilespmem:s0+$0xFFFFFFE0];
	v10 =	vmul.f32 $1.442695020e+00, v10  }
0x156: {  	v16 =	vld [tilespmem:s0+$0xFFFFFFF0]  }
0x157: {  	v17 =	vld [tilespmem:s0+$0x0];
	(erf) = vpow2.f32 v10  }
0x158: {  	v10 =	vadd.f32 v14, v13;
	v13 =	vld [tilespmem:s0+$0x10]  }
0x159: {  	v9 =	vadd.f32 v15, v9;
	v14 =	vld [tilespmem:s0+$0x20]  }
0x15a: {  	v15 =	vmul.f32 $2.000000030e-01, v10;
	v18 =	vld [tilespmem:s31+$0x8200];
	v8 =	vadd.f32 v12, v8  }
0x15b: {  	v12 =	vmul.f32 $2.000000030e-01, v9;
	v19 =	vld [tilespmem:s31+$0x8250];
	v7 =	vadd.f32 v16, v7  }
0x15c: {  	v10 =	vmax.f32 v10, v15;
	v15 =	vmul.f32 $2.000000030e-01, v8;
	v16 =	vld [tilespmem:s31+$0x82A0];
	v6 =	vadd.f32 v17, v6  }
0x15d: {  	v9 =	vmax.f32 v9, v12;
	v12 =	vmul.f32 $2.000000030e-01, v7;
	v17 =	vld [tilespmem:s31+$0x82F0];
	v5 =	vadd.f32 v13, v5  }
0x15e: {  	v8 =	vmax.f32 v8, v15;
	v13 =	vmul.f32 $2.000000030e-01, v6;
	v15 =	vld [tilespmem:s31+$0x8340];
	v11 =	vadd.f32 v14, v11  }
0x15f: {  	v10 =	vmul.f32 $1.442695020e+00, v10;
	v7 =	vmax.f32 v7, v12;
	v12 =	vmul.f32 $2.000000030e-01, v5;
	v14 =	vld [tilespmem:s31+$0x8390]  }
0x160: {  	v9 =	vmul.f32 $1.442695020e+00, v9;
	v6 =	vmax.f32 v6, v13;
	v13 =	vmul.f32 $2.000000030e-01, v11;
	v20 =	vld [tilespmem:s31+$0x83E0];
	v21 =	vpop (erf)  }
0x161: {  	v8 =	vmul.f32 $1.442695020e+00, v8;
	v7 =	vmul.f32 $1.442695020e+00, v7;
	v22 =	vld [tilespmem:s31+$0x8210];
	v5 =	vmax.f32 v5, v12;
	[tilespmem:s31+$0xDC70] =	vst v21  }
0x162: {  	v6 =	vmul.f32 $1.442695020e+00, v6;
	v5 =	vmul.f32 $1.442695020e+00, v5;
	v11 =	vmax.f32 v11, v13;
	v12 =	vld.idx.msk [tilespmem:v1+s31+$0xDC30], $0xffff  }
0x163: {  	v11 =	vmul.f32 $1.442695020e+00, v11;
	v13 =	vld [tilespmem:s31+$0x8430];
	(erf) = vpow2.f32 v10  }
0x164: {  	v10 =	vld [tilespmem:s31+$0x8260];
	(erf) = vpow2.f32 v9  }
0x165: {  	v9 =	vld [tilespmem:s31+$0x82B0];
	(erf) = vpow2.f32 v8  }
0x166: {  	v8 =	vld [tilespmem:s31+$0x8300];
	(erf) = vpow2.f32 v7  }
0x167: {  	v7 =	vld [tilespmem:s31+$0x8350];
	(erf) = vpow2.f32 v6  }
0x168: {  	v6 =	vld [tilespmem:s31+$0x83A0];
	v12 =	vmul.f32 v13, v12;
	(erf) = vpow2.f32 v5  }
0x169: {  	v5 =	vld [tilespmem:s31+$0x83F0];
	(erf) = vpow2.f32 v11  }
0x16a: {  	v11 =	vld [tilespmem:s31+$0x8220];
	[tilespmem:s31+$0xDC30] =	vst v12  }
0x16b: {  	v12 =	vld.idx.msk [tilespmem:v2+s31+$0xDC30], $0xffff  }
0x16c: {  	v13 =	vld [tilespmem:s31+$0x8440];
	v21 =	vpop (erf)  }
0x16d: {  	[tilespmem:s31+$0xDA40] =	vst v21;
	v21 =	vld [tilespmem:s31+$0x8270];
	v23 =	vpop (erf)  }
0x16e: {  	v24 =	vld.idx.msk [tilespmem:v1+s31+$0xDA00], $0xffff;
	[tilespmem:s31+$0xDA90] =	vst v23;
	v23 =	vpop (erf)  }
0x16f: {  	v25 =	vld.idx.msk [tilespmem:v1+s31+$0xDA50], $0xffff;
	[tilespmem:s31+$0xDAE0] =	vst v23;
	v23 =	vpop (erf)  }
0x170: {  	v26 =	vld.idx.msk [tilespmem:v1+s31+$0xDAA0], $0xffff;
	[tilespmem:s31+$0xDB30] =	vst v23;
	v23 =	vpop (erf)  }
0x171: {  	v27 =	vld.idx.msk [tilespmem:v1+s31+$0xDAF0], $0xffff;
	[tilespmem:s31+$0xDB80] =	vst v23;
	v12 =	vmul.f32 v13, v12;
	v13 =	vpop (erf)  }
0x172: {  	v23 =	vld.idx.msk [tilespmem:v1+s31+$0xDB40], $0xffff;
	[tilespmem:s31+$0xDBD0] =	vst v13;
	v13 =	vpop (erf)  }
0x173: {  	v28 =	vld.idx.msk [tilespmem:v1+s31+$0xDB90], $0xffff;
	[tilespmem:s31+$0xDC40] =	vst v12  }
0x174: {  	v12 =	vmul.f32 v18, v24;
	[tilespmem:s31+$0xDC20] =	vst v13;
	v13 =	vld.idx.msk [tilespmem:v3+s31+$0xDC30], $0xffff  }
0x175: {  	v18 =	vmul.f32 v19, v25;
	v19 =	vld [tilespmem:s31+$0x8450]  }
0x176: {  	[tilespmem:s31+$0xDA00] =	vst v12;
	v12 =	vmul.f32 v16, v26;
	v16 =	vld.idx.msk [tilespmem:v1+s31+$0xDBE0], $0xffff  }
0x177: {  	v17 =	vmul.f32 v17, v27;
	v24 =	vld.idx.msk [tilespmem:v2+s31+$0xDA00], $0xffff;
	[tilespmem:s31+$0xDA50] =	vst v18  }
0x178: {  	v18 =	vld.idx.msk [tilespmem:v2+s31+$0xDA50], $0xffff;
	[tilespmem:s31+$0xDAA0] =	vst v12;
	v12 =	vmul.f32 v15, v23  }
0x179: {  	v14 =	vmul.f32 v14, v28;
	v15 =	vld.idx.msk [tilespmem:v2+s31+$0xDAA0], $0xffff;
	[tilespmem:s31+$0xDAF0] =	vst v17  }
0x17a: {  	v17 =	vld.idx.msk [tilespmem:v2+s31+$0xDAF0], $0xffff;
	[tilespmem:s31+$0xDB40] =	vst v12;
	v12 =	vmul.f32 v19, v13  }
0x17b: {  	v13 =	vld.idx.msk [tilespmem:v2+s31+$0xDB40], $0xffff;
	[tilespmem:s31+$0xDB90] =	vst v14  }
0x17c: {  	v16 =	vmul.f32 v20, v16;
	v14 =	vld.idx.msk [tilespmem:v2+s31+$0xDB90], $0xffff;
	[tilespmem:s31+$0xDC50] =	vst v12  }
0x17d: {  	v12 =	vmul.f32 v22, v24;
	v19 =	vld.idx.msk [tilespmem:v4+s31+$0xDC30], $0xffff  }
0x17e: {  	v10 =	vmul.f32 v10, v18;
	[tilespmem:s31+$0xDBE0] =	vst v16;
	v16 =	vld [tilespmem:s31+$0x8460]  }
0x17f: {  	v9 =	vmul.f32 v9, v15;
	[tilespmem:s31+$0xDA10] =	vst v12;
	v12 =	vld.idx.msk [tilespmem:v2+s31+$0xDBE0], $0xffff  }
0x180: {  	v8 =	vmul.f32 v8, v17;
	v15 =	vld.idx.msk [tilespmem:v3+s31+$0xDA00], $0xffff;
	[tilespmem:s31+$0xDA60] =	vst v10  }
0x181: {  	v7 =	vmul.f32 v7, v13;
	v10 =	vld.idx.msk [tilespmem:v3+s31+$0xDA50], $0xffff;
	[tilespmem:s31+$0xDAB0] =	vst v9  }
0x182: {  	v6 =	vmul.f32 v6, v14;
	v9 =	vld.idx.msk [tilespmem:v3+s31+$0xDAA0], $0xffff;
	[tilespmem:s31+$0xDB00] =	vst v8  }
0x183: {  	v8 =	vld.idx.msk [tilespmem:v3+s31+$0xDAF0], $0xffff;
	[tilespmem:s31+$0xDB50] =	vst v7;
	v7 =	vmul.f32 v16, v19  }
0x184: {  	v13 =	vld.idx.msk [tilespmem:v3+s31+$0xDB40], $0xffff;
	[tilespmem:s31+$0xDBA0] =	vst v6  }
0x185: {  	v5 =	vmul.f32 v5, v12;
	v14 =	vld.idx.msk [tilespmem:v3+s31+$0xDB90], $0xffff;
	[tilespmem:s31+$0xDC60] =	vst v7  }
0x186: {  	v6 =	vmul.f32 v11, v15;
	v7 =	vld [tilespmem:s31+$0x82C0]  }
0x187: {  	v10 =	vmul.f32 v21, v10;
	v11 =	vld [tilespmem:s31+$0x8310];
	[tilespmem:s31+$0xDBF0] =	vst v5  }
0x188: {  	[tilespmem:s31+$0xDA20] =	vst v6;
	v12 =	vld.idx.msk [tilespmem:v3+s31+$0xDBE0], $0xffff  }
0x189: {  	[tilespmem:s31+$0xDA70] =	vst v10;
	v6 =	vld [tilespmem:s31+$0x8360]  }
0x18a: {  	v10 =	vld [tilespmem:s31+$0x83B0]  }
0x18b: {  	v5 =	vmul.f32 v7, v9;
	v7 =	vld [tilespmem:s31+$0x8400]  }
0x18c: {  	v15 =	vld.idx.msk [tilespmem:v4+s31+$0xDA00], $0xffff;
	v8 =	vmul.f32 v11, v8  }
0x18d: {  	v11 =	vld.idx.msk [tilespmem:v4+s31+$0xDA50], $0xffff;
	[tilespmem:s31+$0xDAC0] =	vst v5  }
0x18e: {  	v5 =	vld.idx.msk [tilespmem:v4+s31+$0xDAA0], $0xffff;
	[tilespmem:s31+$0xDB10] =	vst v8;
	v8 =	vmul.f32 v6, v13  }
0x18f: {  	v6 =	vld.idx.msk [tilespmem:v4+s31+$0xDAF0], $0xffff;
	v10 =	vmul.f32 v10, v14  }
0x190: {  	v13 =	vld [tilespmem:s31+$0x8230];
	[tilespmem:s31+$0xDB60] =	vst v8;
	v7 =	vmul.f32 v7, v12  }
0x191: {  	v9 =	vld.idx.msk [tilespmem:v4+s31+$0xDB40], $0xffff;
	[tilespmem:s31+$0xDBB0] =	vst v10  }
0x192: {  	v8 =	vld.idx.msk [tilespmem:v4+s31+$0xDB90], $0xffff;
	[tilespmem:s31+$0xDC00] =	vst v7  }
0x193: {  	v7 =	vld.idx.msk [tilespmem:v4+s31+$0xDBE0], $0xffff  }
0x194: {  	v16 =	vld [tilespmem:s31+$0x8280]  }
.Ltmp2:
0x195: {  	v10 =	vmul.f32 v13, v15;
	v14 =	vld [tilespmem:s31+$0x82D0];
	(pc) =	sbr.rel @p0 .LBB2_7-.Ltmp2, $4  }
0x196: {  	v13 =	vld [tilespmem:s31+$0x8320]  }
0x197: {  	[tilespmem:s31+$0xDA30] =	vst v10;
	v12 =	vld [tilespmem:s31+$0x8370]  }
0x198: {  	v10 =	vld [tilespmem:s31+$0x83C0]  }
0x199: {  	s21 =	sadd.s32 $0xA00, s21;
	s0 =	sadd.s32 $0x80, s0;
	v15 =	vmul.f32 v16, v11;
	v11 =	vld [tilespmem:s31+$0x8410]  }
0x19a: {  	v5 =	vmul.f32 v14, v5  }
0x19b: {  	[tilespmem:s31+$0xDA80] =	vst v15;
	v6 =	vmul.f32 v13, v6  }
0x19c: {  	[tilespmem:s31+$0xDAD0] =	vst v5;
	v5 =	vmul.f32 v12, v9  }
0x19d: {  	[tilespmem:s31+$0xDB20] =	vst v6;
	v6 =	vmul.f32 v10, v8  }
0x19e: {  	[tilespmem:s31+$0xDB70] =	vst v5;
	v5 =	vmul.f32 v11, v7  }
0x19f: {  	[tilespmem:s31+$0xDBC0] =	vst v6  }
0x1a0: {  	s0 =	sadd.s32 $0x2980, s30;
	s28 =	sadd.s32 $0x1, s28;
	[tilespmem:s31+$0xDC10] =	vst v5  }
0x1a1: {  	[spmem:s3] =	stream.indirect.scatter.add.f32 [tilespmem:s26], [sflag:$0x3], $0x50, s0, s18, $0xb8;
	[tilespmem:$0x1C780] =	vst v63  }
0x1a2: {  	p0 =	sne.s32 s28, $0x29;
	s31 =	smin.u32 s29, $0x4E;
	_ =	swait.ge [sflag:s16], $0x2800  }
.Ltmp3:
0x1a3: {  	s0 =	sshll.u32 s31, $0x7;
	[sflag:s16] =	ssyncset.done $0x0;
	(pc) =	sbr.rel @p0 .LBB2_4-.Ltmp3, $4  }
0x1a4: {  	s1 =	sadd.s32 $0x180, s0;
	[sflag:s16] =	ssyncadd.s32 $0xFFFFD800  }
0x1a5: {  	[tilespmem:s20], [sflag:$0x2] =	stream.indirect.gather [hbm4b:s5+s18], $0x50, s1, s18, $0xb8;
	[tilespmem:$0x1C780] =	vst v63  }
0x1a6: {  	s0 =	sadd.s32 $0x2A80, s0  }
0x1a7: {  	[tilespmem:s22], [sflag:$0x2] =	stream.indirect.gather [hbm4b:s2+s18], $0x10, s0, s18, $0xb8;
	[tilespmem:$0x1C780] =	vst v63  }
0x1a8: {  	_ =	swait.ge [sflag:s23], $0x2800  }
0x1a9: {  	[sflag:s23] =	ssyncset.done $0x0  }
0x1aa: {  	[sflag:s23] =	ssyncadd.s32 $0xFFFFD800  }
0x1ab: {  	_ =	swait.ge [sflag:s23], $0x800  }
0x1ac: {  	[sflag:s23] =	ssyncset.done $0x0  }
0x1ad: {  	[sflag:s23] =	ssyncadd.s32 $0xFFFFF800  }
0x1ae: {  	_ =	swait.ge [sflag:s25], $0x2800  }
0x1af: {  	[sflag:s25] =	ssyncset.done $0x0  }
0x1b0: {  	[sflag:s25] =	ssyncadd.s32 $0xFFFFD800  }
0x1b1: {  	s0 =	stileid.u32;
	_ =	swait.ge [sflag:s25], $0x800  }
0x1b2: {  	s1 =	sshrl.u32 s6, $0x3;
	s4 =	sadd.s32 $0x1, s4;
	[sflag:s25] =	ssyncset.done $0x0  }
0x1b3: {  	s0 =	sshll.u32 s0, $0x6;
	p0 =	sne.s32 s4, s14;
	[sflag:s25] =	ssyncadd.s32 $0xFFFFF800  }
.Ltmp4:
0x1b4: {  	s0 =	sor.u32 $0x1C03, s0;
	[bflag:$0x0] =	sbarrier.arrive $0xFFFF;
	(pc) =	sbr.rel @p0 .LBB2_1-.Ltmp4, $4  }
0x1b5: {  	[hbm:s13], [sflag:s0] =	dma.local [spmem:s1], $0x18B0  }
0x1b6: {  	_ =	swait.ge [sflag:s16], $0x18B0  }
0x1b7: {  	[sflag:s16] =	ssyncset.done $0x0  }
0x1b8: {  	[sflag:s16] =	ssyncadd.s32 $0xFFFFE750  }
0x1b9: {  	_ =	sfence.sel $0x180000  }
0x1ba: {  	[bflag:$0x0] =	sbarrier.arrive $0xFFFF  }
0x1bb: {  	_ =	strace $0x90000047  }
0x1bc: {  	s0 =	stileid.u32;
	[bflag:$0x2] =	sbarrier.arrive $0xFFFF  }
0x1bd: {  	p0 =	sne.s32 s0, $0x0;
	s0 =	rddreg [dreg:$0x3]  }
0x1be: {  	s0 =	sadd.s32 @!p0 $0x100000, s0  }
0x1bf: {  	[sflag:s0] =	ssyncadd.tile.s32 @!p0 $0x1;
	_ =	shalt  }
.Lfunc_end2:
_tile_overlayer_lowered:
.L_overlay_start_2:
0x1c0: {  	(tag) =	ssettag $0x2  }
0x1c1: {  	s0 =	rddreg [dreg:$0x0];
	s2 =	stileid.u32  }
0x1c2: {  	s1 =	rddreg [dreg:$0x1];
	p0 =	sne.s32 s2, $0x0  }
0x1c3: {  	s3 =	rddreg [dreg:$0x2];
	[bflag:$0x3] =	sbarrier.arrive $0xFFFF;
	s2 =	simm.s32 @!p0 $0x1C03  }
0x1c4: {  	[timem:s3], [sflag:s2] =	dma.local @!p0 [hbm:s0], s1  }
0x1c5: {  	s0 =	simm.s32 @!p0 $0x3  }
0x1c6: {  	_ =	swait.ge @!p0 [sflag:s0], s1  }
0x1c7: {  	s1 =	ssub.s32 @!p0 $0x0, s1;
	[sflag:s0] =	ssyncset.done @!p0 $0x0  }
0x1c8: {  	[sflag:s0] =	ssyncadd.s32 @!p0 s1  }
0x1c9: {  	[bflag:$0x3] =	sbarrier.arrive $0xFFFF  }
0x1ca: {  	_ =	shalt  }

// kernel: sc_gat_edges_l2.3.cloned.1.call-start
scs
__scs_entry_jumppad:
0x0: {  	(pc) =	sbr.rel $0x88, $3  }
0x1: {  	(tag) =	ssettag $0x0;
	lr =	simm.s32 $0x1  }
0x2: {  	[smem:$0x3F97] =	sst lr;
	_ =	strace $0xD0000000  }
0x3: {  	_ = 	snop  }
0x4: {  	_ = 	snop  }
0x5: {  	_ = 	snop  }
0x6: {  	_ = 	snop  }
0x7: {  	_ = 	snop  }
__scs_overlays_trampoline_lowered:
0x8: {  	[smem:$0x3FA6] =	sst s0  }
0x9: {  	[smem:$0x3FA7] =	sst s1  }
0xa: {  	[smem:$0x3FA8] =	sst s2  }
0xb: {  	[smem:$0x3FA9] =	sst s3  }
0xc: {  	[smem:$0x3FAA] =	sst s4  }
0xd: {  	[smem:$0x3FAB] =	sst s5  }
0xe: {  	[smem:$0x3FAC] =	sst s6  }
0xf: {  	[smem:$0x3FAD] =	sst s7  }
0x10: {  	[smem:$0x3FAE] =	sst s8  }
0x11: {  	[smem:$0x3FAF] =	sst s9;
	s0 =	simm.s32 @!p0 $0x0  }
0x12: {  	s1 =	sld [smem:$0x3F95];
	s0 =	simm.s32 @p0 $0x1  }
0x13: {  	[smem:$0x3FB0] =	sst s0;
	s0 =	simm.s32 @!p1 $0x0  }
0x14: {  	s2 =	sld [smem:$0x3F94];
	s0 =	simm.s32 @p1 $0x1  }
0x15: {  	[smem:$0x3FB1] =	sst s0;
	s0 =	simm.s32 @!p2 $0x0  }
0x16: {  	s3 =	sld [smem:$0x3FDB];
	s0 =	simm.s32 @p2 $0x1  }
0x17: {  	s4 =	simm.s32 $0x1BF5;
	[smem:$0x3FB3] =	sst s0  }
0x18: {  	s0 =	sld [smem:$0x3F96];
	_ =	swait.ge [sflag:s4], $0x0  }
0x19: {  	s7 =	sld [smem:$0x3F97]  }
0x1a: {  	s8 =	sadd.s32 $0xFFFFE003, lr  }
0x1b: {  	s9 =	sadd.s32 $0xFFFFFEF7, lr;
	s5 =	simm.s32 $0xFFFFFFFF;
	p2 =	slt.u32 s8, $0xFFFFF086  }
0x1c: {  	p1 =	slt.u32 s9, $0xF7A;
	s5 =	simm.s32 @!p2 $0x0  }
0x1d: {  	s5 =	simm.s32 @p1 $0x1;
	p0 =	seq.s32 s7, s2  }
0x1e: {  	s7 =	smul.u32 @!p0 $0xF7A, s2;
	p2 =	seq.s32 @!p0 s5, $0x0  }
0x1f: {  	s9 =	smul.u32 $0xF7A, s1;
	s8 =	simm.s32 @!p0 $0x1BF5;
	p2 =	por !p2, p0  }
0x20: {  	[sflag:s8] =	ssyncset.s32 @!p0 $0xFFFFF086;
	s6 =	sadd.s32 @!p0 s3, s7;
	s7 =	simm.s32 @!p0 $0x108  }
0x21: {  	s3 =	sadd.s32 s3, s9;
	s6 =	sadd.s32 @!p0 $0x88, s6;
	s7 =	simm.s32 @p2 $0x1082  }
0x22: {  	[simem:s7], [sflag:s8] =	dma.local @!p0 [hbm:s6], $0xF7A  }
0x23: {  	s9 =	sor.u32 $0xD0000000, s2;
	s6 =	simm.s32 $0x108;
	_ =	swait.ge @!p0 [sflag:s8], $0x0  }
0x24: {  	s3 =	sadd.s32 $0x88, s3;
	s6 =	simm.s32 @!p1 $0x1082;
	[sflag:s4] =	ssyncset.s32 $0xFFFFF086  }
0x25: {  	[simem:s6], [sflag:s4] =	dma.local [hbm:s3], $0xF7A  }
0x26: {  	[smem:$0x3F97] =	sst s1;
	(tag) =	ssettag s2;
	_ =	strace s9  }
0x27: {  	s1 =	sld [smem:$0x3FA7]  }
0x28: {  	s2 =	sld [smem:$0x3FA8]  }
0x29: {  	s4 =	sld [smem:$0x3FAA]  }
0x2a: {  	p0 =	seq.s32 s5, $0x0;
	s5 =	sld [smem:$0x3FAB]  }
0x2b: {  	s6 =	sld [smem:$0x3FAC]  }
0x2c: {  	s7 =	sld [smem:$0x3FAD]  }
0x2d: {  	s3 =	simm.s32 $0x108;
	s8 =	sld [smem:$0x3FAE]  }
0x2e: {  	s3 =	simm.s32 @!p0 $0x1082;
	s9 =	sld [smem:$0x3FAF]  }
0x2f: {  	lr =	sadd.s32 s0, s3;
	s0 =	sld [smem:$0x3FA6]  }
0x30: {  	s3 =	sld [smem:$0x3FA9]  }
0x31: {  	[smem:$0x3FB2] =	sst s10  }
0x32: {  	s10 =	sld [smem:$0x3FB0];
	_ =	sdelay $0x3  }
0x33: {  	p0 =	seq.s32 s10, $0x1;
	s10 =	sld [smem:$0x3FB2];
	_ =	sdelay $0x3  }
0x34: {  	[smem:$0x3FB2] =	sst s10  }
0x35: {  	s10 =	sld [smem:$0x3FB1];
	_ =	sdelay $0x3  }
0x36: {  	p1 =	seq.s32 s10, $0x1;
	s10 =	sld [smem:$0x3FB2];
	_ =	sdelay $0x3  }
0x37: {  	[smem:$0x3FB2] =	sst s10  }
0x38: {  	s10 =	sld [smem:$0x3FB3]  }
0x39: {  	_ = 	snop;
	(pc) =	sbr.ind lr, $3  }
0x3a: {  	_ = 	snop  }
0x3b: {  	_ = 	snop  }
0x3c: {  	p2 =	seq.s32 s10, $0x1;
	s10 =	sld [smem:$0x3FB2]  }
0x3d: {  	_ =	shalt  }
0x3e: {  	_ =	shalt  }
0x3f: {  	_ =	shalt  }
0x40: {  	_ =	shalt  }
0x41: {  	_ =	shalt  }
0x42: {  	_ =	shalt  }
0x43: {  	_ =	shalt  }
0x44: {  	_ =	shalt  }
0x45: {  	_ =	shalt  }
0x46: {  	_ =	shalt  }
0x47: {  	_ =	shalt  }
0x48: {  	_ =	shalt  }
0x49: {  	_ =	shalt  }
0x4a: {  	_ =	shalt  }
0x4b: {  	_ =	shalt  }
0x4c: {  	_ =	shalt  }
0x4d: {  	_ =	shalt  }
0x4e: {  	_ =	shalt  }
0x4f: {  	_ =	shalt  }
0x50: {  	_ =	shalt  }
0x51: {  	_ =	shalt  }
0x52: {  	_ =	shalt  }
0x53: {  	_ =	shalt  }
0x54: {  	_ =	shalt  }
0x55: {  	_ =	shalt  }
0x56: {  	_ =	shalt  }
0x57: {  	_ =	shalt  }
0x58: {  	_ =	shalt  }
0x59: {  	_ =	shalt  }
0x5a: {  	_ =	shalt  }
0x5b: {  	_ =	shalt  }
0x5c: {  	_ =	shalt  }
0x5d: {  	_ =	shalt  }
0x5e: {  	_ =	shalt  }
0x5f: {  	_ =	shalt  }
0x60: {  	_ =	shalt  }
0x61: {  	_ =	shalt  }
0x62: {  	_ =	shalt  }
0x63: {  	_ =	shalt  }
0x64: {  	_ =	shalt  }
0x65: {  	_ =	shalt  }
0x66: {  	_ =	shalt  }
0x67: {  	_ =	shalt  }
0x68: {  	_ =	shalt  }
0x69: {  	_ =	shalt  }
0x6a: {  	_ =	shalt  }
0x6b: {  	_ =	shalt  }
0x6c: {  	_ =	shalt  }
0x6d: {  	_ =	shalt  }
0x6e: {  	_ =	shalt  }
0x6f: {  	_ =	shalt  }
0x70: {  	_ =	shalt  }
0x71: {  	_ =	shalt  }
0x72: {  	_ =	shalt  }
0x73: {  	_ =	shalt  }
0x74: {  	_ =	shalt  }
0x75: {  	_ =	shalt  }
0x76: {  	_ =	shalt  }
0x77: {  	_ =	shalt  }
0x78: {  	_ =	shalt  }
0x79: {  	_ =	shalt  }
0x7a: {  	_ =	shalt  }
0x7b: {  	_ =	shalt  }
0x7c: {  	_ =	shalt  }
0x7d: {  	_ =	shalt  }
0x7e: {  	_ =	shalt  }
0x7f: {  	_ =	shalt  }
0x80: {  	_ =	shalt  }
0x81: {  	_ =	shalt  }
0x82: {  	_ =	shalt  }
0x83: {  	_ =	shalt  }
0x84: {  	_ =	shalt  }
0x85: {  	_ =	shalt  }
0x86: {  	_ =	shalt  }
0x87: {  	_ =	shalt  }
.Lfunc_end0:
.L_simem_size_0:
called_computation.1_lowered:
.L_overlay_start_0:
0x88: {  	s2 =	sld [smem:$0x3FD9]  }
0x89: {  	s3 =	sld [smem:$0x3FFE];
	_ =	sdelay $0x1  }
0x8a: {  	s1 =	srdreg.scid  }
0x8b: {  	s0 =	sand.u32 $0x1, s1  }
0x8c: {  	s17 =	sshll.u32 s0, $0xA;
	s2 =	sadd.s32 s3, s2  }
0x8d: {  	s2 =	sadd.s32 s2, s17  }
0x8e: {  	[smem:$0x3FBE] =	sst s2  }
0x8f: {  	_ = 	snop  }
0x90: {  	s2 =	sld [smem:$0x3FD0];
	(tm) =	ssettm $0x1  }
0x91: {  	s18 =	sld [smem:$0x3FFB];
	_ =	sdelay $0x3  }
0x92: {  	_ =	strace s18  }
0x93: {  	s3 =	sld [smem:$0x3FFC];
	_ =	sdelay $0x3  }
0x94: {  	_ =	strace s3  }
0x95: {  	s3 =	sld [smem:$0x3FFD];
	_ =	sdelay $0x3  }
0x96: {  	_ =	strace s3  }
0x97: {  	_ =	strace $0x8FFFFFFF  }
0x98: {  	s19 =	sld [smem:$0x3FDB];
	_ =	sdelay $0x1  }
0x99: {  	s4 =	simm.s32 $_scs_section_size  }
0x9a: {  	s5 =	simm.s32 $_size__tile_overlayer_lowered;
	s6 =	simm.s32 $_tile_overlayer_lowered  }
0x9b: {  	s22 =	simm.s32 $0x1BFF;
	s21 =	sshll.u32 s6, $0x1;
	s3 =	sadd.s32 s4, s19  }
0x9c: {  	s7 =	simm.s32 $0x0;
	s20 =	sshll.u32 s5, $0x1;
	s5 =	sadd.s32 s21, s3  }
0x9d: {  	[timem:s7], [sflag:s22] =	dma.local [hbm:s5], s20  }
0x9e: {  	_ =	swait.ge [sflag:s22], s20  }
0x9f: {  	s4 =	ssub.s32 $0x0, s20;
	[sflag:s22] =	ssyncset.done $0x0  }
0xa0: {  	[sflag:s22] =	ssyncadd.s32 s4;
	_ =	sdelay $0x1  }
0xa1: {  	s23 =	simm.s32 $0x1B8B  }
0xa2: {  	_ =	swait.ge [sflag:s23], $0x1  }
0xa3: {  	[sflag:s23] =	ssyncset.done $0x0  }
0xa4: {  	s25 =	simm.s32 $0x1B8E;
	s24 =	sld [smem:$0x3FFE];
	[sflag:s23] =	ssyncadd.s32 $0xFFFFFFFF  }
0xa5: {  	s26 =	simm.s32 $execute0_lowered;
	[smem:$0x3FD2] =	sst s25  }
0xa6: {  	s5 =	sshll.u32 s26, $0x1;
	_ =	strace $0x80000049;
	[dreg:$0x1] =	wrdreg $0xFFFFFFFF  }
0xa7: {  	s28 =	simm.s32 $_size_execute0_lowered;
	s3 =	sadd.s32 s3, s5;
	[dreg:$0x0] =	wrdreg $0x0  }
0xa8: {  	s5 =	sshll.u32 s28, $0x1;
	[dreg:$0x2] =	wrdreg s3  }
0xa9: {  	[dreg:$0x3] =	wrdreg s5  }
0xaa: {  	[dreg:$0x4] =	wrdreg $0xC0  }
0xab: {  	_ =	task [dreg:s7], $0x5FFFF  }
0xac: {  	[dreg:$0x1] =	wrdreg $0xFFFFFFFF  }
0xad: {  	[dreg:$0x0] =	wrdreg $0x60  }
0xae: {  	[dreg:$0x2] =	wrdreg s24  }
0xaf: {  	[dreg:$0x3] =	wrdreg s2  }
0xb0: {  	[dreg:$0x4] =	wrdreg $0xA2000  }
0xb1: {  	[dreg:$0x5] =	wrdreg $0x9  }
0xb2: {  	_ =	task.clear_ibuf [dreg:s7], $0x6FFFF;
	_ =	strace $0x90000049  }
0xb3: {  	s29 =	simm.s32 $0x9;
	_ =	strace $0x8000004B  }
0xb4: {  	_ =	swait.ge [sflag:s29], $0x1  }
0xb5: {  	[sflag:s29] =	ssyncadd.s32 $0xFFFFFFFF  }
0xb6: {  	_ =	strace $0x9000004B  }
0xb7: {  	_ =	sfence  }
0xb8: {  	s30 =	sld [smem:$0x0];
	_ =	sdelay $0x2  }
0xb9: {  	s31 =	sshll.u32 s1, $0xD;
	s1 =	sshrl.u32 s1, $0x2  }
0xba: {  	s3 =	sand.u32 $0x4000, s31;
	s1 =	sadd.s32 s1, s30  }
0xbb: {  	s0 =	sor.u32 s3, s0;
	s1 =	sshll.u32 s1, $0x11  }
0xbc: {  	s0 =	sor.u32 s1, s0  }
0xbd: {  	s0 =	sadd.s32 $0x8F2B, s0  }
0xbe: {  	[sflag:s0] =	ssyncadd.remote.s32 $0x1  }
0xbf: {  	_ =	sfence.sel $0xFFFF  }
0xc0: {  	[dreg:$0x0] =	wrdreg $0xFFFFFFFF;
	(pc) =	sbr.abs _section_cstart, $3  }
0xc1: {  	[dreg:$0x1] =	wrdreg $0xFFFFFFFF  }
0xc2: {  	_ =	task.clear_ibuf [dreg:s7], $0x2FFFF;
	_ =	strace $0x9FFFFFFF  }
0xc3: {  	(tm) =	ssettm $0x7FFFFFFF  }
tec
execute0_lowered:
.L_overlay_start_1:
0x0: {  	(tag) =	ssettag $0x1  }
0x1: {  	s0 =	srdreg.scid  }
0x2: {  	s1 =	rddreg [dreg:$0x0];
	s8 =	stileid.u32  }
0x3: {  	s2 =	rddreg [dreg:$0x1];
	s15 =	simm.s32 $0x5200;
	s16 =	simm.s32 $0x3  }
0x4: {  	s18 =	simm.s32 $0x80;
	s19 =	simm.s32 $0x6200;
	s20 =	simm.s32 $0x6A00  }
0x5: {  	s22 =	simm.s32 $0x7A00;
	s23 =	simm.s32 $0x1;
	s24 =	simm.s32 $0x8200  }
0x6: {  	s25 =	simm.s32 $0x2;
	s0 =	sand.u32 $0x1, s0;
	s6 =	smul.u32 $0x4F00, s8  }
0x7: {  	s26 =	simm.s32 $0x9200;
	s3 =	sshll.u32 s0, $0x4;
	s7 =	smul.u32 $0x4F000, s0  }
0x8: {  	s0 =	ssub.s32 $0x2, s0;
	s4 =	sor.u32 s8, s3;
	s8 =	smul.u32 $0x13C00, s8  }
0x9: {  	s3 =	rddreg [dreg:$0x2];
	s9 =	sshrl.u32 s0, $0x1;
	s5 =	smul.u32 $0x520, s4  }
0xa: {  	s4 =	simm.s32 $0x0;
	s7 =	sadd.s32 s6, s7;
	s0 =	ssub.s32 s0, s9  }
0xb: {  	s6 =	sadd.s32 s6, s3;
	[smem:$0x7FF] =	sst s4;
	s7 =	sshrl.u32 s7, $0x3  }
0xc: {  	s8 =	sshrl.u32 s8, $0x2;
	s14 =	smax.u32 s0, $0x1;
	_ =	strace $0x8000004A  }
0xd: {  	s12 =	sadd.s32 s5, s1;
	s5 =	sadd.s32 $0x1400, s1;
	s31 =	sadd.s32 s8, s3  }
0xe: {  	s1 =	sadd.s32 s7, s1;
	s8 =	sadd.s32 $0x1000, s31;
	s9 =	sadd.s32 $0x3000, s31  }
0xf: {  	s10 =	sadd.s32 $0x4000, s31;
	s11 =	sadd.s32 $0x24000, s12;
	s12 =	sadd.s32 $0x19C00, s12  }
0x10: {  	v0 =	vimm.f32 $0.0e+00;
	s13 =	sadd.s32 $0x2E400, s1;
	[dreg:$0x4] =	wrdreg s8;
	s8 =	sadd.s32 $0x2000, s31  }
.LBB2_1:
0x11: {  	s0 =	simm.s32 $0x80;
	s1 =	simm.s32 $0x0  }
.LBB2_2:
0x12: {  	p0 =	sne.s32 s0, $0x3F80;
	[tilespmem:s1+$0x5200] =	vst v0;
	s7 =	smov.u32 s0;
	s0 =	sadd.s32 $0x80, s0  }
.Ltmp0:
0x13: {  	[tilespmem:s1+$0x5210] =	vst v0;
	(pc) =	sbr.rel @p0 .LBB2_2-.Ltmp0, $2  }
0x14: {  	_ =	sdelay $0x2  }
0x15: {  	s1 =	sshra.s32 s7, $0x2  }
0x16: {  	[tilespmem:s1+$0x5200] =	vst v0  }
0x17: {  	[tilespmem:s1+$0x5210] =	vst v0  }
0x18: {  	[spmem:s6] =	stream.linear.scatter [tilespmem:s15], [sflag:$0x3], $0x1000, $0x38;
	[tilespmem:$0xF100] =	vst v63  }
0x19: {  	_ =	swait.ge [sflag:s16], $0x1000  }
0x1a: {  	[sflag:s16] =	ssyncset.done $0x0  }
0x1b: {  	s0 =	rddreg [dreg:$0x4];
	[sflag:s16] =	ssyncadd.s32 $0xFFFFF000  }
0x1c: {  	[spmem:s0] =	stream.linear.scatter [tilespmem:s15], [sflag:$0x3], $0x1000, $0x38;
	[tilespmem:$0xF100] =	vst v63  }
0x1d: {  	_ =	swait.ge [sflag:s16], $0x1000  }
0x1e: {  	[sflag:s16] =	ssyncset.done $0x0  }
0x1f: {  	[sflag:s16] =	ssyncadd.s32 $0xFFFFF000  }
0x20: {  	[spmem:s8] =	stream.linear.scatter [tilespmem:s15], [sflag:$0x3], $0x1000, $0x38;
	[tilespmem:$0xF100] =	vst v63  }
0x21: {  	_ =	swait.ge [sflag:s16], $0x1000  }
0x22: {  	[sflag:s16] =	ssyncset.done $0x0  }
0x23: {  	[sflag:s16] =	ssyncadd.s32 $0xFFFFF000  }
0x24: {  	[spmem:s9] =	stream.linear.scatter [tilespmem:s15], [sflag:$0x3], $0x1000, $0x38;
	[tilespmem:$0xF100] =	vst v63  }
0x25: {  	_ =	swait.ge [sflag:s16], $0x1000  }
0x26: {  	[sflag:s16] =	ssyncset.done $0x0  }
0x27: {  	[sflag:s16] =	ssyncadd.s32 $0xFFFFF000  }
0x28: {  	[spmem:s10] =	stream.linear.scatter [tilespmem:s15], [sflag:$0x3], $0xF00, $0x38;
	[tilespmem:$0xF100] =	vst v63  }
0x29: {  	_ =	swait.ge [sflag:s16], $0xF00  }
0x2a: {  	[sflag:s16] =	ssyncset.done $0x0  }
0x2b: {  	[sflag:s16] =	ssyncadd.s32 $0xFFFFF100  }
0x2c: {  	s28 =	simm.s32 $0x0;
	[bflag:$0x0] =	sbarrier.arrive $0xFFFF  }
0x2d: {  	[tilespmem:s28], [sflag:$0x3] =	stream.linear.gather [hbm4b:s11+s28], $0x2900, $0x38;
	[tilespmem:$0xF100] =	vst v63  }
0x2e: {  	_ =	swait.ge [sflag:s16], $0x2900  }
0x2f: {  	[sflag:s16] =	ssyncset.done $0x0  }
0x30: {  	s30 =	simm.s32 $0x2900;
	[sflag:s16] =	ssyncadd.s32 $0xFFFFD700  }
0x31: {  	[tilespmem:s30], [sflag:$0x3] =	stream.linear.gather [hbm4b:s12+s28], $0x2900, $0x38;
	[tilespmem:$0xF100] =	vst v63  }
0x32: {  	_ =	swait.ge [sflag:s16], $0x2900  }
0x33: {  	[sflag:s16] =	ssyncset.done $0x0  }
0x34: {  	[sflag:s16] =	ssyncadd.s32 $0xFFFFD700  }
0x35: {  	[tilespmem:s15], [sflag:$0x1] =	stream.indirect.gather [hbm4b:s5+s18], $0x20, s28, s18, $0xb8;
	[tilespmem:$0xF100] =	vst v63  }
0x36: {  	_ = 	snop  }
0x37: {  	[tilespmem:s19], [sflag:$0x1] =	stream.indirect.gather [hbm4b:s2+s18], $0x10, s30, s18, $0xb8;
	[tilespmem:$0xF100] =	vst v63  }
0x38: {  	_ = 	snop  }
0x39: {  	[tilespmem:s20], [sflag:$0x2] =	stream.indirect.gather [hbm4b:s5+s18], $0x20, s18, s18, $0xb8;
	[tilespmem:$0xF100] =	vst v63  }
0x3a: {  	s31 =	simm.s32 $0x2980  }
0x3b: {  	[tilespmem:s22], [sflag:$0x2] =	stream.indirect.gather [hbm4b:s2+s18], $0x10, s31, s18, $0xb8;
	[tilespmem:$0xF100] =	vst v63  }
.LBB2_4:
0x3c: {  	_ =	swait.ge [sflag:s23], $0x1000  }
0x3d: {  	[sflag:s23] =	ssyncset.done $0x0  }
0x3e: {  	[sflag:s23] =	ssyncadd.s32 $0xFFFFF000  }
0x3f: {  	_ =	swait.ge [sflag:s23], $0x800  }
0x40: {  	[sflag:s23] =	ssyncset.done $0x0  }
0x41: {  	s17 =	simm.s32 $0x5280;
	[sflag:s23] =	ssyncadd.s32 $0xFFFFF800  }
0x42: {  	s0 =	simm.s32 $0x6240;
	v1 =	vld [tilespmem:s17+$0x70]  }
0x43: {  	v2 =	vld [tilespmem:s0+$0x30];
	_ =	sdelay $0x2  }
0x44: {  	v3 =	vld [tilespmem:s0+$0xFFFFFFC0]  }
0x45: {  	v4 =	vld [tilespmem:s17+$0xFFFFFFB0]  }
0x46: {  	v5 =	vld [tilespmem:s17+$0xFFFFFFD0];
	v1 =	vadd.f32 v2, v1  }
0x47: {  	v7 =	vld [tilespmem:s0+$0xFFFFFFE0]  }
0x48: {  	v2 =	vld [tilespmem:s0+$0xFFFFFFD0];
	v6 =	vmul.f32 $2.000000030e-01, v1  }
0x49: {  	v8 =	vld [tilespmem:s17+$0xFFFFFFF0]  }
0x4a: {  	v1 =	vmax.f32 v1, v6;
	v6 =	vld [tilespmem:s0+$0xFFFFFFF0]  }
0x4b: {  	v9 =	vld [tilespmem:s17+$0x10]  }
0x4c: {  	v10 =	vld [tilespmem:s0+$0x0];
	v1 =	vmul.f32 $1.442695020e+00, v1  }
0x4d: {  	v2 =	vadd.f32 v2, v4;
	v4 =	vld [tilespmem:s0+$0x10]  }
0x4e: {  	(erf) = vpow2.f32 v1;
	v1 =	vld [tilespmem:s17+$0x30]  }
0x4f: {  	v5 =	vadd.f32 v7, v5;
	v7 =	vld [tilespmem:s17+$0x50];
	v6 =	vadd.f32 v6, v8  }
0x50: {  	v11 =	vmul.f32 $2.000000030e-01, v2;
	v8 =	vld [tilespmem:s0+$0x20]  }
0x51: {  	v13 =	vld [tilespmem:s17+$0xFFFFFF90];
	v9 =	vadd.f32 v10, v9;
	v10 =	vmul.f32 $2.000000030e-01, v6  }
0x52: {  	v12 =	vmul.f32 $2.000000030e-01, v5;
	v2 =	vmax.f32 v2, v11  }
0x53: {  	s30 =	simm.s32 $0x5380;
	v11 =	vmul.f32 $2.000000030e-01, v9;
	v1 =	vadd.f32 v4, v1;
	v6 =	vmax.f32 v6, v10  }
0x54: {  	s1 =	simm.s32 $0x62C0;
	v14 =	vld [tilespmem:s30+$0x10];
	v5 =	vmax.f32 v5, v12;
	v2 =	vmul.f32 $1.442695020e+00, v2;
	v4 =	vmul.f32 $1.442695020e+00, v6  }
0x55: {  	v16 =	vld [tilespmem:s1+$0x0];
	v6 =	vmax.f32 v9, v11;
	v7 =	vadd.f32 v8, v7;
	v9 =	vmul.f32 $2.000000030e-01, v1  }
0x56: {  	v3 =	vadd.f32 v3, v13;
	v5 =	vmul.f32 $1.442695020e+00, v5;
	v10 =	vld [tilespmem:s30+$0x70];
	v6 =	vmul.f32 $1.442695020e+00, v6  }
0x57: {  	v8 =	vpop (erf);
	(erf) = vpow2.f32 v2;
	v2 =	vmul.f32 $2.000000030e-01, v7;
	v1 =	vmax.f32 v1, v9;
	v9 =	vld [tilespmem:s1+$0x30]  }
0x58: {  	v12 =	vld [tilespmem:s1+$0xFFFFFFE0];
	(erf) = vpow2.f32 v5;
	v5 =	vmul.f32 $2.000000030e-01, v3  }
0x59: {  	v1 =	vmul.f32 $1.442695020e+00, v1;
	(erf) = vpow2.f32 v4;
	v2 =	vmax.f32 v7, v2;
	v4 =	vld [tilespmem:s30+$0xFFFFFFB0]  }
0x5a: {  	v7 =	vld [tilespmem:s30+$0xFFFFFFD0];
	(erf) = vpow2.f32 v6;
	v3 =	vmax.f32 v3, v5;
	v2 =	vmul.f32 $1.442695020e+00, v2  }
0x5b: {  	v6 =	vld [tilespmem:s1+$0xFFFFFFD0];
	(erf) = vpow2.f32 v1;
	v1 =	vmul.f32 $1.442695020e+00, v3  }
0x5c: {  	(erf) = vpow2.f32 v2;
	v2 =	vadd.f32 v9, v10;
	v9 =	vld [tilespmem:s30+$0xFFFFFFF0]  }
0x5d: {  	s29 =	simm.s32 $0x8280;
	v10 =	vld [tilespmem:s1+$0xFFFFFFF0];
	(erf) = vpow2.f32 v1  }
0x5e: {  	v17 =	vld [tilespmem:s30+$0x30];
	[tilespmem:s29+$0x70] =	vst v8;
	v13 =	vmul.f32 $2.000000030e-01, v2  }
0x5f: {  	v11 =	vld [tilespmem:s17+$0x60]  }
0x60: {  	v19 =	vld [tilespmem:s1+$0x10];
	v18 =	vadd.f32 v6, v4;
	v3 =	vpop (erf);
	v13 =	vmax.f32 v2, v13  }
0x61: {  	v15 =	vld [tilespmem:s1+$0xFFFFFFC0];
	v12 =	vadd.f32 v12, v7;
	v5 =	vpop (erf);
	v13 =	vmul.f32 $1.442695020e+00, v13  }
0x62: {  	v20 =	vld [tilespmem:s30+$0x50];
	v21 =	vmul.f32 $2.000000030e-01, v18;
	v9 =	vadd.f32 v10, v9;
	v1 =	vpop (erf)  }
0x63: {  	v22 =	vld [tilespmem:s30+$0xFFFFFF90];
	v16 =	vadd.f32 v16, v14;
	v2 =	vpop (erf);
	(erf) = vpow2.f32 v13;
	v13 =	vmul.f32 $2.000000030e-01, v12  }
0x64: {  	v11 =	vmul.f32 v8, v11;
	v10 =	vld [tilespmem:s1+$0x20];
	v8 =	vmax.f32 v18, v21;
	v18 =	vmul.f32 $2.000000030e-01, v9;
	v4 =	vpop (erf)  }
0x65: {  	v19 =	vadd.f32 v19, v17;
	[tilespmem:s29+$0xFFFFFFD0] =	vst v5;
	v21 =	vmul.f32 $2.000000030e-01, v16;
	v6 =	vpop (erf);
	v12 =	vmax.f32 v12, v13  }
0x66: {  	[tilespmem:s29+$0xFFFFFFB0] =	vst v3;
	v8 =	vmul.f32 $1.442695020e+00, v8;
	v9 =	vmax.f32 v9, v18;
	v13 =	vld [tilespmem:s17+$0xFFFFFFC0];
	v7 =	vpop (erf);
	v23 =	vmul.f32 $1.442695020e+00, v12  }
0x67: {  	v12 =	vld [tilespmem:s17+$0xFFFFFFA0];
	v24 =	vmul.f32 $1.442695020e+00, v9;
	v9 =	vmax.f32 v16, v21;
	v21 =	vmul.f32 $2.000000030e-01, v19;
	[tilespmem:s29+$0xFFFFFF90] =	vst v7  }
0x68: {  	[tilespmem:s29+$0xFFFFFFF0] =	vst v1;
	(erf) = vpow2.f32 v8;
	v14 =	vld [tilespmem:s17+$0xFFFFFF80]  }
0x69: {  	[tilespmem:s29+$0x30] =	vst v4;
	v17 =	vadd.f32 v10, v20;
	v8 =	vld [tilespmem:s17+$0xFFFFFFE0];
	v16 =	vadd.f32 v15, v22;
	v15 =	vmax.f32 v19, v21  }
0x6a: {  	[tilespmem:s29+$0x10] =	vst v2;
	v10 =	vld [tilespmem:s17+$0x20];
	v18 =	vmul.f32 $1.442695020e+00, v9;
	(erf) = vpow2.f32 v23  }
0x6b: {  	s31 =	simm.s32 $0x5480;
	s21 =	simm.s32 $0x8380;
	[tilespmem:s29+$0x50] =	vst v6;
	v9 =	vld [tilespmem:s17+$0x0];
	v21 =	vmul.f32 $2.000000030e-01, v17;
	(erf) = vpow2.f32 v24  }
0x6c: {  	s0 =	simm.s32 $0x8;
	[tilespmem:s29+$0x60] =	vst v11;
	v11 =	vld [tilespmem:s17+$0x40];
	v20 =	vmul.f32 $2.000000030e-01, v16;
	v19 =	vmul.f32 $1.442695020e+00, v15;
	v15 =	vpop (erf)  }
.LBB2_5:
0x6d: {  	v22 =	vld [tilespmem:s31+$0x70];
	v17 =	vmax.f32 v17, v21;
	[tilespmem:s21+$0x70] =	vst v15;
	(erf) = vpow2.f32 v18;
	v7 =	vmul.f32 v7, v14  }
0x6e: {  	s1 =	sadd.s32 $0x80, s1;
	v14 =	vmax.f32 v16, v20;
	v16 =	vmul.f32 $1.442695020e+00, v17;
	v17 =	vld [tilespmem:s30+$0x60];
	(erf) = vpow2.f32 v19  }
0x6f: {  	s0 =	sadd.s32 $0x8, s0;
	v18 =	vld [tilespmem:s1+$0x30];
	v14 =	vmul.f32 $1.442695020e+00, v14;
	[tilespmem:s29+$0xFFFFFF80] =	vst v7;
	v7 =	vmul.f32 v3, v12  }
0x70: {  	p0 =	slt.u32 s0, $0x78;
	v12 =	vmul.f32 v5, v13;
	v19 =	vld [tilespmem:s1+$0xFFFFFFC0];
	(erf) = vpow2.f32 v16  }
0x71: {  	v13 =	vld [tilespmem:s31+$0xFFFFFFB0];
	(erf) = vpow2.f32 v14;
	v3 =	vpop (erf);
	[tilespmem:s29+$0xFFFFFFA0] =	vst v7;
	v7 =	vmul.f32 v1, v8  }
0x72: {  	v9 =	vmul.f32 v2, v9;
	v10 =	vmul.f32 v4, v10;
	v8 =	vld [tilespmem:s1+$0xFFFFFFD0];
	[tilespmem:s21+$0xFFFFFFB0] =	vst v3  }
0x73: {  	v11 =	vmul.f32 v6, v11;
	v14 =	vld [tilespmem:s31+$0xFFFFFFD0];
	v4 =	vmul.f32 v15, v17;
	v5 =	vpop (erf);
	[tilespmem:s29+$0xFFFFFFC0] =	vst v12  }
0x74: {  	v6 =	vld [tilespmem:s1+$0xFFFFFFE0];
	v12 =	vadd.f32 v18, v22;
	[tilespmem:s21+$0xFFFFFFD0] =	vst v5;
	v1 =	vpop (erf)  }
0x75: {  	v15 =	vld [tilespmem:s31+$0xFFFFFFF0];
	[tilespmem:s21+$0x60] =	vst v4  }
0x76: {  	v16 =	vld [tilespmem:s1+$0xFFFFFFF0];
	v17 =	vmul.f32 $2.000000030e-01, v12;
	[tilespmem:s21+$0xFFFFFFF0] =	vst v1;
	v2 =	vpop (erf)  }
0x77: {  	v8 =	vadd.f32 v8, v13;
	v13 =	vld [tilespmem:s31+$0x10];
	[tilespmem:s21+$0x10] =	vst v2;
	v4 =	vpop (erf)  }
0x78: {  	v18 =	vld [tilespmem:s1+$0x0];
	v12 =	vmax.f32 v12, v17;
	[tilespmem:s21+$0x30] =	vst v4  }
0x79: {  	v17 =	vmul.f32 $2.000000030e-01, v8;
	v14 =	vadd.f32 v6, v14;
	v20 =	vld [tilespmem:s31+$0x30];
	v12 =	vmul.f32 $1.442695020e+00, v12;
	v6 =	vpop (erf);
	[tilespmem:s29+$0xFFFFFFE0] =	vst v7  }
0x7a: {  	v21 =	vld [tilespmem:s1+$0x10];
	[tilespmem:s21+$0x50] =	vst v6;
	v7 =	vpop (erf)  }
0x7b: {  	v22 =	vmul.f32 $2.000000030e-01, v14;
	v15 =	vadd.f32 v16, v15;
	v16 =	vld [tilespmem:s31+$0x50];
	(erf) = vpow2.f32 v12;
	[tilespmem:s21+$0xFFFFFF90] =	vst v7  }
0x7c: {  	v8 =	vmax.f32 v8, v17;
	v17 =	vld [tilespmem:s1+$0x20];
	[tilespmem:s29+$0x0] =	vst v9  }
0x7d: {  	v9 =	vld [tilespmem:s31+$0xFFFFFF90];
	v12 =	vmax.f32 v14, v22;
	v22 =	vmul.f32 $2.000000030e-01, v15;
	v18 =	vadd.f32 v18, v13;
	[tilespmem:s29+$0x20] =	vst v10  }
0x7e: {  	v8 =	vmul.f32 $1.442695020e+00, v8;
	v10 =	vmul.f32 $1.442695020e+00, v12;
	v14 =	vld [tilespmem:s30+$0xFFFFFF80];
	[tilespmem:s29+$0x40] =	vst v11;
	s29 =	smov.u32 s21  }
0x7f: {  	v11 =	vmax.f32 v15, v22;
	v15 =	vmul.f32 $2.000000030e-01, v18;
	v20 =	vadd.f32 v21, v20;
	v12 =	vld [tilespmem:s30+$0xFFFFFFA0]  }
.Ltmp1:
0x80: {  	v11 =	vmul.f32 $1.442695020e+00, v11;
	(erf) = vpow2.f32 v8;
	v13 =	vld [tilespmem:s30+$0xFFFFFFC0];
	(pc) =	sbr.rel @p0 .LBB2_5-.Ltmp1, $4  }
0x81: {  	v15 =	vmax.f32 v18, v15;
	v21 =	vmul.f32 $2.000000030e-01, v20;
	v17 =	vadd.f32 v17, v16;
	v8 =	vld [tilespmem:s30+$0xFFFFFFE0]  }
0x82: {  	v16 =	vadd.f32 v19, v9;
	v18 =	vmul.f32 $1.442695020e+00, v15;
	(erf) = vpow2.f32 v10;
	v9 =	vld [tilespmem:s30+$0x0]  }
0x83: {  	v22 =	vmax.f32 v20, v21;
	v21 =	vmul.f32 $2.000000030e-01, v17;
	(erf) = vpow2.f32 v11;
	v10 =	vld [tilespmem:s30+$0x20]  }
0x84: {  	s21 =	sadd.s32 $0x100, s21;
	v20 =	vmul.f32 $2.000000030e-01, v16;
	v19 =	vmul.f32 $1.442695020e+00, v22;
	v15 =	vpop (erf);
	v11 =	vld [tilespmem:s30+$0x40];
	s30 =	smov.u32 s31;
	s31 =	sadd.s32 $0x100, s31  }
0x85: {  	v7 =	vmul.f32 v7, v14  }
0x86: {  	v17 =	vmax.f32 v17, v21;
	(erf) = vpow2.f32 v18;
	[tilespmem:s21+$0x70] =	vst v15;
	v3 =	vmul.f32 v3, v12  }
0x87: {  	v5 =	vmul.f32 v5, v13;
	v17 =	vmul.f32 $1.442695020e+00, v17;
	[tilespmem:s29+$0xFFFFFF80] =	vst v7  }
0x88: {  	v16 =	vmax.f32 v16, v20;
	(erf) = vpow2.f32 v19;
	v1 =	vmul.f32 v1, v8;
	[tilespmem:s29+$0xFFFFFFA0] =	vst v3  }
0x89: {  	v14 =	vld [tilespmem:s30+$0x60];
	v16 =	vmul.f32 $1.442695020e+00, v16;
	[tilespmem:s29+$0xFFFFFFC0] =	vst v5;
	v2 =	vmul.f32 v2, v9  }
0x8a: {  	(erf) = vpow2.f32 v17;
	[tilespmem:s29+$0xFFFFFFE0] =	vst v1  }
0x8b: {  	v4 =	vmul.f32 v4, v10;
	(erf) = vpow2.f32 v16;
	v7 =	vpop (erf);
	[tilespmem:s29+$0x0] =	vst v2  }
0x8c: {  	v6 =	vmul.f32 v6, v11;
	[tilespmem:s21+$0xFFFFFFB0] =	vst v7  }
0x8d: {  	[tilespmem:s29+$0x20] =	vst v4  }
0x8e: {  	v3 =	vpop (erf);
	v13 =	vmul.f32 v15, v14;
	[tilespmem:s29+$0x40] =	vst v6  }
0x8f: {  	[tilespmem:s21+$0xFFFFFFD0] =	vst v3  }
0x90: {  	v16 =	vld [tilespmem:s30+$0xFFFFFFA0];
	v12 =	vpop (erf);
	[tilespmem:s21+$0x60] =	vst v13  }
0x91: {  	[tilespmem:s21+$0xFFFFFFF0] =	vst v12;
	v1 =	vld [tilespmem:s30+$0xFFFFFFC0];
	v5 =	vpop (erf)  }
0x92: {  	v9 =	vld [tilespmem:s30+$0xFFFFFFE0];
	v14 =	vpop (erf);
	[tilespmem:s21+$0x10] =	vst v5  }
0x93: {  	[tilespmem:s21+$0x30] =	vst v14;
	v2 =	vld [tilespmem:s30+$0x0];
	v13 =	vpop (erf)  }
0x94: {  	v4 =	vld [tilespmem:s30+$0x20];
	v15 =	vpop (erf);
	[tilespmem:s21+$0x50] =	vst v13  }
0x95: {  	v7 =	vmul.f32 v7, v16;
	[tilespmem:s21+$0xFFFFFF90] =	vst v15;
	v6 =	vld [tilespmem:s30+$0x40]  }
0x96: {  	v1 =	vmul.f32 v3, v1;
	v8 =	vld [tilespmem:s30+$0xFFFFFF80]  }
0x97: {  	[tilespmem:s21+$0xFFFFFFA0] =	vst v7;
	v3 =	vmul.f32 v12, v9  }
0x98: {  	[tilespmem:s21+$0xFFFFFFC0] =	vst v1;
	v2 =	vmul.f32 v5, v2  }
0x99: {  	[tilespmem:s21+$0xFFFFFFE0] =	vst v3;
	v1 =	vmul.f32 v14, v4  }
0x9a: {  	[tilespmem:s21+$0x0] =	vst v2;
	v3 =	vmul.f32 v13, v6  }
0x9b: {  	s0 =	sshll.u32 s28, $0x8;
	[tilespmem:s21+$0x20] =	vst v1;
	v8 =	vmul.f32 v15, v8  }
0x9c: {  	s30 =	sand.u32 $0x3FFFFF00, s0;
	[tilespmem:s21+$0x40] =	vst v3  }
0x9d: {  	s29 =	sshll.u32 s28, $0x1;
	s0 =	sadd.s32 $0x2900, s30;
	[tilespmem:s21+$0xFFFFFF80] =	vst v8  }
0x9e: {  	[spmem:s3] =	stream.indirect.scatter.add.f32 [tilespmem:s24], [sflag:$0x3], $0x20, s0, s18, $0xb8;
	[tilespmem:$0xF100] =	vst v63  }
0x9f: {  	s17 =	smin.u32 s29, $0x4F;
	_ =	swait.ge [sflag:s16], $0x1000  }
0xa0: {  	s0 =	sshll.u32 s17, $0x7;
	[sflag:s16] =	ssyncset.done $0x0  }
0xa1: {  	s1 =	sadd.s32 $0x100, s0;
	[sflag:s16] =	ssyncadd.s32 $0xFFFFF000  }
0xa2: {  	[tilespmem:s15], [sflag:$0x1] =	stream.indirect.gather [hbm4b:s5+s18], $0x20, s1, s18, $0xb8;
	[tilespmem:$0xF100] =	vst v63  }
0xa3: {  	s0 =	sadd.s32 $0x2A00, s0  }
0xa4: {  	[tilespmem:s19], [sflag:$0x1] =	stream.indirect.gather [hbm4b:s2+s18], $0x10, s0, s18, $0xb8;
	[tilespmem:$0xF100] =	vst v63  }
0xa5: {  	_ =	swait.ge [sflag:s25], $0x1000  }
0xa6: {  	[sflag:s25] =	ssyncset.done $0x0  }
0xa7: {  	[sflag:s25] =	ssyncadd.s32 $0xFFFFF000  }
0xa8: {  	_ =	swait.ge [sflag:s25], $0x800  }
0xa9: {  	[sflag:s25] =	ssyncset.done $0x0  }
0xaa: {  	s0 =	simm.s32 $0x6A80;
	[sflag:s25] =	ssyncadd.s32 $0xFFFFF800  }
0xab: {  	s21 =	simm.s32 $0x7A40;
	v1 =	vld [tilespmem:s0+$0x70]  }
0xac: {  	v2 =	vld [tilespmem:s21+$0x30];
	_ =	sdelay $0x2  }
0xad: {  	v4 =	vld [tilespmem:s0+$0xFFFFFFB0]  }
0xae: {  	v5 =	vld [tilespmem:s0+$0xFFFFFFD0]  }
0xaf: {  	v7 =	vld [tilespmem:s21+$0xFFFFFFE0];
	v1 =	vadd.f32 v2, v1  }
0xb0: {  	v8 =	vld [tilespmem:s0+$0xFFFFFFF0]  }
0xb1: {  	v2 =	vld [tilespmem:s21+$0xFFFFFFD0];
	v6 =	vmul.f32 $2.000000030e-01, v1  }
0xb2: {  	v9 =	vld [tilespmem:s0+$0x10]  }
0xb3: {  	v1 =	vmax.f32 v1, v6;
	v6 =	vld [tilespmem:s21+$0xFFFFFFF0]  }
0xb4: {  	v10 =	vld [tilespmem:s21+$0x0]  }
0xb5: {  	v3 =	vld [tilespmem:s21+$0xFFFFFFC0];
	v1 =	vmul.f32 $1.442695020e+00, v1  }
0xb6: {  	v5 =	vadd.f32 v7, v5;
	v2 =	vadd.f32 v2, v4;
	v4 =	vld [tilespmem:s21+$0x10]  }
0xb7: {  	(erf) = vpow2.f32 v1;
	v1 =	vld [tilespmem:s0+$0x30]  }
0xb8: {  	v7 =	vld [tilespmem:s0+$0x50];
	v12 =	vmul.f32 $2.000000030e-01, v5;
	v11 =	vmul.f32 $2.000000030e-01, v2;
	v6 =	vadd.f32 v6, v8  }
0xb9: {  	v9 =	vadd.f32 v10, v9;
	v8 =	vld [tilespmem:s21+$0x20]  }
0xba: {  	v13 =	vld [tilespmem:s0+$0xFFFFFF90];
	v5 =	vmax.f32 v5, v12;
	v2 =	vmax.f32 v2, v11;
	v10 =	vmul.f32 $2.000000030e-01, v6  }
0xbb: {  	v5 =	vmul.f32 $1.442695020e+00, v5;
	v2 =	vmul.f32 $1.442695020e+00, v2  }
0xbc: {  	s1 =	simm.s32 $0x6B80;
	v11 =	vmul.f32 $2.000000030e-01, v9;
	v1 =	vadd.f32 v4, v1;
	v6 =	vmax.f32 v6, v10  }
0xbd: {  	v14 =	vld [tilespmem:s1+$0x10];
	s21 =	simm.s32 $0x7AC0;
	(erf) = vpow2.f32 v2;
	v4 =	vmul.f32 $1.442695020e+00, v6  }
0xbe: {  	v12 =	vld [tilespmem:s21+$0xFFFFFFE0];
	v6 =	vmax.f32 v9, v11;
	v7 =	vadd.f32 v8, v7;
	v9 =	vmul.f32 $2.000000030e-01, v1  }
0xbf: {  	v3 =	vadd.f32 v3, v13;
	v10 =	vld [tilespmem:s1+$0x70];
	(erf) = vpow2.f32 v5  }
0xc0: {  	v6 =	vmul.f32 $1.442695020e+00, v6;
	v2 =	vmul.f32 $2.000000030e-01, v7;
	v1 =	vmax.f32 v1, v9;
	v9 =	vld [tilespmem:s21+$0x30]  }
0xc1: {  	s31 =	simm.s32 $0x9280;
	v5 =	vmul.f32 $2.000000030e-01, v3;
	v8 =	vpop (erf);
	(erf) = vpow2.f32 v4;
	v4 =	vld [tilespmem:s1+$0xFFFFFFB0]  }
0xc2: {  	[tilespmem:s31+$0x70] =	vst v8;
	v1 =	vmul.f32 $1.442695020e+00, v1;
	(erf) = vpow2.f32 v6;
	v6 =	vld [tilespmem:s21+$0xFFFFFFD0];
	v2 =	vmax.f32 v7, v2  }
0xc3: {  	v3 =	vmax.f32 v3, v5;
	v11 =	vld [tilespmem:s0+$0x60];
	v2 =	vmul.f32 $1.442695020e+00, v2  }
0xc4: {  	v7 =	vld [tilespmem:s1+$0xFFFFFFD0];
	(erf) = vpow2.f32 v1;
	v1 =	vmul.f32 $1.442695020e+00, v3  }
0xc5: {  	(erf) = vpow2.f32 v2;
	v2 =	vadd.f32 v9, v10;
	v9 =	vld [tilespmem:s1+$0xFFFFFFF0]  }
0xc6: {  	v10 =	vld [tilespmem:s21+$0xFFFFFFF0];
	(erf) = vpow2.f32 v1  }
0xc7: {  	v16 =	vld [tilespmem:s21+$0x0];
	v18 =	vadd.f32 v6, v4;
	v13 =	vmul.f32 $2.000000030e-01, v2  }
0xc8: {  	v17 =	vld [tilespmem:s1+$0x30]  }
0xc9: {  	v19 =	vld [tilespmem:s21+$0x10];
	v3 =	vpop (erf);
	v21 =	vmul.f32 $2.000000030e-01, v18;
	v13 =	vmax.f32 v2, v13  }
0xca: {  	v20 =	vld [tilespmem:s1+$0x50];
	v5 =	vpop (erf);
	v12 =	vadd.f32 v12, v7;
	v13 =	vmul.f32 $1.442695020e+00, v13  }
0xcb: {  	v22 =	vld [tilespmem:s1+$0xFFFFFF90];
	v11 =	vmul.f32 v8, v11;
	v1 =	vpop (erf);
	v9 =	vadd.f32 v10, v9;
	v8 =	vmax.f32 v18, v21  }
0xcc: {  	v15 =	vld [tilespmem:s21+$0xFFFFFFC0];
	v16 =	vadd.f32 v16, v14;
	v2 =	vpop (erf);
	v8 =	vmul.f32 $1.442695020e+00, v8;
	(erf) = vpow2.f32 v13  }
0xcd: {  	[tilespmem:s31+$0xFFFFFFB0] =	vst v3;
	v10 =	vld [tilespmem:s21+$0x20];
	v4 =	vpop (erf);
	v13 =	vmul.f32 $2.000000030e-01, v12;
	v18 =	vmul.f32 $2.000000030e-01, v9  }
0xce: {  	v19 =	vadd.f32 v19, v17;
	v21 =	vmul.f32 $2.000000030e-01, v16;
	[tilespmem:s31+$0xFFFFFFF0] =	vst v1;
	v6 =	vpop (erf)  }
0xcf: {  	[tilespmem:s31+$0xFFFFFFD0] =	vst v5;
	(erf) = vpow2.f32 v8;
	v8 =	vld [tilespmem:s0+$0xFFFFFFE0];
	v12 =	vmax.f32 v12, v13;
	v9 =	vmax.f32 v9, v18;
	v7 =	vpop (erf)  }
0xd0: {  	v13 =	vld [tilespmem:s0+$0xFFFFFFC0];
	v24 =	vmul.f32 $1.442695020e+00, v9;
	v9 =	vmax.f32 v16, v21;
	v21 =	vmul.f32 $2.000000030e-01, v19;
	[tilespmem:s31+$0xFFFFFF90] =	vst v7  }
0xd1: {  	[tilespmem:s31+$0x60] =	vst v11;
	v23 =	vmul.f32 $1.442695020e+00, v12;
	v14 =	vld [tilespmem:s0+$0xFFFFFF80]  }
0xd2: {  	[tilespmem:s31+$0x30] =	vst v4;
	v12 =	vld [tilespmem:s0+$0xFFFFFFA0];
	v17 =	vadd.f32 v10, v20;
	v16 =	vadd.f32 v15, v22;
	v15 =	vmax.f32 v19, v21  }
0xd3: {  	[tilespmem:s31+$0x10] =	vst v2;
	v10 =	vld [tilespmem:s0+$0x20];
	v18 =	vmul.f32 $1.442695020e+00, v9;
	(erf) = vpow2.f32 v23  }
0xd4: {  	s7 =	simm.s32 $0x6C80;
	[tilespmem:s31+$0x50] =	vst v6;
	v9 =	vld [tilespmem:s0+$0x0];
	v21 =	vmul.f32 $2.000000030e-01, v17;
	(erf) = vpow2.f32 v24  }
0xd5: {  	s17 =	simm.s32 $0x8;
	v11 =	vld [tilespmem:s0+$0x40];
	v20 =	vmul.f32 $2.000000030e-01, v16;
	s0 =	simm.s32 $0x9380;
	v19 =	vmul.f32 $1.442695020e+00, v15;
	v15 =	vpop (erf)  }
.LBB2_7:
0xd6: {  	v22 =	vld [tilespmem:s7+$0x70];
	v17 =	vmax.f32 v17, v21;
	[tilespmem:s0+$0x70] =	vst v15;
	(erf) = vpow2.f32 v18;
	v7 =	vmul.f32 v7, v14  }
0xd7: {  	s21 =	sadd.s32 $0x80, s21;
	v14 =	vmax.f32 v16, v20;
	v16 =	vmul.f32 $1.442695020e+00, v17;
	v17 =	vld [tilespmem:s1+$0x60];
	(erf) = vpow2.f32 v19  }
0xd8: {  	s17 =	sadd.s32 $0x8, s17;
	v18 =	vld [tilespmem:s21+$0x30];
	v14 =	vmul.f32 $1.442695020e+00, v14;
	[tilespmem:s31+$0xFFFFFF80] =	vst v7;
	v7 =	vmul.f32 v3, v12  }
0xd9: {  	p0 =	slt.u32 s17, $0x78;
	v12 =	vmul.f32 v5, v13;
	v19 =	vld [tilespmem:s21+$0xFFFFFFC0];
	(erf) = vpow2.f32 v16  }
0xda: {  	v13 =	vld [tilespmem:s7+$0xFFFFFFB0];
	(erf) = vpow2.f32 v14;
	v3 =	vpop (erf);
	[tilespmem:s31+$0xFFFFFFA0] =	vst v7;
	v7 =	vmul.f32 v1, v8  }
0xdb: {  	v9 =	vmul.f32 v2, v9;
	v10 =	vmul.f32 v4, v10;
	v8 =	vld [tilespmem:s21+$0xFFFFFFD0];
	[tilespmem:s0+$0xFFFFFFB0] =	vst v3  }
0xdc: {  	v11 =	vmul.f32 v6, v11;
	v14 =	vld [tilespmem:s7+$0xFFFFFFD0];
	v4 =	vmul.f32 v15, v17;
	v5 =	vpop (erf);
	[tilespmem:s31+$0xFFFFFFC0] =	vst v12  }
0xdd: {  	v6 =	vld [tilespmem:s21+$0xFFFFFFE0];
	v12 =	vadd.f32 v18, v22;
	[tilespmem:s0+$0xFFFFFFD0] =	vst v5;
	v1 =	vpop (erf)  }
0xde: {  	v15 =	vld [tilespmem:s7+$0xFFFFFFF0];
	[tilespmem:s0+$0x60] =	vst v4  }
0xdf: {  	v16 =	vld [tilespmem:s21+$0xFFFFFFF0];
	v17 =	vmul.f32 $2.000000030e-01, v12;
	[tilespmem:s0+$0xFFFFFFF0] =	vst v1;
	v2 =	vpop (erf)  }
0xe0: {  	v8 =	vadd.f32 v8, v13;
	v13 =	vld [tilespmem:s7+$0x10];
	[tilespmem:s0+$0x10] =	vst v2;
	v4 =	vpop (erf)  }
0xe1: {  	v18 =	vld [tilespmem:s21+$0x0];
	v12 =	vmax.f32 v12, v17;
	[tilespmem:s0+$0x30] =	vst v4  }
0xe2: {  	v17 =	vmul.f32 $2.000000030e-01, v8;
	v14 =	vadd.f32 v6, v14;
	v20 =	vld [tilespmem:s7+$0x30];
	v12 =	vmul.f32 $1.442695020e+00, v12;
	v6 =	vpop (erf);
	[tilespmem:s31+$0xFFFFFFE0] =	vst v7  }
0xe3: {  	v21 =	vld [tilespmem:s21+$0x10];
	[tilespmem:s0+$0x50] =	vst v6;
	v7 =	vpop (erf)  }
0xe4: {  	v22 =	vmul.f32 $2.000000030e-01, v14;
	v15 =	vadd.f32 v16, v15;
	v16 =	vld [tilespmem:s7+$0x50];
	(erf) = vpow2.f32 v12;
	[tilespmem:s0+$0xFFFFFF90] =	vst v7  }
0xe5: {  	v8 =	vmax.f32 v8, v17;
	v17 =	vld [tilespmem:s21+$0x20];
	[tilespmem:s31+$0x0] =	vst v9  }
0xe6: {  	v9 =	vld [tilespmem:s7+$0xFFFFFF90];
	v12 =	vmax.f32 v14, v22;
	v22 =	vmul.f32 $2.000000030e-01, v15;
	v18 =	vadd.f32 v18, v13;
	[tilespmem:s31+$0x20] =	vst v10  }
0xe7: {  	v8 =	vmul.f32 $1.442695020e+00, v8;
	v10 =	vmul.f32 $1.442695020e+00, v12;
	v14 =	vld [tilespmem:s1+$0xFFFFFF80];
	[tilespmem:s31+$0x40] =	vst v11;
	s31 =	smov.u32 s0  }
0xe8: {  	v11 =	vmax.f32 v15, v22;
	v15 =	vmul.f32 $2.000000030e-01, v18;
	v20 =	vadd.f32 v21, v20;
	v12 =	vld [tilespmem:s1+$0xFFFFFFA0]  }
.Ltmp2:
0xe9: {  	v11 =	vmul.f32 $1.442695020e+00, v11;
	(erf) = vpow2.f32 v8;
	v13 =	vld [tilespmem:s1+$0xFFFFFFC0];
	(pc) =	sbr.rel @p0 .LBB2_7-.Ltmp2, $4  }
0xea: {  	v15 =	vmax.f32 v18, v15;
	v21 =	vmul.f32 $2.000000030e-01, v20;
	v17 =	vadd.f32 v17, v16;
	v8 =	vld [tilespmem:s1+$0xFFFFFFE0]  }
0xeb: {  	v16 =	vadd.f32 v19, v9;
	v18 =	vmul.f32 $1.442695020e+00, v15;
	(erf) = vpow2.f32 v10;
	v9 =	vld [tilespmem:s1+$0x0]  }
0xec: {  	v22 =	vmax.f32 v20, v21;
	v21 =	vmul.f32 $2.000000030e-01, v17;
	(erf) = vpow2.f32 v11;
	v10 =	vld [tilespmem:s1+$0x20]  }
0xed: {  	s0 =	sadd.s32 $0x100, s0;
	v20 =	vmul.f32 $2.000000030e-01, v16;
	v19 =	vmul.f32 $1.442695020e+00, v22;
	v15 =	vpop (erf);
	v11 =	vld [tilespmem:s1+$0x40];
	s1 =	smov.u32 s7;
	s7 =	sadd.s32 $0x100, s7  }
0xee: {  	(erf) = vpow2.f32 v18;
	v7 =	vmul.f32 v7, v14  }
0xef: {  	v17 =	vmax.f32 v17, v21;
	[tilespmem:s0+$0x70] =	vst v15;
	v3 =	vmul.f32 v3, v12;
	v5 =	vmul.f32 v5, v13  }
0xf0: {  	v16 =	vmax.f32 v16, v20;
	v17 =	vmul.f32 $1.442695020e+00, v17;
	(erf) = vpow2.f32 v19;
	[tilespmem:s31+$0xFFFFFF80] =	vst v7  }
0xf1: {  	v1 =	vmul.f32 v1, v8;
	v16 =	vmul.f32 $1.442695020e+00, v16;
	[tilespmem:s31+$0xFFFFFFA0] =	vst v3  }
0xf2: {  	[tilespmem:s31+$0xFFFFFFC0] =	vst v5;
	v2 =	vmul.f32 v2, v9;
	(erf) = vpow2.f32 v17  }
0xf3: {  	[tilespmem:s31+$0xFFFFFFE0] =	vst v1;
	(erf) = vpow2.f32 v16  }
0xf4: {  	v4 =	vmul.f32 v4, v10;
	v52 =	vpop (erf);
	[tilespmem:s31+$0x0] =	vst v2  }
0xf5: {  	v6 =	vmul.f32 v6, v11;
	[tilespmem:s0+$0xFFFFFFB0] =	vst v52  }
0xf6: {  	[tilespmem:s31+$0x20] =	vst v4  }
0xf7: {  	v51 =	vld [tilespmem:s1+$0x60];
	v3 =	vpop (erf);
	[tilespmem:s31+$0x40] =	vst v6  }
0xf8: {  	v60 =	vld [tilespmem:s1+$0xFFFFFFA0];
	v53 =	vpop (erf);
	[tilespmem:s0+$0xFFFFFFD0] =	vst v3  }
0xf9: {  	[tilespmem:s0+$0xFFFFFFF0] =	vst v53;
	v1 =	vld [tilespmem:s1+$0xFFFFFFC0];
	v55 =	vpop (erf)  }
0xfa: {  	v61 =	vld [tilespmem:s1+$0xFFFFFFE0];
	v56 =	vpop (erf);
	[tilespmem:s0+$0x10] =	vst v55  }
0xfb: {  	[tilespmem:s0+$0x30] =	vst v56;
	v2 =	vld [tilespmem:s1+$0x0];
	v57 =	vpop (erf)  }
0xfc: {  	v54 =	vmul.f32 v15, v51;
	v62 =	vld [tilespmem:s1+$0x20];
	v58 =	vpop (erf);
	[tilespmem:s0+$0x50] =	vst v57  }
0xfd: {  	v7 =	vmul.f32 v52, v60;
	[tilespmem:s0+$0xFFFFFF90] =	vst v58;
	v63 =	vld [tilespmem:s1+$0x40]  }
0xfe: {  	[tilespmem:s0+$0x60] =	vst v54;
	v1 =	vmul.f32 v3, v1;
	v59 =	vld [tilespmem:s1+$0xFFFFFF80]  }
0xff: {  	[tilespmem:s0+$0xFFFFFFA0] =	vst v7;
	v3 =	vmul.f32 v53, v61  }
0x100: {  	[tilespmem:s0+$0xFFFFFFC0] =	vst v1;
	v2 =	vmul.f32 v55, v2  }
0x101: {  	[tilespmem:s0+$0xFFFFFFE0] =	vst v3;
	v1 =	vmul.f32 v56, v62  }
0x102: {  	[tilespmem:s0+$0x0] =	vst v2;
	v3 =	vmul.f32 v57, v63  }
0x103: {  	[tilespmem:s0+$0x20] =	vst v1;
	v8 =	vmul.f32 v58, v59  }
0x104: {  	[tilespmem:s0+$0x40] =	vst v3  }
0x105: {  	s21 =	sadd.s32 $0x2980, s30;
	s28 =	sadd.s32 $0x1, s28;
	[tilespmem:s0+$0xFFFFFF80] =	vst v8  }
0x106: {  	[spmem:s3] =	stream.indirect.scatter.add.f32 [tilespmem:s26], [sflag:$0x3], $0x20, s21, s18, $0xb8;
	[tilespmem:$0xF100] =	vst v63  }
0x107: {  	s30 =	smin.u32 s29, $0x4E;
	p0 =	sne.s32 s28, $0x29;
	_ =	swait.ge [sflag:s16], $0x1000  }
.Ltmp3:
0x108: {  	s0 =	sshll.u32 s30, $0x7;
	[sflag:s16] =	ssyncset.done $0x0;
	(pc) =	sbr.rel @p0 .LBB2_4-.Ltmp3, $4  }
0x109: {  	s31 =	sadd.s32 $0x180, s0;
	[sflag:s16] =	ssyncadd.s32 $0xFFFFF000  }
0x10a: {  	[tilespmem:s20], [sflag:$0x2] =	stream.indirect.gather [hbm4b:s5+s18], $0x20, s31, s18, $0xb8;
	[tilespmem:$0xF100] =	vst v63  }
0x10b: {  	s0 =	sadd.s32 $0x2A80, s0  }
0x10c: {  	[tilespmem:s22], [sflag:$0x2] =	stream.indirect.gather [hbm4b:s2+s18], $0x10, s0, s18, $0xb8;
	[tilespmem:$0xF100] =	vst v63  }
0x10d: {  	_ =	swait.ge [sflag:s23], $0x1000  }
0x10e: {  	[sflag:s23] =	ssyncset.done $0x0  }
0x10f: {  	[sflag:s23] =	ssyncadd.s32 $0xFFFFF000  }
0x110: {  	_ =	swait.ge [sflag:s23], $0x800  }
0x111: {  	[sflag:s23] =	ssyncset.done $0x0  }
0x112: {  	[sflag:s23] =	ssyncadd.s32 $0xFFFFF800  }
0x113: {  	_ =	swait.ge [sflag:s25], $0x1000  }
0x114: {  	[sflag:s25] =	ssyncset.done $0x0  }
0x115: {  	[sflag:s25] =	ssyncadd.s32 $0xFFFFF000  }
0x116: {  	s0 =	stileid.u32;
	_ =	swait.ge [sflag:s25], $0x800  }
0x117: {  	s1 =	sshrl.u32 s6, $0x3;
	s4 =	sadd.s32 $0x1, s4;
	[sflag:s25] =	ssyncset.done $0x0  }
0x118: {  	s0 =	sshll.u32 s0, $0x6;
	p0 =	sne.s32 s4, s14;
	[sflag:s25] =	ssyncadd.s32 $0xFFFFF800  }
.Ltmp4:
0x119: {  	s0 =	sor.u32 $0x1C03, s0;
	[bflag:$0x0] =	sbarrier.arrive $0xFFFF;
	(pc) =	sbr.rel @p0 .LBB2_1-.Ltmp4, $4  }
0x11a: {  	[hbm:s13], [sflag:s0] =	dma.local [spmem:s1], $0x9E0  }
0x11b: {  	_ =	swait.ge [sflag:s16], $0x9E0  }
0x11c: {  	[sflag:s16] =	ssyncset.done $0x0  }
0x11d: {  	[sflag:s16] =	ssyncadd.s32 $0xFFFFF620  }
0x11e: {  	_ =	sfence.sel $0x180000  }
0x11f: {  	[bflag:$0x0] =	sbarrier.arrive $0xFFFF  }
0x120: {  	_ =	strace $0x9000004A  }
0x121: {  	s0 =	stileid.u32;
	[bflag:$0x2] =	sbarrier.arrive $0xFFFF  }
0x122: {  	p0 =	sne.s32 s0, $0x0;
	s0 =	rddreg [dreg:$0x3]  }
0x123: {  	s0 =	sadd.s32 @!p0 $0x100000, s0  }
0x124: {  	[sflag:s0] =	ssyncadd.tile.s32 @!p0 $0x1;
	_ =	shalt  }
.Lfunc_end2:
_tile_overlayer_lowered:
.L_overlay_start_2:
0x125: {  	(tag) =	ssettag $0x2  }
0x126: {  	s0 =	rddreg [dreg:$0x0];
	s2 =	stileid.u32  }
0x127: {  	s1 =	rddreg [dreg:$0x1];
	p0 =	sne.s32 s2, $0x0  }
0x128: {  	s3 =	rddreg [dreg:$0x2];
	[bflag:$0x3] =	sbarrier.arrive $0xFFFF;
	s2 =	simm.s32 @!p0 $0x1C03  }
0x129: {  	[timem:s3], [sflag:s2] =	dma.local @!p0 [hbm:s0], s1  }
0x12a: {  	s0 =	simm.s32 @!p0 $0x3  }
0x12b: {  	_ =	swait.ge @!p0 [sflag:s0], s1  }
0x12c: {  	s1 =	ssub.s32 @!p0 $0x0, s1;
	[sflag:s0] =	ssyncset.done @!p0 $0x0  }
0x12d: {  	[sflag:s0] =	ssyncadd.s32 @!p0 s1  }
0x12e: {  	[bflag:$0x3] =	sbarrier.arrive $0xFFFF  }
0x12f: {  	_ =	shalt  }

</sc_bundles>
